<compile_context>
chip_gen: v7x
topology: tpu7x:2x2x1
jax: 0.10.2.dev20260603
libtpu: 0.0.44.dev20260713+nightly
codegen_flags: <defaults>
</compile_context>

<pallas_src>
import functools

import jax
import jax.numpy as jnp
from jax import lax
from jax.experimental import pallas as pl
from jax.experimental.pallas import tpu as pltpu
from jax.experimental.pallas import tpu_sc as plsc

EMBED_DIM = 64
NUM_WORKERS = 32
RTILE = 128
NBUF = 2
RETILE_BLK = 2048


def _retile_body(wt_ref, out_ref):
    eye = jnp.eye(EMBED_DIM, dtype=jnp.float32)
    out_ref[:, : EMBED_DIM] = jax.lax.dot_general(
        wt_ref[...], eye, (((0,), (0,)), ((), ())),
        preferred_element_type=jnp.float32)


def _retile(wt):
    n_rows = wt.shape[1]
    grid = (n_rows + RETILE_BLK - 1) // RETILE_BLK
    return pl.pallas_call(
        _retile_body,
        grid=(grid,),
        in_specs=[pl.BlockSpec((EMBED_DIM, RETILE_BLK), lambda i: (0, i))],
        out_specs=pl.BlockSpec((RETILE_BLK, 2 * EMBED_DIM), lambda i: (i, 0)),
        out_shape=jax.ShapeDtypeStruct((n_rows, 2 * EMBED_DIM), jnp.float32),
    )(wt)


@functools.partial(jax.jit, static_argnames=("seq_len",))
def _gather(weight, idx, seq_len):
    n_ctiles = EMBED_DIM // 8
    mesh = plsc.VectorSubcoreMesh(core_axis_name="c", subcore_axis_name="s")

    @functools.partial(
        pl.kernel,
        mesh=mesh,
        out_type=jax.ShapeDtypeStruct(
            (seq_len, n_ctiles, NUM_WORKERS, 8, RTILE), jnp.float32),
        scratch_types=[
            pltpu.VMEM((seq_len, RTILE), jnp.int32),
            [pltpu.VMEM((RTILE, EMBED_DIM), jnp.float32)
             for _ in range(NBUF)],
            [pltpu.VMEM((EMBED_DIM, RTILE), jnp.float32)
             for _ in range(NBUF)],
            [pltpu.SemaphoreType.DMA for _ in range(NBUF)],
            [pltpu.SemaphoreType.DMA for _ in range(NBUF)],
        ],
        compiler_params=pltpu.CompilerParams(
            use_tc_tiling_on_sc=False, needs_layout_passes=False),
    )
    def body(weight_hbm, idx_hbm, out_hbm, idx_v, gbuf, tbuf, gsems, wsems):
        wid = lax.axis_index("s") * 2 + lax.axis_index("c")
        pltpu.sync_copy(idx_hbm.at[wid], idx_v)
        lane = lax.iota(jnp.int32, 16)

        def gather_copy(s, b):
            return pltpu.make_async_copy(
                weight_hbm.at[idx_v.at[s]], gbuf[b], gsems[b])

        def write_copies(s, b):
            return [
                pltpu.make_async_copy(
                    tbuf[b].at[pl.ds(ct * 8, 8)],
                    out_hbm.at[s, ct, wid],
                    wsems[b])
                for ct in range(n_ctiles)
            ]

        n_cblk = EMBED_DIM // 16

        def transpose(b):
            g, t = gbuf[b], tbuf[b]

            @plsc.parallel_loop(0, (RTILE // 16) * n_cblk, 1, unroll=2)
            def blk(q):
                r0 = (q // n_cblk) * 16
                c0 = lax.rem(q, n_cblk) * 16
                rows = r0 + lane
                for d in range(16):
                    cols = c0 + ((lane + d) & 15)
                    v = plsc.load_gather(g, [rows, cols])
                    plsc.store_scatter(t, [cols, rows], v)

        gather_copy(0, 0).start()

        def pair(s2, carry):
            for b in range(NBUF):
                s = s2 * NBUF + b

                @pl.when(s + 1 < seq_len)
                def _():
                    gather_copy(s + 1, (b + 1) % NBUF).start()

                gather_copy(s, b).wait()

                @pl.when(s >= NBUF)
                def _():
                    for w in write_copies(s - NBUF, b):
                        w.wait()

                transpose(b)
                for w in write_copies(s, b):
                    w.start()
            return carry

        lax.fori_loop(0, seq_len // NBUF, pair, 0)

        for b in range(NBUF):
            for w in write_copies(seq_len - NBUF + b, b):
                w.wait()

    return body(weight, idx)


def kernel(x, weight):
    n_x_rows, seq_len = x.shape
    n_table_rows = weight.shape[0]
    table = _retile(weight.T).reshape(2 * n_table_rows, EMBED_DIM)
    idx = ((x.astype(jnp.int32) * 2)
           .reshape(NUM_WORKERS, RTILE, seq_len)
           .transpose(0, 2, 1))
    out5 = _gather(table, idx, seq_len)
    return (out5.transpose(2, 4, 0, 1, 3)
            .reshape(n_x_rows, seq_len, EMBED_DIM))

# --- scband reference (transcript-rebuilt; emitter-appended) ---
"""Pipeline reference for scband-world-model-base-28338194219415 (READ-ONLY COPY).

The authoritative reference and input builder live on the scoring server;
editing this copy changes nothing except your own understanding.
"""

import jax, jax.numpy as jnp
import numpy as np

NUM_EMBEDDINGS = 100000
EMBED_DIM = 64

def setup_inputs(seed: int = 0) -> dict:
    key = jax.random.key(seed)
    k1, k2 = jax.random.split(key)
    x = jax.random.randint(k1, (4096, 50), 0, NUM_EMBEDDINGS, dtype=jnp.int64 if jax.config.jax_enable_x64 else jnp.int32)
    weight = jax.random.normal(k2, (NUM_EMBEDDINGS, EMBED_DIM), dtype=jnp.float32)
    return {"x": x, "weight": weight}

def reference(x, weight):
    # Faithful translation of WorldModelBase._select:
    #   out = embed.weight.index_select(0, x.reshape(-1))
    #   return out.reshape(x.shape + (-1,))
    flat_idx = x.reshape(-1)
    out = jnp.take(weight, flat_idx, axis=0)
    return out.reshape(x.shape + (EMBED_DIM,))

if __name__ == "__main__":
    import jax
    _d = setup_inputs()
    print(jax.jit(kernel)(*tuple(_d.values())))

</pallas_src>

<mosaic_0001>
#map = affine_map<(d0, d1) -> (0, 0)>
#map1 = affine_map<(d0, d1) -> (0, 0, 0)>
#map2 = affine_map<(d0, d1) -> (0, 0, 0, 0, 0)>
module attributes {stable_mosaic.version = 14 : i64} {
  func.func @body(%arg0: i32, %arg1: i32, %arg2: memref<200000x64xf32, #tpu.memory_space<hbm>>, %arg3: memref<32x50x128xi32, #tpu.memory_space<hbm>>, %arg4: memref<50x8x32x8x128xf32, #tpu.memory_space<hbm>>, %arg5: memref<50x128xi32, #tpu.memory_space<vmem>>, %arg6: memref<128x64xf32, #tpu.memory_space<vmem>>, %arg7: memref<128x64xf32, #tpu.memory_space<vmem>>, %arg8: memref<64x128xf32, #tpu.memory_space<vmem>>, %arg9: memref<64x128xf32, #tpu.memory_space<vmem>>, %arg10: memref<!tpu.dma_semaphore, #tpu.memory_space<semaphore_mem>>, %arg11: memref<!tpu.dma_semaphore, #tpu.memory_space<semaphore_mem>>, %arg12: memref<!tpu.dma_semaphore, #tpu.memory_space<semaphore_mem>>, %arg13: memref<!tpu.dma_semaphore, #tpu.memory_space<semaphore_mem>>) attributes {dimension_semantics = [#tpu.dimension_semantics<core_parallel>, #tpu.dimension_semantics<subcore_parallel>], iteration_bounds = array<i64: 2, 16>, scalar_prefetch = 0 : i64, scratch_operands = 9 : i64, tpu.core_type = #tpu.core_type<sc_vector_subcore>, window_params = [{transform_indices = #map}, {transform_indices = #map1}, {transform_indices = #map2}]} {
    %mul3A = arith.constant 2 : i32
    %mul3A_0 = arith.muli %arg1, %mul3A : i32
    %add3A = arith.addi %mul3A_0, %arg0 : i32
    "tpu.region"() ({
      %run_scoped3A = tpu.sem_alloc : memref<!tpu.dma_semaphore, #tpu.memory_space<semaphore_mem>>
      %dma_start3A_267 = arith.constant 0 : i32
      %dma_start3A_268 = arith.constant 0 : i32
      %dma_start3A_269 = tpu.memref_slice %arg3[%add3A, %dma_start3A_267, %dma_start3A_268] : memref<32x50x128xi32, #tpu.memory_space<hbm>> -> memref<1x50x128xi32, #tpu.memory_space<hbm>>
      %dma_start3A_270 = tpu.memref_squeeze %dma_start3A_269 : memref<1x50x128xi32, #tpu.memory_space<hbm>> -> memref<50x128xi32, #tpu.memory_space<hbm>>
      %dma_start3A_271 = arith.constant 0 : i32
      %dma_start3A_272 = arith.constant 0 : i32
      %dma_start3A_273 = tpu.memref_slice %arg3[%add3A, %dma_start3A_271, %dma_start3A_272] : memref<32x50x128xi32, #tpu.memory_space<hbm>> -> memref<1x50x128xi32, #tpu.memory_space<hbm>>
      %dma_start3A_274 = tpu.memref_squeeze %dma_start3A_273 : memref<1x50x128xi32, #tpu.memory_space<hbm>> -> memref<50x128xi32, #tpu.memory_space<hbm>>
      tpu.enqueue_dma source(%dma_start3A_274 : memref<50x128xi32, #tpu.memory_space<hbm>>) target(%arg5 : memref<50x128xi32, #tpu.memory_space<vmem>>) target_semaphore(%run_scoped3A : memref<!tpu.dma_semaphore, #tpu.memory_space<semaphore_mem>>)
      %dma_wait3A_275 = arith.constant 0 : i32
      %dma_wait3A_276 = arith.constant 0 : i32
      %dma_wait3A_277 = tpu.memref_slice %arg3[%add3A, %dma_wait3A_275, %dma_wait3A_276] : memref<32x50x128xi32, #tpu.memory_space<hbm>> -> memref<1x50x128xi32, #tpu.memory_space<hbm>>
      %dma_wait3A_278 = tpu.memref_squeeze %dma_wait3A_277 : memref<1x50x128xi32, #tpu.memory_space<hbm>> -> memref<50x128xi32, #tpu.memory_space<hbm>>
      %dma_wait3A_279 = arith.constant 0 : i32
      %dma_wait3A_280 = arith.constant 0 : i32
      %dma_wait3A_281 = tpu.memref_slice %arg3[%add3A, %dma_wait3A_279, %dma_wait3A_280] : memref<32x50x128xi32, #tpu.memory_space<hbm>> -> memref<1x50x128xi32, #tpu.memory_space<hbm>>
      %dma_wait3A_282 = tpu.memref_squeeze %dma_wait3A_281 : memref<1x50x128xi32, #tpu.memory_space<hbm>> -> memref<50x128xi32, #tpu.memory_space<hbm>>
      tpu.wait_dma2 semaphore(%run_scoped3A : memref<!tpu.dma_semaphore, #tpu.memory_space<semaphore_mem>>) src(%dma_wait3A_282 : memref<50x128xi32, #tpu.memory_space<hbm>>) dst(%arg5 : memref<50x128xi32, #tpu.memory_space<vmem>>)
      tpu.yield
    }) : () -> ()
    %iota3A = tpu.iota {dimensions = array<i32: 0>} : vector<16xi32>
    %dma_start3A = arith.constant 0 : i32
    %dma_start3A_1 = arith.constant 0 : i32
    %dma_start3A_2 = tpu.memref_slice %arg5[%dma_start3A, %dma_start3A_1] : memref<50x128xi32, #tpu.memory_space<vmem>> -> memref<1x128xi32, #tpu.memory_space<vmem>>
    %dma_start3A_3 = tpu.memref_squeeze %dma_start3A_2 : memref<1x128xi32, #tpu.memory_space<vmem>> -> memref<128xi32, #tpu.memory_space<vmem>>
    %dma_start3A_4 = arith.constant 0 : i32
    %dma_start3A_5 = arith.constant 0 : i32
    %dma_start3A_6 = tpu.memref_slice %arg2[%dma_start3A_4, %dma_start3A_5] : memref<200000x64xf32, #tpu.memory_space<hbm>> -> memref<200000x64xf32, #tpu.memory_space<hbm>>
    tpu.enqueue_indirect_dma source(%dma_start3A_6 : memref<200000x64xf32, #tpu.memory_space<hbm>>) target(%arg6 : memref<128x64xf32, #tpu.memory_space<vmem>>) offsets(%dma_start3A_3 : memref<128xi32, #tpu.memory_space<vmem>>) semaphore(%arg10 : memref<!tpu.dma_semaphore, #tpu.memory_space<semaphore_mem>>)
    %scan3A = arith.constant 0 : i32
    %scan3A_7 = arith.constant 0 : i32
    %scan3A_8 = arith.constant 25 : i32
    %scan3A_9 = arith.addi %scan3A_7, %scan3A_8 : i32
    %scan3A_10 = arith.constant 1 : i32
    scf.for %scan3A_267 = %scan3A_7 to %scan3A_9 step %scan3A_10  : i32 {
      %mul3A_268 = arith.constant 2 : i32
      %mul3A_269 = arith.muli %scan3A_267, %mul3A_268 : i32
      %add3A_270 = arith.constant 0 : i32
      %add3A_271 = arith.addi %mul3A_269, %add3A_270 : i32
      %add3A_272 = arith.constant 1 : i32
      %add3A_273 = arith.addi %add3A_271, %add3A_272 : i32
      %lt3A = arith.constant 50 : i32
      %lt3A_274 = arith.cmpi slt, %add3A_273, %lt3A : i32
      %convert_element_type3A = arith.extui %lt3A_274 : i1 to i32
      %cond3A = arith.constant 0 : i32
      %cond3A_275 = arith.cmpi ne, %convert_element_type3A, %cond3A : i32
      scf.if %cond3A_275 {
        %add3A_553 = arith.constant 1 : i32
        %add3A_554 = arith.addi %add3A_271, %add3A_553 : i32
        %dma_start3A_555 = arith.constant 0 : i32
        %dma_start3A_556 = tpu.memref_slice %arg5[%add3A_554, %dma_start3A_555] : memref<50x128xi32, #tpu.memory_space<vmem>> -> memref<1x128xi32, #tpu.memory_space<vmem>>
        %dma_start3A_557 = tpu.memref_squeeze %dma_start3A_556 : memref<1x128xi32, #tpu.memory_space<vmem>> -> memref<128xi32, #tpu.memory_space<vmem>>
        %dma_start3A_558 = arith.constant 0 : i32
        %dma_start3A_559 = arith.constant 0 : i32
        %dma_start3A_560 = tpu.memref_slice %arg2[%dma_start3A_558, %dma_start3A_559] : memref<200000x64xf32, #tpu.memory_space<hbm>> -> memref<200000x64xf32, #tpu.memory_space<hbm>>
        tpu.enqueue_indirect_dma source(%dma_start3A_560 : memref<200000x64xf32, #tpu.memory_space<hbm>>) target(%arg7 : memref<128x64xf32, #tpu.memory_space<vmem>>) offsets(%dma_start3A_557 : memref<128xi32, #tpu.memory_space<vmem>>) semaphore(%arg11 : memref<!tpu.dma_semaphore, #tpu.memory_space<semaphore_mem>>)
      } else {
      }
      %dma_wait3A_276 = arith.constant 0 : i32
      %dma_wait3A_277 = tpu.memref_slice %arg5[%add3A_271, %dma_wait3A_276] : memref<50x128xi32, #tpu.memory_space<vmem>> -> memref<1x128xi32, #tpu.memory_space<vmem>>
      %dma_wait3A_278 = tpu.memref_squeeze %dma_wait3A_277 : memref<1x128xi32, #tpu.memory_space<vmem>> -> memref<128xi32, #tpu.memory_space<vmem>>
      %dma_wait3A_279 = arith.constant 0 : i32
      %dma_wait3A_280 = arith.constant 0 : i32
      %dma_wait3A_281 = tpu.memref_slice %arg2[%dma_wait3A_279, %dma_wait3A_280] : memref<200000x64xf32, #tpu.memory_space<hbm>> -> memref<200000x64xf32, #tpu.memory_space<hbm>>
      tpu.wait_indirect_dma semaphore(%arg10 : memref<!tpu.dma_semaphore, #tpu.memory_space<semaphore_mem>>) src(%dma_wait3A_281 : memref<200000x64xf32, #tpu.memory_space<hbm>>) dst(%arg6 : memref<128x64xf32, #tpu.memory_space<vmem>>)
      %ge3A = arith.constant 2 : i32
      %ge3A_282 = arith.cmpi sge, %add3A_271, %ge3A : i32
      %convert_element_type3A_283 = arith.extui %ge3A_282 : i1 to i32
      %cond3A_284 = arith.constant 0 : i32
      %cond3A_285 = arith.cmpi ne, %convert_element_type3A_283, %cond3A_284 : i32
      scf.if %cond3A_285 {
        %sub3A = arith.constant 2 : i32
        %sub3A_553 = arith.subi %add3A_271, %sub3A : i32
        %dma_wait3A_554 = arith.constant 0 : i32
        %dma_wait3A_555 = arith.constant 0 : i32
        %dma_wait3A_556 = arith.constant 0 : i32
        %dma_wait3A_557 = tpu.memref_slice %arg8[%dma_wait3A_555, %dma_wait3A_556] : memref<64x128xf32, #tpu.memory_space<vmem>> -> memref<8x128xf32, #tpu.memory_space<vmem>>
        %dma_wait3A_558 = arith.constant 0 : i32
        %dma_wait3A_559 = arith.constant 0 : i32
        %dma_wait3A_560 = tpu.memref_slice %arg4[%sub3A_553, %dma_wait3A_554, %add3A, %dma_wait3A_558, %dma_wait3A_559] : memref<50x8x32x8x128xf32, #tpu.memory_space<hbm>> -> memref<1x1x1x8x128xf32, #tpu.memory_space<hbm>>
        %dma_wait3A_561 = tpu.memref_squeeze %dma_wait3A_560 : memref<1x1x1x8x128xf32, #tpu.memory_space<hbm>> -> memref<8x128xf32, #tpu.memory_space<hbm>>
        %dma_wait3A_562 = arith.constant 0 : i32
        %dma_wait3A_563 = arith.constant 0 : i32
        %dma_wait3A_564 = tpu.memref_slice %arg4[%sub3A_553, %dma_wait3A_554, %add3A, %dma_wait3A_562, %dma_wait3A_563] : memref<50x8x32x8x128xf32, #tpu.memory_space<hbm>> -> memref<1x1x1x8x128xf32, #tpu.memory_space<hbm>>
        %dma_wait3A_565 = tpu.memref_squeeze %dma_wait3A_564 : memref<1x1x1x8x128xf32, #tpu.memory_space<hbm>> -> memref<8x128xf32, #tpu.memory_space<hbm>>
        %dma_wait3A_566 = arith.constant 0 : i32
        %dma_wait3A_567 = arith.constant 0 : i32
        %dma_wait3A_568 = tpu.memref_slice %arg8[%dma_wait3A_566, %dma_wait3A_567] : memref<64x128xf32, #tpu.memory_space<vmem>> -> memref<8x128xf32, #tpu.memory_space<vmem>>
        tpu.wait_dma2 semaphore(%arg12 : memref<!tpu.dma_semaphore, #tpu.memory_space<semaphore_mem>>) src(%dma_wait3A_568 : memref<8x128xf32, #tpu.memory_space<vmem>>) dst(%dma_wait3A_565 : memref<8x128xf32, #tpu.memory_space<hbm>>)
        %dma_wait3A_569 = arith.constant 1 : i32
        %dma_wait3A_570 = arith.constant 8 : i32
        %dma_wait3A_571 = arith.constant 0 : i32
        %dma_wait3A_572 = tpu.memref_slice %arg8[%dma_wait3A_570, %dma_wait3A_571] : memref<64x128xf32, #tpu.memory_space<vmem>> -> memref<8x128xf32, #tpu.memory_space<vmem>>
        %dma_wait3A_573 = arith.constant 0 : i32
        %dma_wait3A_574 = arith.constant 0 : i32
        %dma_wait3A_575 = tpu.memref_slice %arg4[%sub3A_553, %dma_wait3A_569, %add3A, %dma_wait3A_573, %dma_wait3A_574] : memref<50x8x32x8x128xf32, #tpu.memory_space<hbm>> -> memref<1x1x1x8x128xf32, #tpu.memory_space<hbm>>
        %dma_wait3A_576 = tpu.memref_squeeze %dma_wait3A_575 : memref<1x1x1x8x128xf32, #tpu.memory_space<hbm>> -> memref<8x128xf32, #tpu.memory_space<hbm>>
        %dma_wait3A_577 = arith.constant 0 : i32
        %dma_wait3A_578 = arith.constant 0 : i32
        %dma_wait3A_579 = tpu.memref_slice %arg4[%sub3A_553, %dma_wait3A_569, %add3A, %dma_wait3A_577, %dma_wait3A_578] : memref<50x8x32x8x128xf32, #tpu.memory_space<hbm>> -> memref<1x1x1x8x128xf32, #tpu.memory_space<hbm>>
        %dma_wait3A_580 = tpu.memref_squeeze %dma_wait3A_579 : memref<1x1x1x8x128xf32, #tpu.memory_space<hbm>> -> memref<8x128xf32, #tpu.memory_space<hbm>>
        %dma_wait3A_581 = arith.constant 8 : i32
        %dma_wait3A_582 = arith.constant 0 : i32
        %dma_wait3A_583 = tpu.memref_slice %arg8[%dma_wait3A_581, %dma_wait3A_582] : memref<64x128xf32, #tpu.memory_space<vmem>> -> memref<8x128xf32, #tpu.memory_space<vmem>>
        tpu.wait_dma2 semaphore(%arg12 : memref<!tpu.dma_semaphore, #tpu.memory_space<semaphore_mem>>) src(%dma_wait3A_583 : memref<8x128xf32, #tpu.memory_space<vmem>>) dst(%dma_wait3A_580 : memref<8x128xf32, #tpu.memory_space<hbm>>)
        %dma_wait3A_584 = arith.constant 2 : i32
        %dma_wait3A_585 = arith.constant 16 : i32
        %dma_wait3A_586 = arith.constant 0 : i32
        %dma_wait3A_587 = tpu.memref_slice %arg8[%dma_wait3A_585, %dma_wait3A_586] : memref<64x128xf32, #tpu.memory_space<vmem>> -> memref<8x128xf32, #tpu.memory_space<vmem>>
        %dma_wait3A_588 = arith.constant 0 : i32
        %dma_wait3A_589 = arith.constant 0 : i32
        %dma_wait3A_590 = tpu.memref_slice %arg4[%sub3A_553, %dma_wait3A_584, %add3A, %dma_wait3A_588, %dma_wait3A_589] : memref<50x8x32x8x128xf32, #tpu.memory_space<hbm>> -> memref<1x1x1x8x128xf32, #tpu.memory_space<hbm>>
        %dma_wait3A_591 = tpu.memref_squeeze %dma_wait3A_590 : memref<1x1x1x8x128xf32, #tpu.memory_space<hbm>> -> memref<8x128xf32, #tpu.memory_space<hbm>>
        %dma_wait3A_592 = arith.constant 0 : i32
        %dma_wait3A_593 = arith.constant 0 : i32
        %dma_wait3A_594 = tpu.memref_slice %arg4[%sub3A_553, %dma_wait3A_584, %add3A, %dma_wait3A_592, %dma_wait3A_593] : memref<50x8x32x8x128xf32, #tpu.memory_space<hbm>> -> memref<1x1x1x8x128xf32, #tpu.memory_space<hbm>>
        %dma_wait3A_595 = tpu.memref_squeeze %dma_wait3A_594 : memref<1x1x1x8x128xf32, #tpu.memory_space<hbm>> -> memref<8x128xf32, #tpu.memory_space<hbm>>
        %dma_wait3A_596 = arith.constant 16 : i32
        %dma_wait3A_597 = arith.constant 0 : i32
        %dma_wait3A_598 = tpu.memref_slice %arg8[%dma_wait3A_596, %dma_wait3A_597] : memref<64x128xf32, #tpu.memory_space<vmem>> -> memref<8x128xf32, #tpu.memory_space<vmem>>
        tpu.wait_dma2 semaphore(%arg12 : memref<!tpu.dma_semaphore, #tpu.memory_space<semaphore_mem>>) src(%dma_wait3A_598 : memref<8x128xf32, #tpu.memory_space<vmem>>) dst(%dma_wait3A_595 : memref<8x128xf32, #tpu.memory_space<hbm>>)
        %dma_wait3A_599 = arith.constant 3 : i32
        %dma_wait3A_600 = arith.constant 24 : i32
        %dma_wait3A_601 = arith.constant 0 : i32
        %dma_wait3A_602 = tpu.memref_slice %arg8[%dma_wait3A_600, %dma_wait3A_601] : memref<64x128xf32, #tpu.memory_space<vmem>> -> memref<8x128xf32, #tpu.memory_space<vmem>>
        %dma_wait3A_603 = arith.constant 0 : i32
        %dma_wait3A_604 = arith.constant 0 : i32
        %dma_wait3A_605 = tpu.memref_slice %arg4[%sub3A_553, %dma_wait3A_599, %add3A, %dma_wait3A_603, %dma_wait3A_604] : memref<50x8x32x8x128xf32, #tpu.memory_space<hbm>> -> memref<1x1x1x8x128xf32, #tpu.memory_space<hbm>>
        %dma_wait3A_606 = tpu.memref_squeeze %dma_wait3A_605 : memref<1x1x1x8x128xf32, #tpu.memory_space<hbm>> -> memref<8x128xf32, #tpu.memory_space<hbm>>
        %dma_wait3A_607 = arith.constant 0 : i32
        %dma_wait3A_608 = arith.constant 0 : i32
        %dma_wait3A_609 = tpu.memref_slice %arg4[%sub3A_553, %dma_wait3A_599, %add3A, %dma_wait3A_607, %dma_wait3A_608] : memref<50x8x32x8x128xf32, #tpu.memory_space<hbm>> -> memref<1x1x1x8x128xf32, #tpu.memory_space<hbm>>
        %dma_wait3A_610 = tpu.memref_squeeze %dma_wait3A_609 : memref<1x1x1x8x128xf32, #tpu.memory_space<hbm>> -> memref<8x128xf32, #tpu.memory_space<hbm>>
        %dma_wait3A_611 = arith.constant 24 : i32
        %dma_wait3A_612 = arith.constant 0 : i32
        %dma_wait3A_613 = tpu.memref_slice %arg8[%dma_wait3A_611, %dma_wait3A_612] : memref<64x128xf32, #tpu.memory_space<vmem>> -> memref<8x128xf32, #tpu.memory_space<vmem>>
        tpu.wait_dma2 semaphore(%arg12 : memref<!tpu.dma_semaphore, #tpu.memory_space<semaphore_mem>>) src(%dma_wait3A_613 : memref<8x128xf32, #tpu.memory_space<vmem>>) dst(%dma_wait3A_610 : memref<8x128xf32, #tpu.memory_space<hbm>>)
        %dma_wait3A_614 = arith.constant 4 : i32
        %dma_wait3A_615 = arith.constant 32 : i32
        %dma_wait3A_616 = arith.constant 0 : i32
        %dma_wait3A_617 = tpu.memref_slice %arg8[%dma_wait3A_615, %dma_wait3A_616] : memref<64x128xf32, #tpu.memory_space<vmem>> -> memref<8x128xf32, #tpu.memory_space<vmem>>
        %dma_wait3A_618 = arith.constant 0 : i32
        %dma_wait3A_619 = arith.constant 0 : i32
        %dma_wait3A_620 = tpu.memref_slice %arg4[%sub3A_553, %dma_wait3A_614, %add3A, %dma_wait3A_618, %dma_wait3A_619] : memref<50x8x32x8x128xf32, #tpu.memory_space<hbm>> -> memref<1x1x1x8x128xf32, #tpu.memory_space<hbm>>
        %dma_wait3A_621 = tpu.memref_squeeze %dma_wait3A_620 : memref<1x1x1x8x128xf32, #tpu.memory_space<hbm>> -> memref<8x128xf32, #tpu.memory_space<hbm>>
        %dma_wait3A_622 = arith.constant 0 : i32
        %dma_wait3A_623 = arith.constant 0 : i32
        %dma_wait3A_624 = tpu.memref_slice %arg4[%sub3A_553, %dma_wait3A_614, %add3A, %dma_wait3A_622, %dma_wait3A_623] : memref<50x8x32x8x128xf32, #tpu.memory_space<hbm>> -> memref<1x1x1x8x128xf32, #tpu.memory_space<hbm>>
        %dma_wait3A_625 = tpu.memref_squeeze %dma_wait3A_624 : memref<1x1x1x8x128xf32, #tpu.memory_space<hbm>> -> memref<8x128xf32, #tpu.memory_space<hbm>>
        %dma_wait3A_626 = arith.constant 32 : i32
        %dma_wait3A_627 = arith.constant 0 : i32
        %dma_wait3A_628 = tpu.memref_slice %arg8[%dma_wait3A_626, %dma_wait3A_627] : memref<64x128xf32, #tpu.memory_space<vmem>> -> memref<8x128xf32, #tpu.memory_space<vmem>>
        tpu.wait_dma2 semaphore(%arg12 : memref<!tpu.dma_semaphore, #tpu.memory_space<semaphore_mem>>) src(%dma_wait3A_628 : memref<8x128xf32, #tpu.memory_space<vmem>>) dst(%dma_wait3A_625 : memref<8x128xf32, #tpu.memory_space<hbm>>)
        %dma_wait3A_629 = arith.constant 5 : i32
        %dma_wait3A_630 = arith.constant 40 : i32
        %dma_wait3A_631 = arith.constant 0 : i32
        %dma_wait3A_632 = tpu.memref_slice %arg8[%dma_wait3A_630, %dma_wait3A_631] : memref<64x128xf32, #tpu.memory_space<vmem>> -> memref<8x128xf32, #tpu.memory_space<vmem>>
        %dma_wait3A_633 = arith.constant 0 : i32
        %dma_wait3A_634 = arith.constant 0 : i32
        %dma_wait3A_635 = tpu.memref_slice %arg4[%sub3A_553, %dma_wait3A_629, %add3A, %dma_wait3A_633, %dma_wait3A_634] : memref<50x8x32x8x128xf32, #tpu.memory_space<hbm>> -> memref<1x1x1x8x128xf32, #tpu.memory_space<hbm>>
        %dma_wait3A_636 = tpu.memref_squeeze %dma_wait3A_635 : memref<1x1x1x8x128xf32, #tpu.memory_space<hbm>> -> memref<8x128xf32, #tpu.memory_space<hbm>>
        %dma_wait3A_637 = arith.constant 0 : i32
        %dma_wait3A_638 = arith.constant 0 : i32
        %dma_wait3A_639 = tpu.memref_slice %arg4[%sub3A_553, %dma_wait3A_629, %add3A, %dma_wait3A_637, %dma_wait3A_638] : memref<50x8x32x8x128xf32, #tpu.memory_space<hbm>> -> memref<1x1x1x8x128xf32, #tpu.memory_space<hbm>>
        %dma_wait3A_640 = tpu.memref_squeeze %dma_wait3A_639 : memref<1x1x1x8x128xf32, #tpu.memory_space<hbm>> -> memref<8x128xf32, #tpu.memory_space<hbm>>
        %dma_wait3A_641 = arith.constant 40 : i32
        %dma_wait3A_642 = arith.constant 0 : i32
        %dma_wait3A_643 = tpu.memref_slice %arg8[%dma_wait3A_641, %dma_wait3A_642] : memref<64x128xf32, #tpu.memory_space<vmem>> -> memref<8x128xf32, #tpu.memory_space<vmem>>
        tpu.wait_dma2 semaphore(%arg12 : memref<!tpu.dma_semaphore, #tpu.memory_space<semaphore_mem>>) src(%dma_wait3A_643 : memref<8x128xf32, #tpu.memory_space<vmem>>) dst(%dma_wait3A_640 : memref<8x128xf32, #tpu.memory_space<hbm>>)
        %dma_wait3A_644 = arith.constant 6 : i32
        %dma_wait3A_645 = arith.constant 48 : i32
        %dma_wait3A_646 = arith.constant 0 : i32
        %dma_wait3A_647 = tpu.memref_slice %arg8[%dma_wait3A_645, %dma_wait3A_646] : memref<64x128xf32, #tpu.memory_space<vmem>> -> memref<8x128xf32, #tpu.memory_space<vmem>>
        %dma_wait3A_648 = arith.constant 0 : i32
        %dma_wait3A_649 = arith.constant 0 : i32
        %dma_wait3A_650 = tpu.memref_slice %arg4[%sub3A_553, %dma_wait3A_644, %add3A, %dma_wait3A_648, %dma_wait3A_649] : memref<50x8x32x8x128xf32, #tpu.memory_space<hbm>> -> memref<1x1x1x8x128xf32, #tpu.memory_space<hbm>>
        %dma_wait3A_651 = tpu.memref_squeeze %dma_wait3A_650 : memref<1x1x1x8x128xf32, #tpu.memory_space<hbm>> -> memref<8x128xf32, #tpu.memory_space<hbm>>
        %dma_wait3A_652 = arith.constant 0 : i32
        %dma_wait3A_653 = arith.constant 0 : i32
        %dma_wait3A_654 = tpu.memref_slice %arg4[%sub3A_553, %dma_wait3A_644, %add3A, %dma_wait3A_652, %dma_wait3A_653] : memref<50x8x32x8x128xf32, #tpu.memory_space<hbm>> -> memref<1x1x1x8x128xf32, #tpu.memory_space<hbm>>
        %dma_wait3A_655 = tpu.memref_squeeze %dma_wait3A_654 : memref<1x1x1x8x128xf32, #tpu.memory_space<hbm>> -> memref<8x128xf32, #tpu.memory_space<hbm>>
        %dma_wait3A_656 = arith.constant 48 : i32
        %dma_wait3A_657 = arith.constant 0 : i32
        %dma_wait3A_658 = tpu.memref_slice %arg8[%dma_wait3A_656, %dma_wait3A_657] : memref<64x128xf32, #tpu.memory_space<vmem>> -> memref<8x128xf32, #tpu.memory_space<vmem>>
        tpu.wait_dma2 semaphore(%arg12 : memref<!tpu.dma_semaphore, #tpu.memory_space<semaphore_mem>>) src(%dma_wait3A_658 : memref<8x128xf32, #tpu.memory_space<vmem>>) dst(%dma_wait3A_655 : memref<8x128xf32, #tpu.memory_space<hbm>>)
        %dma_wait3A_659 = arith.constant 7 : i32
        %dma_wait3A_660 = arith.constant 56 : i32
        %dma_wait3A_661 = arith.constant 0 : i32
        %dma_wait3A_662 = tpu.memref_slice %arg8[%dma_wait3A_660, %dma_wait3A_661] : memref<64x128xf32, #tpu.memory_space<vmem>> -> memref<8x128xf32, #tpu.memory_space<vmem>>
        %dma_wait3A_663 = arith.constant 0 : i32
        %dma_wait3A_664 = arith.constant 0 : i32
        %dma_wait3A_665 = tpu.memref_slice %arg4[%sub3A_553, %dma_wait3A_659, %add3A, %dma_wait3A_663, %dma_wait3A_664] : memref<50x8x32x8x128xf32, #tpu.memory_space<hbm>> -> memref<1x1x1x8x128xf32, #tpu.memory_space<hbm>>
        %dma_wait3A_666 = tpu.memref_squeeze %dma_wait3A_665 : memref<1x1x1x8x128xf32, #tpu.memory_space<hbm>> -> memref<8x128xf32, #tpu.memory_space<hbm>>
        %dma_wait3A_667 = arith.constant 0 : i32
        %dma_wait3A_668 = arith.constant 0 : i32
        %dma_wait3A_669 = tpu.memref_slice %arg4[%sub3A_553, %dma_wait3A_659, %add3A, %dma_wait3A_667, %dma_wait3A_668] : memref<50x8x32x8x128xf32, #tpu.memory_space<hbm>> -> memref<1x1x1x8x128xf32, #tpu.memory_space<hbm>>
        %dma_wait3A_670 = tpu.memref_squeeze %dma_wait3A_669 : memref<1x1x1x8x128xf32, #tpu.memory_space<hbm>> -> memref<8x128xf32, #tpu.memory_space<hbm>>
        %dma_wait3A_671 = arith.constant 56 : i32
        %dma_wait3A_672 = arith.constant 0 : i32
        %dma_wait3A_673 = tpu.memref_slice %arg8[%dma_wait3A_671, %dma_wait3A_672] : memref<64x128xf32, #tpu.memory_space<vmem>> -> memref<8x128xf32, #tpu.memory_space<vmem>>
        tpu.wait_dma2 semaphore(%arg12 : memref<!tpu.dma_semaphore, #tpu.memory_space<semaphore_mem>>) src(%dma_wait3A_673 : memref<8x128xf32, #tpu.memory_space<vmem>>) dst(%dma_wait3A_670 : memref<8x128xf32, #tpu.memory_space<hbm>>)
      } else {
      }
      %parallel_loop3A = arith.constant 0 : i32
      %parallel_loop3A_286 = arith.constant 32 : i32
      %parallel_loop3A_287 = arith.constant 1 : i32
      scf.for %parallel_loop3A_553 = %parallel_loop3A to %parallel_loop3A_286 step %parallel_loop3A_287  : i32 {
        %parallel_loop3A_554 = arith.constant 4 : i32
        %parallel_loop3A_555 = arith.divsi %parallel_loop3A_553, %parallel_loop3A_554 : i32
        %parallel_loop3A_556 = arith.constant 0 : i32
        %parallel_loop3A_557 = arith.cmpi sgt, %parallel_loop3A_553, %parallel_loop3A_556 : i32
        %parallel_loop3A_558 = arith.extui %parallel_loop3A_557 : i1 to i32
        %parallel_loop3A_559 = arith.constant 0 : i32
        %parallel_loop3A_560 = arith.cmpi slt, %parallel_loop3A_553, %parallel_loop3A_559 : i32
        %parallel_loop3A_561 = arith.extui %parallel_loop3A_560 : i1 to i32
        %parallel_loop3A_562 = arith.subi %parallel_loop3A_558, %parallel_loop3A_561 : i32
        %parallel_loop3A_563 = arith.constant 0 : i32
        %parallel_loop3A_564 = arith.cmpi sgt, %parallel_loop3A_554, %parallel_loop3A_563 : i32
        %parallel_loop3A_565 = arith.extui %parallel_loop3A_564 : i1 to i32
        %parallel_loop3A_566 = arith.constant 0 : i32
        %parallel_loop3A_567 = arith.cmpi slt, %parallel_loop3A_554, %parallel_loop3A_566 : i32
        %parallel_loop3A_568 = arith.extui %parallel_loop3A_567 : i1 to i32
        %parallel_loop3A_569 = arith.subi %parallel_loop3A_565, %parallel_loop3A_568 : i32
        %parallel_loop3A_570 = arith.cmpi ne, %parallel_loop3A_562, %parallel_loop3A_569 : i32
        %parallel_loop3A_571 = arith.remsi %parallel_loop3A_553, %parallel_loop3A_554 : i32
        %parallel_loop3A_572 = arith.constant 0 : i32
        %parallel_loop3A_573 = arith.cmpi ne, %parallel_loop3A_571, %parallel_loop3A_572 : i32
        %parallel_loop3A_574 = arith.andi %parallel_loop3A_570, %parallel_loop3A_573 : i1
        %parallel_loop3A_575 = arith.constant 1 : i32
        %parallel_loop3A_576 = arith.subi %parallel_loop3A_555, %parallel_loop3A_575 : i32
        %parallel_loop3A_577 = arith.select %parallel_loop3A_574, %parallel_loop3A_576, %parallel_loop3A_555 : i32
        %parallel_loop3A_578 = arith.constant 16 : i32
        %parallel_loop3A_579 = arith.muli %parallel_loop3A_577, %parallel_loop3A_578 : i32
        %parallel_loop3A_580 = arith.constant 4 : i32
        %parallel_loop3A_581 = arith.remsi %parallel_loop3A_553, %parallel_loop3A_580 : i32
        %parallel_loop3A_582 = arith.constant 16 : i32
        %parallel_loop3A_583 = arith.muli %parallel_loop3A_581, %parallel_loop3A_582 : i32
        %parallel_loop3A_584 = vector.broadcast %parallel_loop3A_579 : i32 to vector<16xi32>
        %parallel_loop3A_585 = arith.addi %parallel_loop3A_584, %iota3A : vector<16xi32>
        %parallel_loop3A_586 = arith.constant 0 : i32
        %parallel_loop3A_587 = vector.broadcast %parallel_loop3A_586 : i32 to vector<16xi32>
        %parallel_loop3A_588 = arith.addi %iota3A, %parallel_loop3A_587 : vector<16xi32>
        %parallel_loop3A_589 = arith.constant 15 : i32
        %parallel_loop3A_590 = vector.broadcast %parallel_loop3A_589 : i32 to vector<16xi32>
        %parallel_loop3A_591 = arith.andi %parallel_loop3A_588, %parallel_loop3A_590 : vector<16xi32>
        %parallel_loop3A_592 = vector.broadcast %parallel_loop3A_583 : i32 to vector<16xi32>
        %parallel_loop3A_593 = arith.addi %parallel_loop3A_592, %parallel_loop3A_591 : vector<16xi32>
        %parallel_loop3A_594 = tpu.vector_load_idx %arg6[%parallel_loop3A_585, %parallel_loop3A_593] : memref<128x64xf32, #tpu.memory_space<vmem>>[vector<16xi32>, vector<16xi32>], vector<16xf32>,
        tpu.vector_store_idx %arg8[%parallel_loop3A_593, %parallel_loop3A_585], %parallel_loop3A_594 : memref<64x128xf32, #tpu.memory_space<vmem>>[vector<16xi32>, vector<16xi32>], vector<16xf32>,
        %parallel_loop3A_595 = arith.constant 1 : i32
        %parallel_loop3A_596 = vector.broadcast %parallel_loop3A_595 : i32 to vector<16xi32>
        %parallel_loop3A_597 = arith.addi %iota3A, %parallel_loop3A_596 : vector<16xi32>
        %parallel_loop3A_598 = arith.constant 15 : i32
        %parallel_loop3A_599 = vector.broadcast %parallel_loop3A_598 : i32 to vector<16xi32>
        %parallel_loop3A_600 = arith.andi %parallel_loop3A_597, %parallel_loop3A_599 : vector<16xi32>
        %parallel_loop3A_601 = vector.broadcast %parallel_loop3A_583 : i32 to vector<16xi32>
        %parallel_loop3A_602 = arith.addi %parallel_loop3A_601, %parallel_loop3A_600 : vector<16xi32>
        %parallel_loop3A_603 = tpu.vector_load_idx %arg6[%parallel_loop3A_585, %parallel_loop3A_602] : memref<128x64xf32, #tpu.memory_space<vmem>>[vector<16xi32>, vector<16xi32>], vector<16xf32>,
        tpu.vector_store_idx %arg8[%parallel_loop3A_602, %parallel_loop3A_585], %parallel_loop3A_603 : memref<64x128xf32, #tpu.memory_space<vmem>>[vector<16xi32>, vector<16xi32>], vector<16xf32>,
        %parallel_loop3A_604 = arith.constant 2 : i32
        %parallel_loop3A_605 = vector.broadcast %parallel_loop3A_604 : i32 to vector<16xi32>
        %parallel_loop3A_606 = arith.addi %iota3A, %parallel_loop3A_605 : vector<16xi32>
        %parallel_loop3A_607 = arith.constant 15 : i32
        %parallel_loop3A_608 = vector.broadcast %parallel_loop3A_607 : i32 to vector<16xi32>
        %parallel_loop3A_609 = arith.andi %parallel_loop3A_606, %parallel_loop3A_608 : vector<16xi32>
        %parallel_loop3A_610 = vector.broadcast %parallel_loop3A_583 : i32 to vector<16xi32>
        %parallel_loop3A_611 = arith.addi %parallel_loop3A_610, %parallel_loop3A_609 : vector<16xi32>
        %parallel_loop3A_612 = tpu.vector_load_idx %arg6[%parallel_loop3A_585, %parallel_loop3A_611] : memref<128x64xf32, #tpu.memory_space<vmem>>[vector<16xi32>, vector<16xi32>], vector<16xf32>,
        tpu.vector_store_idx %arg8[%parallel_loop3A_611, %parallel_loop3A_585], %parallel_loop3A_612 : memref<64x128xf32, #tpu.memory_space<vmem>>[vector<16xi32>, vector<16xi32>], vector<16xf32>,
        %parallel_loop3A_613 = arith.constant 3 : i32
        %parallel_loop3A_614 = vector.broadcast %parallel_loop3A_613 : i32 to vector<16xi32>
        %parallel_loop3A_615 = arith.addi %iota3A, %parallel_loop3A_614 : vector<16xi32>
        %parallel_loop3A_616 = arith.constant 15 : i32
        %parallel_loop3A_617 = vector.broadcast %parallel_loop3A_616 : i32 to vector<16xi32>
        %parallel_loop3A_618 = arith.andi %parallel_loop3A_615, %parallel_loop3A_617 : vector<16xi32>
        %parallel_loop3A_619 = vector.broadcast %parallel_loop3A_583 : i32 to vector<16xi32>
        %parallel_loop3A_620 = arith.addi %parallel_loop3A_619, %parallel_loop3A_618 : vector<16xi32>
        %parallel_loop3A_621 = tpu.vector_load_idx %arg6[%parallel_loop3A_585, %parallel_loop3A_620] : memref<128x64xf32, #tpu.memory_space<vmem>>[vector<16xi32>, vector<16xi32>], vector<16xf32>,
        tpu.vector_store_idx %arg8[%parallel_loop3A_620, %parallel_loop3A_585], %parallel_loop3A_621 : memref<64x128xf32, #tpu.memory_space<vmem>>[vector<16xi32>, vector<16xi32>], vector<16xf32>,
        %parallel_loop3A_622 = arith.constant 4 : i32
        %parallel_loop3A_623 = vector.broadcast %parallel_loop3A_622 : i32 to vector<16xi32>
        %parallel_loop3A_624 = arith.addi %iota3A, %parallel_loop3A_623 : vector<16xi32>
        %parallel_loop3A_625 = arith.constant 15 : i32
        %parallel_loop3A_626 = vector.broadcast %parallel_loop3A_625 : i32 to vector<16xi32>
        %parallel_loop3A_627 = arith.andi %parallel_loop3A_624, %parallel_loop3A_626 : vector<16xi32>
        %parallel_loop3A_628 = vector.broadcast %parallel_loop3A_583 : i32 to vector<16xi32>
        %parallel_loop3A_629 = arith.addi %parallel_loop3A_628, %parallel_loop3A_627 : vector<16xi32>
        %parallel_loop3A_630 = tpu.vector_load_idx %arg6[%parallel_loop3A_585, %parallel_loop3A_629] : memref<128x64xf32, #tpu.memory_space<vmem>>[vector<16xi32>, vector<16xi32>], vector<16xf32>,
        tpu.vector_store_idx %arg8[%parallel_loop3A_629, %parallel_loop3A_585], %parallel_loop3A_630 : memref<64x128xf32, #tpu.memory_space<vmem>>[vector<16xi32>, vector<16xi32>], vector<16xf32>,
        %parallel_loop3A_631 = arith.constant 5 : i32
        %parallel_loop3A_632 = vector.broadcast %parallel_loop3A_631 : i32 to vector<16xi32>
        %parallel_loop3A_633 = arith.addi %iota3A, %parallel_loop3A_632 : vector<16xi32>
        %parallel_loop3A_634 = arith.constant 15 : i32
        %parallel_loop3A_635 = vector.broadcast %parallel_loop3A_634 : i32 to vector<16xi32>
        %parallel_loop3A_636 = arith.andi %parallel_loop3A_633, %parallel_loop3A_635 : vector<16xi32>
        %parallel_loop3A_637 = vector.broadcast %parallel_loop3A_583 : i32 to vector<16xi32>
        %parallel_loop3A_638 = arith.addi %parallel_loop3A_637, %parallel_loop3A_636 : vector<16xi32>
        %parallel_loop3A_639 = tpu.vector_load_idx %arg6[%parallel_loop3A_585, %parallel_loop3A_638] : memref<128x64xf32, #tpu.memory_space<vmem>>[vector<16xi32>, vector<16xi32>], vector<16xf32>,
        tpu.vector_store_idx %arg8[%parallel_loop3A_638, %parallel_loop3A_585], %parallel_loop3A_639 : memref<64x128xf32, #tpu.memory_space<vmem>>[vector<16xi32>, vector<16xi32>], vector<16xf32>,
        %parallel_loop3A_640 = arith.constant 6 : i32
        %parallel_loop3A_641 = vector.broadcast %parallel_loop3A_640 : i32 to vector<16xi32>
        %parallel_loop3A_642 = arith.addi %iota3A, %parallel_loop3A_641 : vector<16xi32>
        %parallel_loop3A_643 = arith.constant 15 : i32
        %parallel_loop3A_644 = vector.broadcast %parallel_loop3A_643 : i32 to vector<16xi32>
        %parallel_loop3A_645 = arith.andi %parallel_loop3A_642, %parallel_loop3A_644 : vector<16xi32>
        %parallel_loop3A_646 = vector.broadcast %parallel_loop3A_583 : i32 to vector<16xi32>
        %parallel_loop3A_647 = arith.addi %parallel_loop3A_646, %parallel_loop3A_645 : vector<16xi32>
        %parallel_loop3A_648 = tpu.vector_load_idx %arg6[%parallel_loop3A_585, %parallel_loop3A_647] : memref<128x64xf32, #tpu.memory_space<vmem>>[vector<16xi32>, vector<16xi32>], vector<16xf32>,
        tpu.vector_store_idx %arg8[%parallel_loop3A_647, %parallel_loop3A_585], %parallel_loop3A_648 : memref<64x128xf32, #tpu.memory_space<vmem>>[vector<16xi32>, vector<16xi32>], vector<16xf32>,
        %parallel_loop3A_649 = arith.constant 7 : i32
        %parallel_loop3A_650 = vector.broadcast %parallel_loop3A_649 : i32 to vector<16xi32>
        %parallel_loop3A_651 = arith.addi %iota3A, %parallel_loop3A_650 : vector<16xi32>
        %parallel_loop3A_652 = arith.constant 15 : i32
        %parallel_loop3A_653 = vector.broadcast %parallel_loop3A_652 : i32 to vector<16xi32>
        %parallel_loop3A_654 = arith.andi %parallel_loop3A_651, %parallel_loop3A_653 : vector<16xi32>
        %parallel_loop3A_655 = vector.broadcast %parallel_loop3A_583 : i32 to vector<16xi32>
        %parallel_loop3A_656 = arith.addi %parallel_loop3A_655, %parallel_loop3A_654 : vector<16xi32>
        %parallel_loop3A_657 = tpu.vector_load_idx %arg6[%parallel_loop3A_585, %parallel_loop3A_656] : memref<128x64xf32, #tpu.memory_space<vmem>>[vector<16xi32>, vector<16xi32>], vector<16xf32>,
        tpu.vector_store_idx %arg8[%parallel_loop3A_656, %parallel_loop3A_585], %parallel_loop3A_657 : memref<64x128xf32, #tpu.memory_space<vmem>>[vector<16xi32>, vector<16xi32>], vector<16xf32>,
        %parallel_loop3A_658 = arith.constant 8 : i32
        %parallel_loop3A_659 = vector.broadcast %parallel_loop3A_658 : i32 to vector<16xi32>
        %parallel_loop3A_660 = arith.addi %iota3A, %parallel_loop3A_659 : vector<16xi32>
        %parallel_loop3A_661 = arith.constant 15 : i32
        %parallel_loop3A_662 = vector.broadcast %parallel_loop3A_661 : i32 to vector<16xi32>
        %parallel_loop3A_663 = arith.andi %parallel_loop3A_660, %parallel_loop3A_662 : vector<16xi32>
        %parallel_loop3A_664 = vector.broadcast %parallel_loop3A_583 : i32 to vector<16xi32>
        %parallel_loop3A_665 = arith.addi %parallel_loop3A_664, %parallel_loop3A_663 : vector<16xi32>
        %parallel_loop3A_666 = tpu.vector_load_idx %arg6[%parallel_loop3A_585, %parallel_loop3A_665] : memref<128x64xf32, #tpu.memory_space<vmem>>[vector<16xi32>, vector<16xi32>], vector<16xf32>,
        tpu.vector_store_idx %arg8[%parallel_loop3A_665, %parallel_loop3A_585], %parallel_loop3A_666 : memref<64x128xf32, #tpu.memory_space<vmem>>[vector<16xi32>, vector<16xi32>], vector<16xf32>,
        %parallel_loop3A_667 = arith.constant 9 : i32
        %parallel_loop3A_668 = vector.broadcast %parallel_loop3A_667 : i32 to vector<16xi32>
        %parallel_loop3A_669 = arith.addi %iota3A, %parallel_loop3A_668 : vector<16xi32>
        %parallel_loop3A_670 = arith.constant 15 : i32
        %parallel_loop3A_671 = vector.broadcast %parallel_loop3A_670 : i32 to vector<16xi32>
        %parallel_loop3A_672 = arith.andi %parallel_loop3A_669, %parallel_loop3A_671 : vector<16xi32>
        %parallel_loop3A_673 = vector.broadcast %parallel_loop3A_583 : i32 to vector<16xi32>
        %parallel_loop3A_674 = arith.addi %parallel_loop3A_673, %parallel_loop3A_672 : vector<16xi32>
        %parallel_loop3A_675 = tpu.vector_load_idx %arg6[%parallel_loop3A_585, %parallel_loop3A_674] : memref<128x64xf32, #tpu.memory_space<vmem>>[vector<16xi32>, vector<16xi32>], vector<16xf32>,
        tpu.vector_store_idx %arg8[%parallel_loop3A_674, %parallel_loop3A_585], %parallel_loop3A_675 : memref<64x128xf32, #tpu.memory_space<vmem>>[vector<16xi32>, vector<16xi32>], vector<16xf32>,
        %parallel_loop3A_676 = arith.constant 10 : i32
        %parallel_loop3A_677 = vector.broadcast %parallel_loop3A_676 : i32 to vector<16xi32>
        %parallel_loop3A_678 = arith.addi %iota3A, %parallel_loop3A_677 : vector<16xi32>
        %parallel_loop3A_679 = arith.constant 15 : i32
        %parallel_loop3A_680 = vector.broadcast %parallel_loop3A_679 : i32 to vector<16xi32>
        %parallel_loop3A_681 = arith.andi %parallel_loop3A_678, %parallel_loop3A_680 : vector<16xi32>
        %parallel_loop3A_682 = vector.broadcast %parallel_loop3A_583 : i32 to vector<16xi32>
        %parallel_loop3A_683 = arith.addi %parallel_loop3A_682, %parallel_loop3A_681 : vector<16xi32>
        %parallel_loop3A_684 = tpu.vector_load_idx %arg6[%parallel_loop3A_585, %parallel_loop3A_683] : memref<128x64xf32, #tpu.memory_space<vmem>>[vector<16xi32>, vector<16xi32>], vector<16xf32>,
        tpu.vector_store_idx %arg8[%parallel_loop3A_683, %parallel_loop3A_585], %parallel_loop3A_684 : memref<64x128xf32, #tpu.memory_space<vmem>>[vector<16xi32>, vector<16xi32>], vector<16xf32>,
        %parallel_loop3A_685 = arith.constant 11 : i32
        %parallel_loop3A_686 = vector.broadcast %parallel_loop3A_685 : i32 to vector<16xi32>
        %parallel_loop3A_687 = arith.addi %iota3A, %parallel_loop3A_686 : vector<16xi32>
        %parallel_loop3A_688 = arith.constant 15 : i32
        %parallel_loop3A_689 = vector.broadcast %parallel_loop3A_688 : i32 to vector<16xi32>
        %parallel_loop3A_690 = arith.andi %parallel_loop3A_687, %parallel_loop3A_689 : vector<16xi32>
        %parallel_loop3A_691 = vector.broadcast %parallel_loop3A_583 : i32 to vector<16xi32>
        %parallel_loop3A_692 = arith.addi %parallel_loop3A_691, %parallel_loop3A_690 : vector<16xi32>
        %parallel_loop3A_693 = tpu.vector_load_idx %arg6[%parallel_loop3A_585, %parallel_loop3A_692] : memref<128x64xf32, #tpu.memory_space<vmem>>[vector<16xi32>, vector<16xi32>], vector<16xf32>,
        tpu.vector_store_idx %arg8[%parallel_loop3A_692, %parallel_loop3A_585], %parallel_loop3A_693 : memref<64x128xf32, #tpu.memory_space<vmem>>[vector<16xi32>, vector<16xi32>], vector<16xf32>,
        %parallel_loop3A_694 = arith.constant 12 : i32
        %parallel_loop3A_695 = vector.broadcast %parallel_loop3A_694 : i32 to vector<16xi32>
        %parallel_loop3A_696 = arith.addi %iota3A, %parallel_loop3A_695 : vector<16xi32>
        %parallel_loop3A_697 = arith.constant 15 : i32
        %parallel_loop3A_698 = vector.broadcast %parallel_loop3A_697 : i32 to vector<16xi32>
        %parallel_loop3A_699 = arith.andi %parallel_loop3A_696, %parallel_loop3A_698 : vector<16xi32>
        %parallel_loop3A_700 = vector.broadcast %parallel_loop3A_583 : i32 to vector<16xi32>
        %parallel_loop3A_701 = arith.addi %parallel_loop3A_700, %parallel_loop3A_699 : vector<16xi32>
        %parallel_loop3A_702 = tpu.vector_load_idx %arg6[%parallel_loop3A_585, %parallel_loop3A_701] : memref<128x64xf32, #tpu.memory_space<vmem>>[vector<16xi32>, vector<16xi32>], vector<16xf32>,
        tpu.vector_store_idx %arg8[%parallel_loop3A_701, %parallel_loop3A_585], %parallel_loop3A_702 : memref<64x128xf32, #tpu.memory_space<vmem>>[vector<16xi32>, vector<16xi32>], vector<16xf32>,
        %parallel_loop3A_703 = arith.constant 13 : i32
        %parallel_loop3A_704 = vector.broadcast %parallel_loop3A_703 : i32 to vector<16xi32>
        %parallel_loop3A_705 = arith.addi %iota3A, %parallel_loop3A_704 : vector<16xi32>
        %parallel_loop3A_706 = arith.constant 15 : i32
        %parallel_loop3A_707 = vector.broadcast %parallel_loop3A_706 : i32 to vector<16xi32>
        %parallel_loop3A_708 = arith.andi %parallel_loop3A_705, %parallel_loop3A_707 : vector<16xi32>
        %parallel_loop3A_709 = vector.broadcast %parallel_loop3A_583 : i32 to vector<16xi32>
        %parallel_loop3A_710 = arith.addi %parallel_loop3A_709, %parallel_loop3A_708 : vector<16xi32>
        %parallel_loop3A_711 = tpu.vector_load_idx %arg6[%parallel_loop3A_585, %parallel_loop3A_710] : memref<128x64xf32, #tpu.memory_space<vmem>>[vector<16xi32>, vector<16xi32>], vector<16xf32>,
        tpu.vector_store_idx %arg8[%parallel_loop3A_710, %parallel_loop3A_585], %parallel_loop3A_711 : memref<64x128xf32, #tpu.memory_space<vmem>>[vector<16xi32>, vector<16xi32>], vector<16xf32>,
        %parallel_loop3A_712 = arith.constant 14 : i32
        %parallel_loop3A_713 = vector.broadcast %parallel_loop3A_712 : i32 to vector<16xi32>
        %parallel_loop3A_714 = arith.addi %iota3A, %parallel_loop3A_713 : vector<16xi32>
        %parallel_loop3A_715 = arith.constant 15 : i32
        %parallel_loop3A_716 = vector.broadcast %parallel_loop3A_715 : i32 to vector<16xi32>
        %parallel_loop3A_717 = arith.andi %parallel_loop3A_714, %parallel_loop3A_716 : vector<16xi32>
        %parallel_loop3A_718 = vector.broadcast %parallel_loop3A_583 : i32 to vector<16xi32>
        %parallel_loop3A_719 = arith.addi %parallel_loop3A_718, %parallel_loop3A_717 : vector<16xi32>
        %parallel_loop3A_720 = tpu.vector_load_idx %arg6[%parallel_loop3A_585, %parallel_loop3A_719] : memref<128x64xf32, #tpu.memory_space<vmem>>[vector<16xi32>, vector<16xi32>], vector<16xf32>,
        tpu.vector_store_idx %arg8[%parallel_loop3A_719, %parallel_loop3A_585], %parallel_loop3A_720 : memref<64x128xf32, #tpu.memory_space<vmem>>[vector<16xi32>, vector<16xi32>], vector<16xf32>,
        %parallel_loop3A_721 = arith.constant 15 : i32
        %parallel_loop3A_722 = vector.broadcast %parallel_loop3A_721 : i32 to vector<16xi32>
        %parallel_loop3A_723 = arith.addi %iota3A, %parallel_loop3A_722 : vector<16xi32>
        %parallel_loop3A_724 = arith.constant 15 : i32
        %parallel_loop3A_725 = vector.broadcast %parallel_loop3A_724 : i32 to vector<16xi32>
        %parallel_loop3A_726 = arith.andi %parallel_loop3A_723, %parallel_loop3A_725 : vector<16xi32>
        %parallel_loop3A_727 = vector.broadcast %parallel_loop3A_583 : i32 to vector<16xi32>
        %parallel_loop3A_728 = arith.addi %parallel_loop3A_727, %parallel_loop3A_726 : vector<16xi32>
        %parallel_loop3A_729 = tpu.vector_load_idx %arg6[%parallel_loop3A_585, %parallel_loop3A_728] : memref<128x64xf32, #tpu.memory_space<vmem>>[vector<16xi32>, vector<16xi32>], vector<16xf32>,
        tpu.vector_store_idx %arg8[%parallel_loop3A_728, %parallel_loop3A_585], %parallel_loop3A_729 : memref<64x128xf32, #tpu.memory_space<vmem>>[vector<16xi32>, vector<16xi32>], vector<16xf32>,
      } {sc.loop_unroll_factor = 2 : i64, sc.parallel_access}
      %dma_start3A_288 = arith.constant 0 : i32
      %dma_start3A_289 = arith.constant 0 : i32
      %dma_start3A_290 = arith.constant 0 : i32
      %dma_start3A_291 = tpu.memref_slice %arg8[%dma_start3A_289, %dma_start3A_290] : memref<64x128xf32, #tpu.memory_space<vmem>> -> memref<8x128xf32, #tpu.memory_space<vmem>>
      %dma_start3A_292 = arith.constant 0 : i32
      %dma_start3A_293 = arith.constant 0 : i32
      %dma_start3A_294 = tpu.memref_slice %arg4[%add3A_271, %dma_start3A_288, %add3A, %dma_start3A_292, %dma_start3A_293] : memref<50x8x32x8x128xf32, #tpu.memory_space<hbm>> -> memref<1x1x1x8x128xf32, #tpu.memory_space<hbm>>
      %dma_start3A_295 = tpu.memref_squeeze %dma_start3A_294 : memref<1x1x1x8x128xf32, #tpu.memory_space<hbm>> -> memref<8x128xf32, #tpu.memory_space<hbm>>
      %dma_start3A_296 = arith.constant 0 : i32
      %dma_start3A_297 = arith.constant 0 : i32
      %dma_start3A_298 = tpu.memref_slice %arg4[%add3A_271, %dma_start3A_288, %add3A, %dma_start3A_296, %dma_start3A_297] : memref<50x8x32x8x128xf32, #tpu.memory_space<hbm>> -> memref<1x1x1x8x128xf32, #tpu.memory_space<hbm>>
      %dma_start3A_299 = tpu.memref_squeeze %dma_start3A_298 : memref<1x1x1x8x128xf32, #tpu.memory_space<hbm>> -> memref<8x128xf32, #tpu.memory_space<hbm>>
      %dma_start3A_300 = arith.constant 0 : i32
      %dma_start3A_301 = arith.constant 0 : i32
      %dma_start3A_302 = tpu.memref_slice %arg8[%dma_start3A_300, %dma_start3A_301] : memref<64x128xf32, #tpu.memory_space<vmem>> -> memref<8x128xf32, #tpu.memory_space<vmem>>
      tpu.enqueue_dma source(%dma_start3A_302 : memref<8x128xf32, #tpu.memory_space<vmem>>) target(%dma_start3A_299 : memref<8x128xf32, #tpu.memory_space<hbm>>) target_semaphore(%arg12 : memref<!tpu.dma_semaphore, #tpu.memory_space<semaphore_mem>>)
      %dma_start3A_303 = arith.constant 1 : i32
      %dma_start3A_304 = arith.constant 8 : i32
      %dma_start3A_305 = arith.constant 0 : i32
      %dma_start3A_306 = tpu.memref_slice %arg8[%dma_start3A_304, %dma_start3A_305] : memref<64x128xf32, #tpu.memory_space<vmem>> -> memref<8x128xf32, #tpu.memory_space<vmem>>
      %dma_start3A_307 = arith.constant 0 : i32
      %dma_start3A_308 = arith.constant 0 : i32
      %dma_start3A_309 = tpu.memref_slice %arg4[%add3A_271, %dma_start3A_303, %add3A, %dma_start3A_307, %dma_start3A_308] : memref<50x8x32x8x128xf32, #tpu.memory_space<hbm>> -> memref<1x1x1x8x128xf32, #tpu.memory_space<hbm>>
      %dma_start3A_310 = tpu.memref_squeeze %dma_start3A_309 : memref<1x1x1x8x128xf32, #tpu.memory_space<hbm>> -> memref<8x128xf32, #tpu.memory_space<hbm>>
      %dma_start3A_311 = arith.constant 0 : i32
      %dma_start3A_312 = arith.constant 0 : i32
      %dma_start3A_313 = tpu.memref_slice %arg4[%add3A_271, %dma_start3A_303, %add3A, %dma_start3A_311, %dma_start3A_312] : memref<50x8x32x8x128xf32, #tpu.memory_space<hbm>> -> memref<1x1x1x8x128xf32, #tpu.memory_space<hbm>>
      %dma_start3A_314 = tpu.memref_squeeze %dma_start3A_313 : memref<1x1x1x8x128xf32, #tpu.memory_space<hbm>> -> memref<8x128xf32, #tpu.memory_space<hbm>>
      %dma_start3A_315 = arith.constant 8 : i32
      %dma_start3A_316 = arith.constant 0 : i32
      %dma_start3A_317 = tpu.memref_slice %arg8[%dma_start3A_315, %dma_start3A_316] : memref<64x128xf32, #tpu.memory_space<vmem>> -> memref<8x128xf32, #tpu.memory_space<vmem>>
      tpu.enqueue_dma source(%dma_start3A_317 : memref<8x128xf32, #tpu.memory_space<vmem>>) target(%dma_start3A_314 : memref<8x128xf32, #tpu.memory_space<hbm>>) target_semaphore(%arg12 : memref<!tpu.dma_semaphore, #tpu.memory_space<semaphore_mem>>)
      %dma_start3A_318 = arith.constant 2 : i32
      %dma_start3A_319 = arith.constant 16 : i32
      %dma_start3A_320 = arith.constant 0 : i32
      %dma_start3A_321 = tpu.memref_slice %arg8[%dma_start3A_319, %dma_start3A_320] : memref<64x128xf32, #tpu.memory_space<vmem>> -> memref<8x128xf32, #tpu.memory_space<vmem>>
      %dma_start3A_322 = arith.constant 0 : i32
      %dma_start3A_323 = arith.constant 0 : i32
      %dma_start3A_324 = tpu.memref_slice %arg4[%add3A_271, %dma_start3A_318, %add3A, %dma_start3A_322, %dma_start3A_323] : memref<50x8x32x8x128xf32, #tpu.memory_space<hbm>> -> memref<1x1x1x8x128xf32, #tpu.memory_space<hbm>>
      %dma_start3A_325 = tpu.memref_squeeze %dma_start3A_324 : memref<1x1x1x8x128xf32, #tpu.memory_space<hbm>> -> memref<8x128xf32, #tpu.memory_space<hbm>>
      %dma_start3A_326 = arith.constant 0 : i32
      %dma_start3A_327 = arith.constant 0 : i32
      %dma_start3A_328 = tpu.memref_slice %arg4[%add3A_271, %dma_start3A_318, %add3A, %dma_start3A_326, %dma_start3A_327] : memref<50x8x32x8x128xf32, #tpu.memory_space<hbm>> -> memref<1x1x1x8x128xf32, #tpu.memory_space<hbm>>
      %dma_start3A_329 = tpu.memref_squeeze %dma_start3A_328 : memref<1x1x1x8x128xf32, #tpu.memory_space<hbm>> -> memref<8x128xf32, #tpu.memory_space<hbm>>
      %dma_start3A_330 = arith.constant 16 : i32
      %dma_start3A_331 = arith.constant 0 : i32
      %dma_start3A_332 = tpu.memref_slice %arg8[%dma_start3A_330, %dma_start3A_331] : memref<64x128xf32, #tpu.memory_space<vmem>> -> memref<8x128xf32, #tpu.memory_space<vmem>>
      tpu.enqueue_dma source(%dma_start3A_332 : memref<8x128xf32, #tpu.memory_space<vmem>>) target(%dma_start3A_329 : memref<8x128xf32, #tpu.memory_space<hbm>>) target_semaphore(%arg12 : memref<!tpu.dma_semaphore, #tpu.memory_space<semaphore_mem>>)
      %dma_start3A_333 = arith.constant 3 : i32
      %dma_start3A_334 = arith.constant 24 : i32
      %dma_start3A_335 = arith.constant 0 : i32
      %dma_start3A_336 = tpu.memref_slice %arg8[%dma_start3A_334, %dma_start3A_335] : memref<64x128xf32, #tpu.memory_space<vmem>> -> memref<8x128xf32, #tpu.memory_space<vmem>>
      %dma_start3A_337 = arith.constant 0 : i32
      %dma_start3A_338 = arith.constant 0 : i32
      %dma_start3A_339 = tpu.memref_slice %arg4[%add3A_271, %dma_start3A_333, %add3A, %dma_start3A_337, %dma_start3A_338] : memref<50x8x32x8x128xf32, #tpu.memory_space<hbm>> -> memref<1x1x1x8x128xf32, #tpu.memory_space<hbm>>
      %dma_start3A_340 = tpu.memref_squeeze %dma_start3A_339 : memref<1x1x1x8x128xf32, #tpu.memory_space<hbm>> -> memref<8x128xf32, #tpu.memory_space<hbm>>
      %dma_start3A_341 = arith.constant 0 : i32
      %dma_start3A_342 = arith.constant 0 : i32
      %dma_start3A_343 = tpu.memref_slice %arg4[%add3A_271, %dma_start3A_333, %add3A, %dma_start3A_341, %dma_start3A_342] : memref<50x8x32x8x128xf32, #tpu.memory_space<hbm>> -> memref<1x1x1x8x128xf32, #tpu.memory_space<hbm>>
      %dma_start3A_344 = tpu.memref_squeeze %dma_start3A_343 : memref<1x1x1x8x128xf32, #tpu.memory_space<hbm>> -> memref<8x128xf32, #tpu.memory_space<hbm>>
      %dma_start3A_345 = arith.constant 24 : i32
      %dma_start3A_346 = arith.constant 0 : i32
      %dma_start3A_347 = tpu.memref_slice %arg8[%dma_start3A_345, %dma_start3A_346] : memref<64x128xf32, #tpu.memory_space<vmem>> -> memref<8x128xf32, #tpu.memory_space<vmem>>
      tpu.enqueue_dma source(%dma_start3A_347 : memref<8x128xf32, #tpu.memory_space<vmem>>) target(%dma_start3A_344 : memref<8x128xf32, #tpu.memory_space<hbm>>) target_semaphore(%arg12 : memref<!tpu.dma_semaphore, #tpu.memory_space<semaphore_mem>>)
      %dma_start3A_348 = arith.constant 4 : i32
      %dma_start3A_349 = arith.constant 32 : i32
      %dma_start3A_350 = arith.constant 0 : i32
      %dma_start3A_351 = tpu.memref_slice %arg8[%dma_start3A_349, %dma_start3A_350] : memref<64x128xf32, #tpu.memory_space<vmem>> -> memref<8x128xf32, #tpu.memory_space<vmem>>
      %dma_start3A_352 = arith.constant 0 : i32
      %dma_start3A_353 = arith.constant 0 : i32
      %dma_start3A_354 = tpu.memref_slice %arg4[%add3A_271, %dma_start3A_348, %add3A, %dma_start3A_352, %dma_start3A_353] : memref<50x8x32x8x128xf32, #tpu.memory_space<hbm>> -> memref<1x1x1x8x128xf32, #tpu.memory_space<hbm>>
      %dma_start3A_355 = tpu.memref_squeeze %dma_start3A_354 : memref<1x1x1x8x128xf32, #tpu.memory_space<hbm>> -> memref<8x128xf32, #tpu.memory_space<hbm>>
      %dma_start3A_356 = arith.constant 0 : i32
      %dma_start3A_357 = arith.constant 0 : i32
      %dma_start3A_358 = tpu.memref_slice %arg4[%add3A_271, %dma_start3A_348, %add3A, %dma_start3A_356, %dma_start3A_357] : memref<50x8x32x8x128xf32, #tpu.memory_space<hbm>> -> memref<1x1x1x8x128xf32, #tpu.memory_space<hbm>>
      %dma_start3A_359 = tpu.memref_squeeze %dma_start3A_358 : memref<1x1x1x8x128xf32, #tpu.memory_space<hbm>> -> memref<8x128xf32, #tpu.memory_space<hbm>>
      %dma_start3A_360 = arith.constant 32 : i32
      %dma_start3A_361 = arith.constant 0 : i32
      %dma_start3A_362 = tpu.memref_slice %arg8[%dma_start3A_360, %dma_start3A_361] : memref<64x128xf32, #tpu.memory_space<vmem>> -> memref<8x128xf32, #tpu.memory_space<vmem>>
      tpu.enqueue_dma source(%dma_start3A_362 : memref<8x128xf32, #tpu.memory_space<vmem>>) target(%dma_start3A_359 : memref<8x128xf32, #tpu.memory_space<hbm>>) target_semaphore(%arg12 : memref<!tpu.dma_semaphore, #tpu.memory_space<semaphore_mem>>)
      %dma_start3A_363 = arith.constant 5 : i32
      %dma_start3A_364 = arith.constant 40 : i32
      %dma_start3A_365 = arith.constant 0 : i32
      %dma_start3A_366 = tpu.memref_slice %arg8[%dma_start3A_364, %dma_start3A_365] : memref<64x128xf32, #tpu.memory_space<vmem>> -> memref<8x128xf32, #tpu.memory_space<vmem>>
      %dma_start3A_367 = arith.constant 0 : i32
      %dma_start3A_368 = arith.constant 0 : i32
      %dma_start3A_369 = tpu.memref_slice %arg4[%add3A_271, %dma_start3A_363, %add3A, %dma_start3A_367, %dma_start3A_368] : memref<50x8x32x8x128xf32, #tpu.memory_space<hbm>> -> memref<1x1x1x8x128xf32, #tpu.memory_space<hbm>>
      %dma_start3A_370 = tpu.memref_squeeze %dma_start3A_369 : memref<1x1x1x8x128xf32, #tpu.memory_space<hbm>> -> memref<8x128xf32, #tpu.memory_space<hbm>>
      %dma_start3A_371 = arith.constant 0 : i32
      %dma_start3A_372 = arith.constant 0 : i32
      %dma_start3A_373 = tpu.memref_slice %arg4[%add3A_271, %dma_start3A_363, %add3A, %dma_start3A_371, %dma_start3A_372] : memref<50x8x32x8x128xf32, #tpu.memory_space<hbm>> -> memref<1x1x1x8x128xf32, #tpu.memory_space<hbm>>
      %dma_start3A_374 = tpu.memref_squeeze %dma_start3A_373 : memref<1x1x1x8x128xf32, #tpu.memory_space<hbm>> -> memref<8x128xf32, #tpu.memory_space<hbm>>
      %dma_start3A_375 = arith.constant 40 : i32
      %dma_start3A_376 = arith.constant 0 : i32
      %dma_start3A_377 = tpu.memref_slice %arg8[%dma_start3A_375, %dma_start3A_376] : memref<64x128xf32, #tpu.memory_space<vmem>> -> memref<8x128xf32, #tpu.memory_space<vmem>>
      tpu.enqueue_dma source(%dma_start3A_377 : memref<8x128xf32, #tpu.memory_space<vmem>>) target(%dma_start3A_374 : memref<8x128xf32, #tpu.memory_space<hbm>>) target_semaphore(%arg12 : memref<!tpu.dma_semaphore, #tpu.memory_space<semaphore_mem>>)
      %dma_start3A_378 = arith.constant 6 : i32
      %dma_start3A_379 = arith.constant 48 : i32
      %dma_start3A_380 = arith.constant 0 : i32
      %dma_start3A_381 = tpu.memref_slice %arg8[%dma_start3A_379, %dma_start3A_380] : memref<64x128xf32, #tpu.memory_space<vmem>> -> memref<8x128xf32, #tpu.memory_space<vmem>>
      %dma_start3A_382 = arith.constant 0 : i32
      %dma_start3A_383 = arith.constant 0 : i32
      %dma_start3A_384 = tpu.memref_slice %arg4[%add3A_271, %dma_start3A_378, %add3A, %dma_start3A_382, %dma_start3A_383] : memref<50x8x32x8x128xf32, #tpu.memory_space<hbm>> -> memref<1x1x1x8x128xf32, #tpu.memory_space<hbm>>
      %dma_start3A_385 = tpu.memref_squeeze %dma_start3A_384 : memref<1x1x1x8x128xf32, #tpu.memory_space<hbm>> -> memref<8x128xf32, #tpu.memory_space<hbm>>
      %dma_start3A_386 = arith.constant 0 : i32
      %dma_start3A_387 = arith.constant 0 : i32
      %dma_start3A_388 = tpu.memref_slice %arg4[%add3A_271, %dma_start3A_378, %add3A, %dma_start3A_386, %dma_start3A_387] : memref<50x8x32x8x128xf32, #tpu.memory_space<hbm>> -> memref<1x1x1x8x128xf32, #tpu.memory_space<hbm>>
      %dma_start3A_389 = tpu.memref_squeeze %dma_start3A_388 : memref<1x1x1x8x128xf32, #tpu.memory_space<hbm>> -> memref<8x128xf32, #tpu.memory_space<hbm>>
      %dma_start3A_390 = arith.constant 48 : i32
      %dma_start3A_391 = arith.constant 0 : i32
      %dma_start3A_392 = tpu.memref_slice %arg8[%dma_start3A_390, %dma_start3A_391] : memref<64x128xf32, #tpu.memory_space<vmem>> -> memref<8x128xf32, #tpu.memory_space<vmem>>
      tpu.enqueue_dma source(%dma_start3A_392 : memref<8x128xf32, #tpu.memory_space<vmem>>) target(%dma_start3A_389 : memref<8x128xf32, #tpu.memory_space<hbm>>) target_semaphore(%arg12 : memref<!tpu.dma_semaphore, #tpu.memory_space<semaphore_mem>>)
      %dma_start3A_393 = arith.constant 7 : i32
      %dma_start3A_394 = arith.constant 56 : i32
      %dma_start3A_395 = arith.constant 0 : i32
      %dma_start3A_396 = tpu.memref_slice %arg8[%dma_start3A_394, %dma_start3A_395] : memref<64x128xf32, #tpu.memory_space<vmem>> -> memref<8x128xf32, #tpu.memory_space<vmem>>
      %dma_start3A_397 = arith.constant 0 : i32
      %dma_start3A_398 = arith.constant 0 : i32
      %dma_start3A_399 = tpu.memref_slice %arg4[%add3A_271, %dma_start3A_393, %add3A, %dma_start3A_397, %dma_start3A_398] : memref<50x8x32x8x128xf32, #tpu.memory_space<hbm>> -> memref<1x1x1x8x128xf32, #tpu.memory_space<hbm>>
      %dma_start3A_400 = tpu.memref_squeeze %dma_start3A_399 : memref<1x1x1x8x128xf32, #tpu.memory_space<hbm>> -> memref<8x128xf32, #tpu.memory_space<hbm>>
      %dma_start3A_401 = arith.constant 0 : i32
      %dma_start3A_402 = arith.constant 0 : i32
      %dma_start3A_403 = tpu.memref_slice %arg4[%add3A_271, %dma_start3A_393, %add3A, %dma_start3A_401, %dma_start3A_402] : memref<50x8x32x8x128xf32, #tpu.memory_space<hbm>> -> memref<1x1x1x8x128xf32, #tpu.memory_space<hbm>>
      %dma_start3A_404 = tpu.memref_squeeze %dma_start3A_403 : memref<1x1x1x8x128xf32, #tpu.memory_space<hbm>> -> memref<8x128xf32, #tpu.memory_space<hbm>>
      %dma_start3A_405 = arith.constant 56 : i32
      %dma_start3A_406 = arith.constant 0 : i32
      %dma_start3A_407 = tpu.memref_slice %arg8[%dma_start3A_405, %dma_start3A_406] : memref<64x128xf32, #tpu.memory_space<vmem>> -> memref<8x128xf32, #tpu.memory_space<vmem>>
      tpu.enqueue_dma source(%dma_start3A_407 : memref<8x128xf32, #tpu.memory_space<vmem>>) target(%dma_start3A_404 : memref<8x128xf32, #tpu.memory_space<hbm>>) target_semaphore(%arg12 : memref<!tpu.dma_semaphore, #tpu.memory_space<semaphore_mem>>)
      %mul3A_408 = arith.constant 2 : i32
      %mul3A_409 = arith.muli %scan3A_267, %mul3A_408 : i32
      %add3A_410 = arith.constant 1 : i32
      %add3A_411 = arith.addi %mul3A_409, %add3A_410 : i32
      %add3A_412 = arith.constant 1 : i32
      %add3A_413 = arith.addi %add3A_411, %add3A_412 : i32
      %lt3A_414 = arith.constant 50 : i32
      %lt3A_415 = arith.cmpi slt, %add3A_413, %lt3A_414 : i32
      %convert_element_type3A_416 = arith.extui %lt3A_415 : i1 to i32
      %cond3A_417 = arith.constant 0 : i32
      %cond3A_418 = arith.cmpi ne, %convert_element_type3A_416, %cond3A_417 : i32
      scf.if %cond3A_418 {
        %add3A_553 = arith.constant 1 : i32
        %add3A_554 = arith.addi %add3A_411, %add3A_553 : i32
        %dma_start3A_555 = arith.constant 0 : i32
        %dma_start3A_556 = tpu.memref_slice %arg5[%add3A_554, %dma_start3A_555] : memref<50x128xi32, #tpu.memory_space<vmem>> -> memref<1x128xi32, #tpu.memory_space<vmem>>
        %dma_start3A_557 = tpu.memref_squeeze %dma_start3A_556 : memref<1x128xi32, #tpu.memory_space<vmem>> -> memref<128xi32, #tpu.memory_space<vmem>>
        %dma_start3A_558 = arith.constant 0 : i32
        %dma_start3A_559 = arith.constant 0 : i32
        %dma_start3A_560 = tpu.memref_slice %arg2[%dma_start3A_558, %dma_start3A_559] : memref<200000x64xf32, #tpu.memory_space<hbm>> -> memref<200000x64xf32, #tpu.memory_space<hbm>>
        tpu.enqueue_indirect_dma source(%dma_start3A_560 : memref<200000x64xf32, #tpu.memory_space<hbm>>) target(%arg6 : memref<128x64xf32, #tpu.memory_space<vmem>>) offsets(%dma_start3A_557 : memref<128xi32, #tpu.memory_space<vmem>>) semaphore(%arg10 : memref<!tpu.dma_semaphore, #tpu.memory_space<semaphore_mem>>)
      } else {
      }
      %dma_wait3A_419 = arith.constant 0 : i32
      %dma_wait3A_420 = tpu.memref_slice %arg5[%add3A_411, %dma_wait3A_419] : memref<50x128xi32, #tpu.memory_space<vmem>> -> memref<1x128xi32, #tpu.memory_space<vmem>>
      %dma_wait3A_421 = tpu.memref_squeeze %dma_wait3A_420 : memref<1x128xi32, #tpu.memory_space<vmem>> -> memref<128xi32, #tpu.memory_space<vmem>>
      %dma_wait3A_422 = arith.constant 0 : i32
      %dma_wait3A_423 = arith.constant 0 : i32
      %dma_wait3A_424 = tpu.memref_slice %arg2[%dma_wait3A_422, %dma_wait3A_423] : memref<200000x64xf32, #tpu.memory_space<hbm>> -> memref<200000x64xf32, #tpu.memory_space<hbm>>
      tpu.wait_indirect_dma semaphore(%arg11 : memref<!tpu.dma_semaphore, #tpu.memory_space<semaphore_mem>>) src(%dma_wait3A_424 : memref<200000x64xf32, #tpu.memory_space<hbm>>) dst(%arg7 : memref<128x64xf32, #tpu.memory_space<vmem>>)
      %ge3A_425 = arith.constant 2 : i32
      %ge3A_426 = arith.cmpi sge, %add3A_411, %ge3A_425 : i32
      %convert_element_type3A_427 = arith.extui %ge3A_426 : i1 to i32
      %cond3A_428 = arith.constant 0 : i32
      %cond3A_429 = arith.cmpi ne, %convert_element_type3A_427, %cond3A_428 : i32
      scf.if %cond3A_429 {
        %sub3A = arith.constant 2 : i32
        %sub3A_553 = arith.subi %add3A_411, %sub3A : i32
        %dma_wait3A_554 = arith.constant 0 : i32
        %dma_wait3A_555 = arith.constant 0 : i32
        %dma_wait3A_556 = arith.constant 0 : i32
        %dma_wait3A_557 = tpu.memref_slice %arg9[%dma_wait3A_555, %dma_wait3A_556] : memref<64x128xf32, #tpu.memory_space<vmem>> -> memref<8x128xf32, #tpu.memory_space<vmem>>
        %dma_wait3A_558 = arith.constant 0 : i32
        %dma_wait3A_559 = arith.constant 0 : i32
        %dma_wait3A_560 = tpu.memref_slice %arg4[%sub3A_553, %dma_wait3A_554, %add3A, %dma_wait3A_558, %dma_wait3A_559] : memref<50x8x32x8x128xf32, #tpu.memory_space<hbm>> -> memref<1x1x1x8x128xf32, #tpu.memory_space<hbm>>
        %dma_wait3A_561 = tpu.memref_squeeze %dma_wait3A_560 : memref<1x1x1x8x128xf32, #tpu.memory_space<hbm>> -> memref<8x128xf32, #tpu.memory_space<hbm>>
        %dma_wait3A_562 = arith.constant 0 : i32
        %dma_wait3A_563 = arith.constant 0 : i32
        %dma_wait3A_564 = tpu.memref_slice %arg4[%sub3A_553, %dma_wait3A_554, %add3A, %dma_wait3A_562, %dma_wait3A_563] : memref<50x8x32x8x128xf32, #tpu.memory_space<hbm>> -> memref<1x1x1x8x128xf32, #tpu.memory_space<hbm>>
        %dma_wait3A_565 = tpu.memref_squeeze %dma_wait3A_564 : memref<1x1x1x8x128xf32, #tpu.memory_space<hbm>> -> memref<8x128xf32, #tpu.memory_space<hbm>>
        %dma_wait3A_566 = arith.constant 0 : i32
        %dma_wait3A_567 = arith.constant 0 : i32
        %dma_wait3A_568 = tpu.memref_slice %arg9[%dma_wait3A_566, %dma_wait3A_567] : memref<64x128xf32, #tpu.memory_space<vmem>> -> memref<8x128xf32, #tpu.memory_space<vmem>>
        tpu.wait_dma2 semaphore(%arg13 : memref<!tpu.dma_semaphore, #tpu.memory_space<semaphore_mem>>) src(%dma_wait3A_568 : memref<8x128xf32, #tpu.memory_space<vmem>>) dst(%dma_wait3A_565 : memref<8x128xf32, #tpu.memory_space<hbm>>)
        %dma_wait3A_569 = arith.constant 1 : i32
        %dma_wait3A_570 = arith.constant 8 : i32
        %dma_wait3A_571 = arith.constant 0 : i32
        %dma_wait3A_572 = tpu.memref_slice %arg9[%dma_wait3A_570, %dma_wait3A_571] : memref<64x128xf32, #tpu.memory_space<vmem>> -> memref<8x128xf32, #tpu.memory_space<vmem>>
        %dma_wait3A_573 = arith.constant 0 : i32
        %dma_wait3A_574 = arith.constant 0 : i32
        %dma_wait3A_575 = tpu.memref_slice %arg4[%sub3A_553, %dma_wait3A_569, %add3A, %dma_wait3A_573, %dma_wait3A_574] : memref<50x8x32x8x128xf32, #tpu.memory_space<hbm>> -> memref<1x1x1x8x128xf32, #tpu.memory_space<hbm>>
        %dma_wait3A_576 = tpu.memref_squeeze %dma_wait3A_575 : memref<1x1x1x8x128xf32, #tpu.memory_space<hbm>> -> memref<8x128xf32, #tpu.memory_space<hbm>>
        %dma_wait3A_577 = arith.constant 0 : i32
        %dma_wait3A_578 = arith.constant 0 : i32
        %dma_wait3A_579 = tpu.memref_slice %arg4[%sub3A_553, %dma_wait3A_569, %add3A, %dma_wait3A_577, %dma_wait3A_578] : memref<50x8x32x8x128xf32, #tpu.memory_space<hbm>> -> memref<1x1x1x8x128xf32, #tpu.memory_space<hbm>>
        %dma_wait3A_580 = tpu.memref_squeeze %dma_wait3A_579 : memref<1x1x1x8x128xf32, #tpu.memory_space<hbm>> -> memref<8x128xf32, #tpu.memory_space<hbm>>
        %dma_wait3A_581 = arith.constant 8 : i32
        %dma_wait3A_582 = arith.constant 0 : i32
        %dma_wait3A_583 = tpu.memref_slice %arg9[%dma_wait3A_581, %dma_wait3A_582] : memref<64x128xf32, #tpu.memory_space<vmem>> -> memref<8x128xf32, #tpu.memory_space<vmem>>
        tpu.wait_dma2 semaphore(%arg13 : memref<!tpu.dma_semaphore, #tpu.memory_space<semaphore_mem>>) src(%dma_wait3A_583 : memref<8x128xf32, #tpu.memory_space<vmem>>) dst(%dma_wait3A_580 : memref<8x128xf32, #tpu.memory_space<hbm>>)
        %dma_wait3A_584 = arith.constant 2 : i32
        %dma_wait3A_585 = arith.constant 16 : i32
        %dma_wait3A_586 = arith.constant 0 : i32
        %dma_wait3A_587 = tpu.memref_slice %arg9[%dma_wait3A_585, %dma_wait3A_586] : memref<64x128xf32, #tpu.memory_space<vmem>> -> memref<8x128xf32, #tpu.memory_space<vmem>>
        %dma_wait3A_588 = arith.constant 0 : i32
        %dma_wait3A_589 = arith.constant 0 : i32
        %dma_wait3A_590 = tpu.memref_slice %arg4[%sub3A_553, %dma_wait3A_584, %add3A, %dma_wait3A_588, %dma_wait3A_589] : memref<50x8x32x8x128xf32, #tpu.memory_space<hbm>> -> memref<1x1x1x8x128xf32, #tpu.memory_space<hbm>>
        %dma_wait3A_591 = tpu.memref_squeeze %dma_wait3A_590 : memref<1x1x1x8x128xf32, #tpu.memory_space<hbm>> -> memref<8x128xf32, #tpu.memory_space<hbm>>
        %dma_wait3A_592 = arith.constant 0 : i32
        %dma_wait3A_593 = arith.constant 0 : i32
        %dma_wait3A_594 = tpu.memref_slice %arg4[%sub3A_553, %dma_wait3A_584, %add3A, %dma_wait3A_592, %dma_wait3A_593] : memref<50x8x32x8x128xf32, #tpu.memory_space<hbm>> -> memref<1x1x1x8x128xf32, #tpu.memory_space<hbm>>
        %dma_wait3A_595 = tpu.memref_squeeze %dma_wait3A_594 : memref<1x1x1x8x128xf32, #tpu.memory_space<hbm>> -> memref<8x128xf32, #tpu.memory_space<hbm>>
        %dma_wait3A_596 = arith.constant 16 : i32
        %dma_wait3A_597 = arith.constant 0 : i32
        %dma_wait3A_598 = tpu.memref_slice %arg9[%dma_wait3A_596, %dma_wait3A_597] : memref<64x128xf32, #tpu.memory_space<vmem>> -> memref<8x128xf32, #tpu.memory_space<vmem>>
        tpu.wait_dma2 semaphore(%arg13 : memref<!tpu.dma_semaphore, #tpu.memory_space<semaphore_mem>>) src(%dma_wait3A_598 : memref<8x128xf32, #tpu.memory_space<vmem>>) dst(%dma_wait3A_595 : memref<8x128xf32, #tpu.memory_space<hbm>>)
        %dma_wait3A_599 = arith.constant 3 : i32
        %dma_wait3A_600 = arith.constant 24 : i32
        %dma_wait3A_601 = arith.constant 0 : i32
        %dma_wait3A_602 = tpu.memref_slice %arg9[%dma_wait3A_600, %dma_wait3A_601] : memref<64x128xf32, #tpu.memory_space<vmem>> -> memref<8x128xf32, #tpu.memory_space<vmem>>
        %dma_wait3A_603 = arith.constant 0 : i32
        %dma_wait3A_604 = arith.constant 0 : i32
        %dma_wait3A_605 = tpu.memref_slice %arg4[%sub3A_553, %dma_wait3A_599, %add3A, %dma_wait3A_603, %dma_wait3A_604] : memref<50x8x32x8x128xf32, #tpu.memory_space<hbm>> -> memref<1x1x1x8x128xf32, #tpu.memory_space<hbm>>
        %dma_wait3A_606 = tpu.memref_squeeze %dma_wait3A_605 : memref<1x1x1x8x128xf32, #tpu.memory_space<hbm>> -> memref<8x128xf32, #tpu.memory_space<hbm>>
        %dma_wait3A_607 = arith.constant 0 : i32
        %dma_wait3A_608 = arith.constant 0 : i32
        %dma_wait3A_609 = tpu.memref_slice %arg4[%sub3A_553, %dma_wait3A_599, %add3A, %dma_wait3A_607, %dma_wait3A_608] : memref<50x8x32x8x128xf32, #tpu.memory_space<hbm>> -> memref<1x1x1x8x128xf32, #tpu.memory_space<hbm>>
        %dma_wait3A_610 = tpu.memref_squeeze %dma_wait3A_609 : memref<1x1x1x8x128xf32, #tpu.memory_space<hbm>> -> memref<8x128xf32, #tpu.memory_space<hbm>>
        %dma_wait3A_611 = arith.constant 24 : i32
        %dma_wait3A_612 = arith.constant 0 : i32
        %dma_wait3A_613 = tpu.memref_slice %arg9[%dma_wait3A_611, %dma_wait3A_612] : memref<64x128xf32, #tpu.memory_space<vmem>> -> memref<8x128xf32, #tpu.memory_space<vmem>>
        tpu.wait_dma2 semaphore(%arg13 : memref<!tpu.dma_semaphore, #tpu.memory_space<semaphore_mem>>) src(%dma_wait3A_613 : memref<8x128xf32, #tpu.memory_space<vmem>>) dst(%dma_wait3A_610 : memref<8x128xf32, #tpu.memory_space<hbm>>)
        %dma_wait3A_614 = arith.constant 4 : i32
        %dma_wait3A_615 = arith.constant 32 : i32
        %dma_wait3A_616 = arith.constant 0 : i32
        %dma_wait3A_617 = tpu.memref_slice %arg9[%dma_wait3A_615, %dma_wait3A_616] : memref<64x128xf32, #tpu.memory_space<vmem>> -> memref<8x128xf32, #tpu.memory_space<vmem>>
        %dma_wait3A_618 = arith.constant 0 : i32
        %dma_wait3A_619 = arith.constant 0 : i32
        %dma_wait3A_620 = tpu.memref_slice %arg4[%sub3A_553, %dma_wait3A_614, %add3A, %dma_wait3A_618, %dma_wait3A_619] : memref<50x8x32x8x128xf32, #tpu.memory_space<hbm>> -> memref<1x1x1x8x128xf32, #tpu.memory_space<hbm>>
        %dma_wait3A_621 = tpu.memref_squeeze %dma_wait3A_620 : memref<1x1x1x8x128xf32, #tpu.memory_space<hbm>> -> memref<8x128xf32, #tpu.memory_space<hbm>>
        %dma_wait3A_622 = arith.constant 0 : i32
        %dma_wait3A_623 = arith.constant 0 : i32
        %dma_wait3A_624 = tpu.memref_slice %arg4[%sub3A_553, %dma_wait3A_614, %add3A, %dma_wait3A_622, %dma_wait3A_623] : memref<50x8x32x8x128xf32, #tpu.memory_space<hbm>> -> memref<1x1x1x8x128xf32, #tpu.memory_space<hbm>>
        %dma_wait3A_625 = tpu.memref_squeeze %dma_wait3A_624 : memref<1x1x1x8x128xf32, #tpu.memory_space<hbm>> -> memref<8x128xf32, #tpu.memory_space<hbm>>
        %dma_wait3A_626 = arith.constant 32 : i32
        %dma_wait3A_627 = arith.constant 0 : i32
        %dma_wait3A_628 = tpu.memref_slice %arg9[%dma_wait3A_626, %dma_wait3A_627] : memref<64x128xf32, #tpu.memory_space<vmem>> -> memref<8x128xf32, #tpu.memory_space<vmem>>
        tpu.wait_dma2 semaphore(%arg13 : memref<!tpu.dma_semaphore, #tpu.memory_space<semaphore_mem>>) src(%dma_wait3A_628 : memref<8x128xf32, #tpu.memory_space<vmem>>) dst(%dma_wait3A_625 : memref<8x128xf32, #tpu.memory_space<hbm>>)
        %dma_wait3A_629 = arith.constant 5 : i32
        %dma_wait3A_630 = arith.constant 40 : i32
        %dma_wait3A_631 = arith.constant 0 : i32
        %dma_wait3A_632 = tpu.memref_slice %arg9[%dma_wait3A_630, %dma_wait3A_631] : memref<64x128xf32, #tpu.memory_space<vmem>> -> memref<8x128xf32, #tpu.memory_space<vmem>>
        %dma_wait3A_633 = arith.constant 0 : i32
        %dma_wait3A_634 = arith.constant 0 : i32
        %dma_wait3A_635 = tpu.memref_slice %arg4[%sub3A_553, %dma_wait3A_629, %add3A, %dma_wait3A_633, %dma_wait3A_634] : memref<50x8x32x8x128xf32, #tpu.memory_space<hbm>> -> memref<1x1x1x8x128xf32, #tpu.memory_space<hbm>>
        %dma_wait3A_636 = tpu.memref_squeeze %dma_wait3A_635 : memref<1x1x1x8x128xf32, #tpu.memory_space<hbm>> -> memref<8x128xf32, #tpu.memory_space<hbm>>
        %dma_wait3A_637 = arith.constant 0 : i32
        %dma_wait3A_638 = arith.constant 0 : i32
        %dma_wait3A_639 = tpu.memref_slice %arg4[%sub3A_553, %dma_wait3A_629, %add3A, %dma_wait3A_637, %dma_wait3A_638] : memref<50x8x32x8x128xf32, #tpu.memory_space<hbm>> -> memref<1x1x1x8x128xf32, #tpu.memory_space<hbm>>
        %dma_wait3A_640 = tpu.memref_squeeze %dma_wait3A_639 : memref<1x1x1x8x128xf32, #tpu.memory_space<hbm>> -> memref<8x128xf32, #tpu.memory_space<hbm>>
        %dma_wait3A_641 = arith.constant 40 : i32
        %dma_wait3A_642 = arith.constant 0 : i32
        %dma_wait3A_643 = tpu.memref_slice %arg9[%dma_wait3A_641, %dma_wait3A_642] : memref<64x128xf32, #tpu.memory_space<vmem>> -> memref<8x128xf32, #tpu.memory_space<vmem>>
        tpu.wait_dma2 semaphore(%arg13 : memref<!tpu.dma_semaphore, #tpu.memory_space<semaphore_mem>>) src(%dma_wait3A_643 : memref<8x128xf32, #tpu.memory_space<vmem>>) dst(%dma_wait3A_640 : memref<8x128xf32, #tpu.memory_space<hbm>>)
        %dma_wait3A_644 = arith.constant 6 : i32
        %dma_wait3A_645 = arith.constant 48 : i32
        %dma_wait3A_646 = arith.constant 0 : i32
        %dma_wait3A_647 = tpu.memref_slice %arg9[%dma_wait3A_645, %dma_wait3A_646] : memref<64x128xf32, #tpu.memory_space<vmem>> -> memref<8x128xf32, #tpu.memory_space<vmem>>
        %dma_wait3A_648 = arith.constant 0 : i32
        %dma_wait3A_649 = arith.constant 0 : i32
        %dma_wait3A_650 = tpu.memref_slice %arg4[%sub3A_553, %dma_wait3A_644, %add3A, %dma_wait3A_648, %dma_wait3A_649] : memref<50x8x32x8x128xf32, #tpu.memory_space<hbm>> -> memref<1x1x1x8x128xf32, #tpu.memory_space<hbm>>
        %dma_wait3A_651 = tpu.memref_squeeze %dma_wait3A_650 : memref<1x1x1x8x128xf32, #tpu.memory_space<hbm>> -> memref<8x128xf32, #tpu.memory_space<hbm>>
        %dma_wait3A_652 = arith.constant 0 : i32
        %dma_wait3A_653 = arith.constant 0 : i32
        %dma_wait3A_654 = tpu.memref_slice %arg4[%sub3A_553, %dma_wait3A_644, %add3A, %dma_wait3A_652, %dma_wait3A_653] : memref<50x8x32x8x128xf32, #tpu.memory_space<hbm>> -> memref<1x1x1x8x128xf32, #tpu.memory_space<hbm>>
        %dma_wait3A_655 = tpu.memref_squeeze %dma_wait3A_654 : memref<1x1x1x8x128xf32, #tpu.memory_space<hbm>> -> memref<8x128xf32, #tpu.memory_space<hbm>>
        %dma_wait3A_656 = arith.constant 48 : i32
        %dma_wait3A_657 = arith.constant 0 : i32
        %dma_wait3A_658 = tpu.memref_slice %arg9[%dma_wait3A_656, %dma_wait3A_657] : memref<64x128xf32, #tpu.memory_space<vmem>> -> memref<8x128xf32, #tpu.memory_space<vmem>>
        tpu.wait_dma2 semaphore(%arg13 : memref<!tpu.dma_semaphore, #tpu.memory_space<semaphore_mem>>) src(%dma_wait3A_658 : memref<8x128xf32, #tpu.memory_space<vmem>>) dst(%dma_wait3A_655 : memref<8x128xf32, #tpu.memory_space<hbm>>)
        %dma_wait3A_659 = arith.constant 7 : i32
        %dma_wait3A_660 = arith.constant 56 : i32
        %dma_wait3A_661 = arith.constant 0 : i32
        %dma_wait3A_662 = tpu.memref_slice %arg9[%dma_wait3A_660, %dma_wait3A_661] : memref<64x128xf32, #tpu.memory_space<vmem>> -> memref<8x128xf32, #tpu.memory_space<vmem>>
        %dma_wait3A_663 = arith.constant 0 : i32
        %dma_wait3A_664 = arith.constant 0 : i32
        %dma_wait3A_665 = tpu.memref_slice %arg4[%sub3A_553, %dma_wait3A_659, %add3A, %dma_wait3A_663, %dma_wait3A_664] : memref<50x8x32x8x128xf32, #tpu.memory_space<hbm>> -> memref<1x1x1x8x128xf32, #tpu.memory_space<hbm>>
        %dma_wait3A_666 = tpu.memref_squeeze %dma_wait3A_665 : memref<1x1x1x8x128xf32, #tpu.memory_space<hbm>> -> memref<8x128xf32, #tpu.memory_space<hbm>>
        %dma_wait3A_667 = arith.constant 0 : i32
        %dma_wait3A_668 = arith.constant 0 : i32
        %dma_wait3A_669 = tpu.memref_slice %arg4[%sub3A_553, %dma_wait3A_659, %add3A, %dma_wait3A_667, %dma_wait3A_668] : memref<50x8x32x8x128xf32, #tpu.memory_space<hbm>> -> memref<1x1x1x8x128xf32, #tpu.memory_space<hbm>>
        %dma_wait3A_670 = tpu.memref_squeeze %dma_wait3A_669 : memref<1x1x1x8x128xf32, #tpu.memory_space<hbm>> -> memref<8x128xf32, #tpu.memory_space<hbm>>
        %dma_wait3A_671 = arith.constant 56 : i32
        %dma_wait3A_672 = arith.constant 0 : i32
        %dma_wait3A_673 = tpu.memref_slice %arg9[%dma_wait3A_671, %dma_wait3A_672] : memref<64x128xf32, #tpu.memory_space<vmem>> -> memref<8x128xf32, #tpu.memory_space<vmem>>
        tpu.wait_dma2 semaphore(%arg13 : memref<!tpu.dma_semaphore, #tpu.memory_space<semaphore_mem>>) src(%dma_wait3A_673 : memref<8x128xf32, #tpu.memory_space<vmem>>) dst(%dma_wait3A_670 : memref<8x128xf32, #tpu.memory_space<hbm>>)
      } else {
      }
      %parallel_loop3A_430 = arith.constant 0 : i32
      %parallel_loop3A_431 = arith.constant 32 : i32
      %parallel_loop3A_432 = arith.constant 1 : i32
      scf.for %parallel_loop3A_553 = %parallel_loop3A_430 to %parallel_loop3A_431 step %parallel_loop3A_432  : i32 {
        %parallel_loop3A_554 = arith.constant 4 : i32
        %parallel_loop3A_555 = arith.divsi %parallel_loop3A_553, %parallel_loop3A_554 : i32
        %parallel_loop3A_556 = arith.constant 0 : i32
        %parallel_loop3A_557 = arith.cmpi sgt, %parallel_loop3A_553, %parallel_loop3A_556 : i32
        %parallel_loop3A_558 = arith.extui %parallel_loop3A_557 : i1 to i32
        %parallel_loop3A_559 = arith.constant 0 : i32
        %parallel_loop3A_560 = arith.cmpi slt, %parallel_loop3A_553, %parallel_loop3A_559 : i32
        %parallel_loop3A_561 = arith.extui %parallel_loop3A_560 : i1 to i32
        %parallel_loop3A_562 = arith.subi %parallel_loop3A_558, %parallel_loop3A_561 : i32
        %parallel_loop3A_563 = arith.constant 0 : i32
        %parallel_loop3A_564 = arith.cmpi sgt, %parallel_loop3A_554, %parallel_loop3A_563 : i32
        %parallel_loop3A_565 = arith.extui %parallel_loop3A_564 : i1 to i32
        %parallel_loop3A_566 = arith.constant 0 : i32
        %parallel_loop3A_567 = arith.cmpi slt, %parallel_loop3A_554, %parallel_loop3A_566 : i32
        %parallel_loop3A_568 = arith.extui %parallel_loop3A_567 : i1 to i32
        %parallel_loop3A_569 = arith.subi %parallel_loop3A_565, %parallel_loop3A_568 : i32
        %parallel_loop3A_570 = arith.cmpi ne, %parallel_loop3A_562, %parallel_loop3A_569 : i32
        %parallel_loop3A_571 = arith.remsi %parallel_loop3A_553, %parallel_loop3A_554 : i32
        %parallel_loop3A_572 = arith.constant 0 : i32
        %parallel_loop3A_573 = arith.cmpi ne, %parallel_loop3A_571, %parallel_loop3A_572 : i32
        %parallel_loop3A_574 = arith.andi %parallel_loop3A_570, %parallel_loop3A_573 : i1
        %parallel_loop3A_575 = arith.constant 1 : i32
        %parallel_loop3A_576 = arith.subi %parallel_loop3A_555, %parallel_loop3A_575 : i32
        %parallel_loop3A_577 = arith.select %parallel_loop3A_574, %parallel_loop3A_576, %parallel_loop3A_555 : i32
        %parallel_loop3A_578 = arith.constant 16 : i32
        %parallel_loop3A_579 = arith.muli %parallel_loop3A_577, %parallel_loop3A_578 : i32
        %parallel_loop3A_580 = arith.constant 4 : i32
        %parallel_loop3A_581 = arith.remsi %parallel_loop3A_553, %parallel_loop3A_580 : i32
        %parallel_loop3A_582 = arith.constant 16 : i32
        %parallel_loop3A_583 = arith.muli %parallel_loop3A_581, %parallel_loop3A_582 : i32
        %parallel_loop3A_584 = vector.broadcast %parallel_loop3A_579 : i32 to vector<16xi32>
        %parallel_loop3A_585 = arith.addi %parallel_loop3A_584, %iota3A : vector<16xi32>
        %parallel_loop3A_586 = arith.constant 0 : i32
        %parallel_loop3A_587 = vector.broadcast %parallel_loop3A_586 : i32 to vector<16xi32>
        %parallel_loop3A_588 = arith.addi %iota3A, %parallel_loop3A_587 : vector<16xi32>
        %parallel_loop3A_589 = arith.constant 15 : i32
        %parallel_loop3A_590 = vector.broadcast %parallel_loop3A_589 : i32 to vector<16xi32>
        %parallel_loop3A_591 = arith.andi %parallel_loop3A_588, %parallel_loop3A_590 : vector<16xi32>
        %parallel_loop3A_592 = vector.broadcast %parallel_loop3A_583 : i32 to vector<16xi32>
        %parallel_loop3A_593 = arith.addi %parallel_loop3A_592, %parallel_loop3A_591 : vector<16xi32>
        %parallel_loop3A_594 = tpu.vector_load_idx %arg7[%parallel_loop3A_585, %parallel_loop3A_593] : memref<128x64xf32, #tpu.memory_space<vmem>>[vector<16xi32>, vector<16xi32>], vector<16xf32>,
        tpu.vector_store_idx %arg9[%parallel_loop3A_593, %parallel_loop3A_585], %parallel_loop3A_594 : memref<64x128xf32, #tpu.memory_space<vmem>>[vector<16xi32>, vector<16xi32>], vector<16xf32>,
        %parallel_loop3A_595 = arith.constant 1 : i32
        %parallel_loop3A_596 = vector.broadcast %parallel_loop3A_595 : i32 to vector<16xi32>
        %parallel_loop3A_597 = arith.addi %iota3A, %parallel_loop3A_596 : vector<16xi32>
        %parallel_loop3A_598 = arith.constant 15 : i32
        %parallel_loop3A_599 = vector.broadcast %parallel_loop3A_598 : i32 to vector<16xi32>
        %parallel_loop3A_600 = arith.andi %parallel_loop3A_597, %parallel_loop3A_599 : vector<16xi32>
        %parallel_loop3A_601 = vector.broadcast %parallel_loop3A_583 : i32 to vector<16xi32>
        %parallel_loop3A_602 = arith.addi %parallel_loop3A_601, %parallel_loop3A_600 : vector<16xi32>
        %parallel_loop3A_603 = tpu.vector_load_idx %arg7[%parallel_loop3A_585, %parallel_loop3A_602] : memref<128x64xf32, #tpu.memory_space<vmem>>[vector<16xi32>, vector<16xi32>], vector<16xf32>,
        tpu.vector_store_idx %arg9[%parallel_loop3A_602, %parallel_loop3A_585], %parallel_loop3A_603 : memref<64x128xf32, #tpu.memory_space<vmem>>[vector<16xi32>, vector<16xi32>], vector<16xf32>,
        %parallel_loop3A_604 = arith.constant 2 : i32
        %parallel_loop3A_605 = vector.broadcast %parallel_loop3A_604 : i32 to vector<16xi32>
        %parallel_loop3A_606 = arith.addi %iota3A, %parallel_loop3A_605 : vector<16xi32>
        %parallel_loop3A_607 = arith.constant 15 : i32
        %parallel_loop3A_608 = vector.broadcast %parallel_loop3A_607 : i32 to vector<16xi32>
        %parallel_loop3A_609 = arith.andi %parallel_loop3A_606, %parallel_loop3A_608 : vector<16xi32>
        %parallel_loop3A_610 = vector.broadcast %parallel_loop3A_583 : i32 to vector<16xi32>
        %parallel_loop3A_611 = arith.addi %parallel_loop3A_610, %parallel_loop3A_609 : vector<16xi32>
        %parallel_loop3A_612 = tpu.vector_load_idx %arg7[%parallel_loop3A_585, %parallel_loop3A_611] : memref<128x64xf32, #tpu.memory_space<vmem>>[vector<16xi32>, vector<16xi32>], vector<16xf32>,
        tpu.vector_store_idx %arg9[%parallel_loop3A_611, %parallel_loop3A_585], %parallel_loop3A_612 : memref<64x128xf32, #tpu.memory_space<vmem>>[vector<16xi32>, vector<16xi32>], vector<16xf32>,
        %parallel_loop3A_613 = arith.constant 3 : i32
        %parallel_loop3A_614 = vector.broadcast %parallel_loop3A_613 : i32 to vector<16xi32>
        %parallel_loop3A_615 = arith.addi %iota3A, %parallel_loop3A_614 : vector<16xi32>
        %parallel_loop3A_616 = arith.constant 15 : i32
        %parallel_loop3A_617 = vector.broadcast %parallel_loop3A_616 : i32 to vector<16xi32>
        %parallel_loop3A_618 = arith.andi %parallel_loop3A_615, %parallel_loop3A_617 : vector<16xi32>
        %parallel_loop3A_619 = vector.broadcast %parallel_loop3A_583 : i32 to vector<16xi32>
        %parallel_loop3A_620 = arith.addi %parallel_loop3A_619, %parallel_loop3A_618 : vector<16xi32>
        %parallel_loop3A_621 = tpu.vector_load_idx %arg7[%parallel_loop3A_585, %parallel_loop3A_620] : memref<128x64xf32, #tpu.memory_space<vmem>>[vector<16xi32>, vector<16xi32>], vector<16xf32>,
        tpu.vector_store_idx %arg9[%parallel_loop3A_620, %parallel_loop3A_585], %parallel_loop3A_621 : memref<64x128xf32, #tpu.memory_space<vmem>>[vector<16xi32>, vector<16xi32>], vector<16xf32>,
        %parallel_loop3A_622 = arith.constant 4 : i32
        %parallel_loop3A_623 = vector.broadcast %parallel_loop3A_622 : i32 to vector<16xi32>
        %parallel_loop3A_624 = arith.addi %iota3A, %parallel_loop3A_623 : vector<16xi32>
        %parallel_loop3A_625 = arith.constant 15 : i32
        %parallel_loop3A_626 = vector.broadcast %parallel_loop3A_625 : i32 to vector<16xi32>
        %parallel_loop3A_627 = arith.andi %parallel_loop3A_624, %parallel_loop3A_626 : vector<16xi32>
        %parallel_loop3A_628 = vector.broadcast %parallel_loop3A_583 : i32 to vector<16xi32>
        %parallel_loop3A_629 = arith.addi %parallel_loop3A_628, %parallel_loop3A_627 : vector<16xi32>
        %parallel_loop3A_630 = tpu.vector_load_idx %arg7[%parallel_loop3A_585, %parallel_loop3A_629] : memref<128x64xf32, #tpu.memory_space<vmem>>[vector<16xi32>, vector<16xi32>], vector<16xf32>,
        tpu.vector_store_idx %arg9[%parallel_loop3A_629, %parallel_loop3A_585], %parallel_loop3A_630 : memref<64x128xf32, #tpu.memory_space<vmem>>[vector<16xi32>, vector<16xi32>], vector<16xf32>,
        %parallel_loop3A_631 = arith.constant 5 : i32
        %parallel_loop3A_632 = vector.broadcast %parallel_loop3A_631 : i32 to vector<16xi32>
        %parallel_loop3A_633 = arith.addi %iota3A, %parallel_loop3A_632 : vector<16xi32>
        %parallel_loop3A_634 = arith.constant 15 : i32
        %parallel_loop3A_635 = vector.broadcast %parallel_loop3A_634 : i32 to vector<16xi32>
        %parallel_loop3A_636 = arith.andi %parallel_loop3A_633, %parallel_loop3A_635 : vector<16xi32>
        %parallel_loop3A_637 = vector.broadcast %parallel_loop3A_583 : i32 to vector<16xi32>
        %parallel_loop3A_638 = arith.addi %parallel_loop3A_637, %parallel_loop3A_636 : vector<16xi32>
        %parallel_loop3A_639 = tpu.vector_load_idx %arg7[%parallel_loop3A_585, %parallel_loop3A_638] : memref<128x64xf32, #tpu.memory_space<vmem>>[vector<16xi32>, vector<16xi32>], vector<16xf32>,
        tpu.vector_store_idx %arg9[%parallel_loop3A_638, %parallel_loop3A_585], %parallel_loop3A_639 : memref<64x128xf32, #tpu.memory_space<vmem>>[vector<16xi32>, vector<16xi32>], vector<16xf32>,
        %parallel_loop3A_640 = arith.constant 6 : i32
        %parallel_loop3A_641 = vector.broadcast %parallel_loop3A_640 : i32 to vector<16xi32>
        %parallel_loop3A_642 = arith.addi %iota3A, %parallel_loop3A_641 : vector<16xi32>
        %parallel_loop3A_643 = arith.constant 15 : i32
        %parallel_loop3A_644 = vector.broadcast %parallel_loop3A_643 : i32 to vector<16xi32>
        %parallel_loop3A_645 = arith.andi %parallel_loop3A_642, %parallel_loop3A_644 : vector<16xi32>
        %parallel_loop3A_646 = vector.broadcast %parallel_loop3A_583 : i32 to vector<16xi32>
        %parallel_loop3A_647 = arith.addi %parallel_loop3A_646, %parallel_loop3A_645 : vector<16xi32>
        %parallel_loop3A_648 = tpu.vector_load_idx %arg7[%parallel_loop3A_585, %parallel_loop3A_647] : memref<128x64xf32, #tpu.memory_space<vmem>>[vector<16xi32>, vector<16xi32>], vector<16xf32>,
        tpu.vector_store_idx %arg9[%parallel_loop3A_647, %parallel_loop3A_585], %parallel_loop3A_648 : memref<64x128xf32, #tpu.memory_space<vmem>>[vector<16xi32>, vector<16xi32>], vector<16xf32>,
        %parallel_loop3A_649 = arith.constant 7 : i32
        %parallel_loop3A_650 = vector.broadcast %parallel_loop3A_649 : i32 to vector<16xi32>
        %parallel_loop3A_651 = arith.addi %iota3A, %parallel_loop3A_650 : vector<16xi32>
        %parallel_loop3A_652 = arith.constant 15 : i32
        %parallel_loop3A_653 = vector.broadcast %parallel_loop3A_652 : i32 to vector<16xi32>
        %parallel_loop3A_654 = arith.andi %parallel_loop3A_651, %parallel_loop3A_653 : vector<16xi32>
        %parallel_loop3A_655 = vector.broadcast %parallel_loop3A_583 : i32 to vector<16xi32>
        %parallel_loop3A_656 = arith.addi %parallel_loop3A_655, %parallel_loop3A_654 : vector<16xi32>
        %parallel_loop3A_657 = tpu.vector_load_idx %arg7[%parallel_loop3A_585, %parallel_loop3A_656] : memref<128x64xf32, #tpu.memory_space<vmem>>[vector<16xi32>, vector<16xi32>], vector<16xf32>,
        tpu.vector_store_idx %arg9[%parallel_loop3A_656, %parallel_loop3A_585], %parallel_loop3A_657 : memref<64x128xf32, #tpu.memory_space<vmem>>[vector<16xi32>, vector<16xi32>], vector<16xf32>,
        %parallel_loop3A_658 = arith.constant 8 : i32
        %parallel_loop3A_659 = vector.broadcast %parallel_loop3A_658 : i32 to vector<16xi32>
        %parallel_loop3A_660 = arith.addi %iota3A, %parallel_loop3A_659 : vector<16xi32>
        %parallel_loop3A_661 = arith.constant 15 : i32
        %parallel_loop3A_662 = vector.broadcast %parallel_loop3A_661 : i32 to vector<16xi32>
        %parallel_loop3A_663 = arith.andi %parallel_loop3A_660, %parallel_loop3A_662 : vector<16xi32>
        %parallel_loop3A_664 = vector.broadcast %parallel_loop3A_583 : i32 to vector<16xi32>
        %parallel_loop3A_665 = arith.addi %parallel_loop3A_664, %parallel_loop3A_663 : vector<16xi32>
        %parallel_loop3A_666 = tpu.vector_load_idx %arg7[%parallel_loop3A_585, %parallel_loop3A_665] : memref<128x64xf32, #tpu.memory_space<vmem>>[vector<16xi32>, vector<16xi32>], vector<16xf32>,
        tpu.vector_store_idx %arg9[%parallel_loop3A_665, %parallel_loop3A_585], %parallel_loop3A_666 : memref<64x128xf32, #tpu.memory_space<vmem>>[vector<16xi32>, vector<16xi32>], vector<16xf32>,
        %parallel_loop3A_667 = arith.constant 9 : i32
        %parallel_loop3A_668 = vector.broadcast %parallel_loop3A_667 : i32 to vector<16xi32>
        %parallel_loop3A_669 = arith.addi %iota3A, %parallel_loop3A_668 : vector<16xi32>
        %parallel_loop3A_670 = arith.constant 15 : i32
        %parallel_loop3A_671 = vector.broadcast %parallel_loop3A_670 : i32 to vector<16xi32>
        %parallel_loop3A_672 = arith.andi %parallel_loop3A_669, %parallel_loop3A_671 : vector<16xi32>
        %parallel_loop3A_673 = vector.broadcast %parallel_loop3A_583 : i32 to vector<16xi32>
        %parallel_loop3A_674 = arith.addi %parallel_loop3A_673, %parallel_loop3A_672 : vector<16xi32>
        %parallel_loop3A_675 = tpu.vector_load_idx %arg7[%parallel_loop3A_585, %parallel_loop3A_674] : memref<128x64xf32, #tpu.memory_space<vmem>>[vector<16xi32>, vector<16xi32>], vector<16xf32>,
        tpu.vector_store_idx %arg9[%parallel_loop3A_674, %parallel_loop3A_585], %parallel_loop3A_675 : memref<64x128xf32, #tpu.memory_space<vmem>>[vector<16xi32>, vector<16xi32>], vector<16xf32>,
        %parallel_loop3A_676 = arith.constant 10 : i32
        %parallel_loop3A_677 = vector.broadcast %parallel_loop3A_676 : i32 to vector<16xi32>
        %parallel_loop3A_678 = arith.addi %iota3A, %parallel_loop3A_677 : vector<16xi32>
        %parallel_loop3A_679 = arith.constant 15 : i32
        %parallel_loop3A_680 = vector.broadcast %parallel_loop3A_679 : i32 to vector<16xi32>
        %parallel_loop3A_681 = arith.andi %parallel_loop3A_678, %parallel_loop3A_680 : vector<16xi32>
        %parallel_loop3A_682 = vector.broadcast %parallel_loop3A_583 : i32 to vector<16xi32>
        %parallel_loop3A_683 = arith.addi %parallel_loop3A_682, %parallel_loop3A_681 : vector<16xi32>
        %parallel_loop3A_684 = tpu.vector_load_idx %arg7[%parallel_loop3A_585, %parallel_loop3A_683] : memref<128x64xf32, #tpu.memory_space<vmem>>[vector<16xi32>, vector<16xi32>], vector<16xf32>,
        tpu.vector_store_idx %arg9[%parallel_loop3A_683, %parallel_loop3A_585], %parallel_loop3A_684 : memref<64x128xf32, #tpu.memory_space<vmem>>[vector<16xi32>, vector<16xi32>], vector<16xf32>,
        %parallel_loop3A_685 = arith.constant 11 : i32
        %parallel_loop3A_686 = vector.broadcast %parallel_loop3A_685 : i32 to vector<16xi32>
        %parallel_loop3A_687 = arith.addi %iota3A, %parallel_loop3A_686 : vector<16xi32>
        %parallel_loop3A_688 = arith.constant 15 : i32
        %parallel_loop3A_689 = vector.broadcast %parallel_loop3A_688 : i32 to vector<16xi32>
        %parallel_loop3A_690 = arith.andi %parallel_loop3A_687, %parallel_loop3A_689 : vector<16xi32>
        %parallel_loop3A_691 = vector.broadcast %parallel_loop3A_583 : i32 to vector<16xi32>
        %parallel_loop3A_692 = arith.addi %parallel_loop3A_691, %parallel_loop3A_690 : vector<16xi32>
        %parallel_loop3A_693 = tpu.vector_load_idx %arg7[%parallel_loop3A_585, %parallel_loop3A_692] : memref<128x64xf32, #tpu.memory_space<vmem>>[vector<16xi32>, vector<16xi32>], vector<16xf32>,
        tpu.vector_store_idx %arg9[%parallel_loop3A_692, %parallel_loop3A_585], %parallel_loop3A_693 : memref<64x128xf32, #tpu.memory_space<vmem>>[vector<16xi32>, vector<16xi32>], vector<16xf32>,
        %parallel_loop3A_694 = arith.constant 12 : i32
        %parallel_loop3A_695 = vector.broadcast %parallel_loop3A_694 : i32 to vector<16xi32>
        %parallel_loop3A_696 = arith.addi %iota3A, %parallel_loop3A_695 : vector<16xi32>
        %parallel_loop3A_697 = arith.constant 15 : i32
        %parallel_loop3A_698 = vector.broadcast %parallel_loop3A_697 : i32 to vector<16xi32>
        %parallel_loop3A_699 = arith.andi %parallel_loop3A_696, %parallel_loop3A_698 : vector<16xi32>
        %parallel_loop3A_700 = vector.broadcast %parallel_loop3A_583 : i32 to vector<16xi32>
        %parallel_loop3A_701 = arith.addi %parallel_loop3A_700, %parallel_loop3A_699 : vector<16xi32>
        %parallel_loop3A_702 = tpu.vector_load_idx %arg7[%parallel_loop3A_585, %parallel_loop3A_701] : memref<128x64xf32, #tpu.memory_space<vmem>>[vector<16xi32>, vector<16xi32>], vector<16xf32>,
        tpu.vector_store_idx %arg9[%parallel_loop3A_701, %parallel_loop3A_585], %parallel_loop3A_702 : memref<64x128xf32, #tpu.memory_space<vmem>>[vector<16xi32>, vector<16xi32>], vector<16xf32>,
        %parallel_loop3A_703 = arith.constant 13 : i32
        %parallel_loop3A_704 = vector.broadcast %parallel_loop3A_703 : i32 to vector<16xi32>
        %parallel_loop3A_705 = arith.addi %iota3A, %parallel_loop3A_704 : vector<16xi32>
        %parallel_loop3A_706 = arith.constant 15 : i32
        %parallel_loop3A_707 = vector.broadcast %parallel_loop3A_706 : i32 to vector<16xi32>
        %parallel_loop3A_708 = arith.andi %parallel_loop3A_705, %parallel_loop3A_707 : vector<16xi32>
        %parallel_loop3A_709 = vector.broadcast %parallel_loop3A_583 : i32 to vector<16xi32>
        %parallel_loop3A_710 = arith.addi %parallel_loop3A_709, %parallel_loop3A_708 : vector<16xi32>
        %parallel_loop3A_711 = tpu.vector_load_idx %arg7[%parallel_loop3A_585, %parallel_loop3A_710] : memref<128x64xf32, #tpu.memory_space<vmem>>[vector<16xi32>, vector<16xi32>], vector<16xf32>,
        tpu.vector_store_idx %arg9[%parallel_loop3A_710, %parallel_loop3A_585], %parallel_loop3A_711 : memref<64x128xf32, #tpu.memory_space<vmem>>[vector<16xi32>, vector<16xi32>], vector<16xf32>,
        %parallel_loop3A_712 = arith.constant 14 : i32
        %parallel_loop3A_713 = vector.broadcast %parallel_loop3A_712 : i32 to vector<16xi32>
        %parallel_loop3A_714 = arith.addi %iota3A, %parallel_loop3A_713 : vector<16xi32>
        %parallel_loop3A_715 = arith.constant 15 : i32
        %parallel_loop3A_716 = vector.broadcast %parallel_loop3A_715 : i32 to vector<16xi32>
        %parallel_loop3A_717 = arith.andi %parallel_loop3A_714, %parallel_loop3A_716 : vector<16xi32>
        %parallel_loop3A_718 = vector.broadcast %parallel_loop3A_583 : i32 to vector<16xi32>
        %parallel_loop3A_719 = arith.addi %parallel_loop3A_718, %parallel_loop3A_717 : vector<16xi32>
        %parallel_loop3A_720 = tpu.vector_load_idx %arg7[%parallel_loop3A_585, %parallel_loop3A_719] : memref<128x64xf32, #tpu.memory_space<vmem>>[vector<16xi32>, vector<16xi32>], vector<16xf32>,
        tpu.vector_store_idx %arg9[%parallel_loop3A_719, %parallel_loop3A_585], %parallel_loop3A_720 : memref<64x128xf32, #tpu.memory_space<vmem>>[vector<16xi32>, vector<16xi32>], vector<16xf32>,
        %parallel_loop3A_721 = arith.constant 15 : i32
        %parallel_loop3A_722 = vector.broadcast %parallel_loop3A_721 : i32 to vector<16xi32>
        %parallel_loop3A_723 = arith.addi %iota3A, %parallel_loop3A_722 : vector<16xi32>
        %parallel_loop3A_724 = arith.constant 15 : i32
        %parallel_loop3A_725 = vector.broadcast %parallel_loop3A_724 : i32 to vector<16xi32>
        %parallel_loop3A_726 = arith.andi %parallel_loop3A_723, %parallel_loop3A_725 : vector<16xi32>
        %parallel_loop3A_727 = vector.broadcast %parallel_loop3A_583 : i32 to vector<16xi32>
        %parallel_loop3A_728 = arith.addi %parallel_loop3A_727, %parallel_loop3A_726 : vector<16xi32>
        %parallel_loop3A_729 = tpu.vector_load_idx %arg7[%parallel_loop3A_585, %parallel_loop3A_728] : memref<128x64xf32, #tpu.memory_space<vmem>>[vector<16xi32>, vector<16xi32>], vector<16xf32>,
        tpu.vector_store_idx %arg9[%parallel_loop3A_728, %parallel_loop3A_585], %parallel_loop3A_729 : memref<64x128xf32, #tpu.memory_space<vmem>>[vector<16xi32>, vector<16xi32>], vector<16xf32>,
      } {sc.loop_unroll_factor = 2 : i64, sc.parallel_access}
      %dma_start3A_433 = arith.constant 0 : i32
      %dma_start3A_434 = arith.constant 0 : i32
      %dma_start3A_435 = arith.constant 0 : i32
      %dma_start3A_436 = tpu.memref_slice %arg9[%dma_start3A_434, %dma_start3A_435] : memref<64x128xf32, #tpu.memory_space<vmem>> -> memref<8x128xf32, #tpu.memory_space<vmem>>
      %dma_start3A_437 = arith.constant 0 : i32
      %dma_start3A_438 = arith.constant 0 : i32
      %dma_start3A_439 = tpu.memref_slice %arg4[%add3A_411, %dma_start3A_433, %add3A, %dma_start3A_437, %dma_start3A_438] : memref<50x8x32x8x128xf32, #tpu.memory_space<hbm>> -> memref<1x1x1x8x128xf32, #tpu.memory_space<hbm>>
      %dma_start3A_440 = tpu.memref_squeeze %dma_start3A_439 : memref<1x1x1x8x128xf32, #tpu.memory_space<hbm>> -> memref<8x128xf32, #tpu.memory_space<hbm>>
      %dma_start3A_441 = arith.constant 0 : i32
      %dma_start3A_442 = arith.constant 0 : i32
      %dma_start3A_443 = tpu.memref_slice %arg4[%add3A_411, %dma_start3A_433, %add3A, %dma_start3A_441, %dma_start3A_442] : memref<50x8x32x8x128xf32, #tpu.memory_space<hbm>> -> memref<1x1x1x8x128xf32, #tpu.memory_space<hbm>>
      %dma_start3A_444 = tpu.memref_squeeze %dma_start3A_443 : memref<1x1x1x8x128xf32, #tpu.memory_space<hbm>> -> memref<8x128xf32, #tpu.memory_space<hbm>>
      %dma_start3A_445 = arith.constant 0 : i32
      %dma_start3A_446 = arith.constant 0 : i32
      %dma_start3A_447 = tpu.memref_slice %arg9[%dma_start3A_445, %dma_start3A_446] : memref<64x128xf32, #tpu.memory_space<vmem>> -> memref<8x128xf32, #tpu.memory_space<vmem>>
      tpu.enqueue_dma source(%dma_start3A_447 : memref<8x128xf32, #tpu.memory_space<vmem>>) target(%dma_start3A_444 : memref<8x128xf32, #tpu.memory_space<hbm>>) target_semaphore(%arg13 : memref<!tpu.dma_semaphore, #tpu.memory_space<semaphore_mem>>)
      %dma_start3A_448 = arith.constant 1 : i32
      %dma_start3A_449 = arith.constant 8 : i32
      %dma_start3A_450 = arith.constant 0 : i32
      %dma_start3A_451 = tpu.memref_slice %arg9[%dma_start3A_449, %dma_start3A_450] : memref<64x128xf32, #tpu.memory_space<vmem>> -> memref<8x128xf32, #tpu.memory_space<vmem>>
      %dma_start3A_452 = arith.constant 0 : i32
      %dma_start3A_453 = arith.constant 0 : i32
      %dma_start3A_454 = tpu.memref_slice %arg4[%add3A_411, %dma_start3A_448, %add3A, %dma_start3A_452, %dma_start3A_453] : memref<50x8x32x8x128xf32, #tpu.memory_space<hbm>> -> memref<1x1x1x8x128xf32, #tpu.memory_space<hbm>>
      %dma_start3A_455 = tpu.memref_squeeze %dma_start3A_454 : memref<1x1x1x8x128xf32, #tpu.memory_space<hbm>> -> memref<8x128xf32, #tpu.memory_space<hbm>>
      %dma_start3A_456 = arith.constant 0 : i32
      %dma_start3A_457 = arith.constant 0 : i32
      %dma_start3A_458 = tpu.memref_slice %arg4[%add3A_411, %dma_start3A_448, %add3A, %dma_start3A_456, %dma_start3A_457] : memref<50x8x32x8x128xf32, #tpu.memory_space<hbm>> -> memref<1x1x1x8x128xf32, #tpu.memory_space<hbm>>
      %dma_start3A_459 = tpu.memref_squeeze %dma_start3A_458 : memref<1x1x1x8x128xf32, #tpu.memory_space<hbm>> -> memref<8x128xf32, #tpu.memory_space<hbm>>
      %dma_start3A_460 = arith.constant 8 : i32
      %dma_start3A_461 = arith.constant 0 : i32
      %dma_start3A_462 = tpu.memref_slice %arg9[%dma_start3A_460, %dma_start3A_461] : memref<64x128xf32, #tpu.memory_space<vmem>> -> memref<8x128xf32, #tpu.memory_space<vmem>>
      tpu.enqueue_dma source(%dma_start3A_462 : memref<8x128xf32, #tpu.memory_space<vmem>>) target(%dma_start3A_459 : memref<8x128xf32, #tpu.memory_space<hbm>>) target_semaphore(%arg13 : memref<!tpu.dma_semaphore, #tpu.memory_space<semaphore_mem>>)
      %dma_start3A_463 = arith.constant 2 : i32
      %dma_start3A_464 = arith.constant 16 : i32
      %dma_start3A_465 = arith.constant 0 : i32
      %dma_start3A_466 = tpu.memref_slice %arg9[%dma_start3A_464, %dma_start3A_465] : memref<64x128xf32, #tpu.memory_space<vmem>> -> memref<8x128xf32, #tpu.memory_space<vmem>>
      %dma_start3A_467 = arith.constant 0 : i32
      %dma_start3A_468 = arith.constant 0 : i32
      %dma_start3A_469 = tpu.memref_slice %arg4[%add3A_411, %dma_start3A_463, %add3A, %dma_start3A_467, %dma_start3A_468] : memref<50x8x32x8x128xf32, #tpu.memory_space<hbm>> -> memref<1x1x1x8x128xf32, #tpu.memory_space<hbm>>
      %dma_start3A_470 = tpu.memref_squeeze %dma_start3A_469 : memref<1x1x1x8x128xf32, #tpu.memory_space<hbm>> -> memref<8x128xf32, #tpu.memory_space<hbm>>
      %dma_start3A_471 = arith.constant 0 : i32
      %dma_start3A_472 = arith.constant 0 : i32
      %dma_start3A_473 = tpu.memref_slice %arg4[%add3A_411, %dma_start3A_463, %add3A, %dma_start3A_471, %dma_start3A_472] : memref<50x8x32x8x128xf32, #tpu.memory_space<hbm>> -> memref<1x1x1x8x128xf32, #tpu.memory_space<hbm>>
      %dma_start3A_474 = tpu.memref_squeeze %dma_start3A_473 : memref<1x1x1x8x128xf32, #tpu.memory_space<hbm>> -> memref<8x128xf32, #tpu.memory_space<hbm>>
      %dma_start3A_475 = arith.constant 16 : i32
      %dma_start3A_476 = arith.constant 0 : i32
      %dma_start3A_477 = tpu.memref_slice %arg9[%dma_start3A_475, %dma_start3A_476] : memref<64x128xf32, #tpu.memory_space<vmem>> -> memref<8x128xf32, #tpu.memory_space<vmem>>
      tpu.enqueue_dma source(%dma_start3A_477 : memref<8x128xf32, #tpu.memory_space<vmem>>) target(%dma_start3A_474 : memref<8x128xf32, #tpu.memory_space<hbm>>) target_semaphore(%arg13 : memref<!tpu.dma_semaphore, #tpu.memory_space<semaphore_mem>>)
      %dma_start3A_478 = arith.constant 3 : i32
      %dma_start3A_479 = arith.constant 24 : i32
      %dma_start3A_480 = arith.constant 0 : i32
      %dma_start3A_481 = tpu.memref_slice %arg9[%dma_start3A_479, %dma_start3A_480] : memref<64x128xf32, #tpu.memory_space<vmem>> -> memref<8x128xf32, #tpu.memory_space<vmem>>
      %dma_start3A_482 = arith.constant 0 : i32
      %dma_start3A_483 = arith.constant 0 : i32
      %dma_start3A_484 = tpu.memref_slice %arg4[%add3A_411, %dma_start3A_478, %add3A, %dma_start3A_482, %dma_start3A_483] : memref<50x8x32x8x128xf32, #tpu.memory_space<hbm>> -> memref<1x1x1x8x128xf32, #tpu.memory_space<hbm>>
      %dma_start3A_485 = tpu.memref_squeeze %dma_start3A_484 : memref<1x1x1x8x128xf32, #tpu.memory_space<hbm>> -> memref<8x128xf32, #tpu.memory_space<hbm>>
      %dma_start3A_486 = arith.constant 0 : i32
      %dma_start3A_487 = arith.constant 0 : i32
      %dma_start3A_488 = tpu.memref_slice %arg4[%add3A_411, %dma_start3A_478, %add3A, %dma_start3A_486, %dma_start3A_487] : memref<50x8x32x8x128xf32, #tpu.memory_space<hbm>> -> memref<1x1x1x8x128xf32, #tpu.memory_space<hbm>>
      %dma_start3A_489 = tpu.memref_squeeze %dma_start3A_488 : memref<1x1x1x8x128xf32, #tpu.memory_space<hbm>> -> memref<8x128xf32, #tpu.memory_space<hbm>>
      %dma_start3A_490 = arith.constant 24 : i32
      %dma_start3A_491 = arith.constant 0 : i32
      %dma_start3A_492 = tpu.memref_slice %arg9[%dma_start3A_490, %dma_start3A_491] : memref<64x128xf32, #tpu.memory_space<vmem>> -> memref<8x128xf32, #tpu.memory_space<vmem>>
      tpu.enqueue_dma source(%dma_start3A_492 : memref<8x128xf32, #tpu.memory_space<vmem>>) target(%dma_start3A_489 : memref<8x128xf32, #tpu.memory_space<hbm>>) target_semaphore(%arg13 : memref<!tpu.dma_semaphore, #tpu.memory_space<semaphore_mem>>)
      %dma_start3A_493 = arith.constant 4 : i32
      %dma_start3A_494 = arith.constant 32 : i32
      %dma_start3A_495 = arith.constant 0 : i32
      %dma_start3A_496 = tpu.memref_slice %arg9[%dma_start3A_494, %dma_start3A_495] : memref<64x128xf32, #tpu.memory_space<vmem>> -> memref<8x128xf32, #tpu.memory_space<vmem>>
      %dma_start3A_497 = arith.constant 0 : i32
      %dma_start3A_498 = arith.constant 0 : i32
      %dma_start3A_499 = tpu.memref_slice %arg4[%add3A_411, %dma_start3A_493, %add3A, %dma_start3A_497, %dma_start3A_498] : memref<50x8x32x8x128xf32, #tpu.memory_space<hbm>> -> memref<1x1x1x8x128xf32, #tpu.memory_space<hbm>>
      %dma_start3A_500 = tpu.memref_squeeze %dma_start3A_499 : memref<1x1x1x8x128xf32, #tpu.memory_space<hbm>> -> memref<8x128xf32, #tpu.memory_space<hbm>>
      %dma_start3A_501 = arith.constant 0 : i32
      %dma_start3A_502 = arith.constant 0 : i32
      %dma_start3A_503 = tpu.memref_slice %arg4[%add3A_411, %dma_start3A_493, %add3A, %dma_start3A_501, %dma_start3A_502] : memref<50x8x32x8x128xf32, #tpu.memory_space<hbm>> -> memref<1x1x1x8x128xf32, #tpu.memory_space<hbm>>
      %dma_start3A_504 = tpu.memref_squeeze %dma_start3A_503 : memref<1x1x1x8x128xf32, #tpu.memory_space<hbm>> -> memref<8x128xf32, #tpu.memory_space<hbm>>
      %dma_start3A_505 = arith.constant 32 : i32
      %dma_start3A_506 = arith.constant 0 : i32
      %dma_start3A_507 = tpu.memref_slice %arg9[%dma_start3A_505, %dma_start3A_506] : memref<64x128xf32, #tpu.memory_space<vmem>> -> memref<8x128xf32, #tpu.memory_space<vmem>>
      tpu.enqueue_dma source(%dma_start3A_507 : memref<8x128xf32, #tpu.memory_space<vmem>>) target(%dma_start3A_504 : memref<8x128xf32, #tpu.memory_space<hbm>>) target_semaphore(%arg13 : memref<!tpu.dma_semaphore, #tpu.memory_space<semaphore_mem>>)
      %dma_start3A_508 = arith.constant 5 : i32
      %dma_start3A_509 = arith.constant 40 : i32
      %dma_start3A_510 = arith.constant 0 : i32
      %dma_start3A_511 = tpu.memref_slice %arg9[%dma_start3A_509, %dma_start3A_510] : memref<64x128xf32, #tpu.memory_space<vmem>> -> memref<8x128xf32, #tpu.memory_space<vmem>>
      %dma_start3A_512 = arith.constant 0 : i32
      %dma_start3A_513 = arith.constant 0 : i32
      %dma_start3A_514 = tpu.memref_slice %arg4[%add3A_411, %dma_start3A_508, %add3A, %dma_start3A_512, %dma_start3A_513] : memref<50x8x32x8x128xf32, #tpu.memory_space<hbm>> -> memref<1x1x1x8x128xf32, #tpu.memory_space<hbm>>
      %dma_start3A_515 = tpu.memref_squeeze %dma_start3A_514 : memref<1x1x1x8x128xf32, #tpu.memory_space<hbm>> -> memref<8x128xf32, #tpu.memory_space<hbm>>
      %dma_start3A_516 = arith.constant 0 : i32
      %dma_start3A_517 = arith.constant 0 : i32
      %dma_start3A_518 = tpu.memref_slice %arg4[%add3A_411, %dma_start3A_508, %add3A, %dma_start3A_516, %dma_start3A_517] : memref<50x8x32x8x128xf32, #tpu.memory_space<hbm>> -> memref<1x1x1x8x128xf32, #tpu.memory_space<hbm>>
      %dma_start3A_519 = tpu.memref_squeeze %dma_start3A_518 : memref<1x1x1x8x128xf32, #tpu.memory_space<hbm>> -> memref<8x128xf32, #tpu.memory_space<hbm>>
      %dma_start3A_520 = arith.constant 40 : i32
      %dma_start3A_521 = arith.constant 0 : i32
      %dma_start3A_522 = tpu.memref_slice %arg9[%dma_start3A_520, %dma_start3A_521] : memref<64x128xf32, #tpu.memory_space<vmem>> -> memref<8x128xf32, #tpu.memory_space<vmem>>
      tpu.enqueue_dma source(%dma_start3A_522 : memref<8x128xf32, #tpu.memory_space<vmem>>) target(%dma_start3A_519 : memref<8x128xf32, #tpu.memory_space<hbm>>) target_semaphore(%arg13 : memref<!tpu.dma_semaphore, #tpu.memory_space<semaphore_mem>>)
      %dma_start3A_523 = arith.constant 6 : i32
      %dma_start3A_524 = arith.constant 48 : i32
      %dma_start3A_525 = arith.constant 0 : i32
      %dma_start3A_526 = tpu.memref_slice %arg9[%dma_start3A_524, %dma_start3A_525] : memref<64x128xf32, #tpu.memory_space<vmem>> -> memref<8x128xf32, #tpu.memory_space<vmem>>
      %dma_start3A_527 = arith.constant 0 : i32
      %dma_start3A_528 = arith.constant 0 : i32
      %dma_start3A_529 = tpu.memref_slice %arg4[%add3A_411, %dma_start3A_523, %add3A, %dma_start3A_527, %dma_start3A_528] : memref<50x8x32x8x128xf32, #tpu.memory_space<hbm>> -> memref<1x1x1x8x128xf32, #tpu.memory_space<hbm>>
      %dma_start3A_530 = tpu.memref_squeeze %dma_start3A_529 : memref<1x1x1x8x128xf32, #tpu.memory_space<hbm>> -> memref<8x128xf32, #tpu.memory_space<hbm>>
      %dma_start3A_531 = arith.constant 0 : i32
      %dma_start3A_532 = arith.constant 0 : i32
      %dma_start3A_533 = tpu.memref_slice %arg4[%add3A_411, %dma_start3A_523, %add3A, %dma_start3A_531, %dma_start3A_532] : memref<50x8x32x8x128xf32, #tpu.memory_space<hbm>> -> memref<1x1x1x8x128xf32, #tpu.memory_space<hbm>>
      %dma_start3A_534 = tpu.memref_squeeze %dma_start3A_533 : memref<1x1x1x8x128xf32, #tpu.memory_space<hbm>> -> memref<8x128xf32, #tpu.memory_space<hbm>>
      %dma_start3A_535 = arith.constant 48 : i32
      %dma_start3A_536 = arith.constant 0 : i32
      %dma_start3A_537 = tpu.memref_slice %arg9[%dma_start3A_535, %dma_start3A_536] : memref<64x128xf32, #tpu.memory_space<vmem>> -> memref<8x128xf32, #tpu.memory_space<vmem>>
      tpu.enqueue_dma source(%dma_start3A_537 : memref<8x128xf32, #tpu.memory_space<vmem>>) target(%dma_start3A_534 : memref<8x128xf32, #tpu.memory_space<hbm>>) target_semaphore(%arg13 : memref<!tpu.dma_semaphore, #tpu.memory_space<semaphore_mem>>)
      %dma_start3A_538 = arith.constant 7 : i32
      %dma_start3A_539 = arith.constant 56 : i32
      %dma_start3A_540 = arith.constant 0 : i32
      %dma_start3A_541 = tpu.memref_slice %arg9[%dma_start3A_539, %dma_start3A_540] : memref<64x128xf32, #tpu.memory_space<vmem>> -> memref<8x128xf32, #tpu.memory_space<vmem>>
      %dma_start3A_542 = arith.constant 0 : i32
      %dma_start3A_543 = arith.constant 0 : i32
      %dma_start3A_544 = tpu.memref_slice %arg4[%add3A_411, %dma_start3A_538, %add3A, %dma_start3A_542, %dma_start3A_543] : memref<50x8x32x8x128xf32, #tpu.memory_space<hbm>> -> memref<1x1x1x8x128xf32, #tpu.memory_space<hbm>>
      %dma_start3A_545 = tpu.memref_squeeze %dma_start3A_544 : memref<1x1x1x8x128xf32, #tpu.memory_space<hbm>> -> memref<8x128xf32, #tpu.memory_space<hbm>>
      %dma_start3A_546 = arith.constant 0 : i32
      %dma_start3A_547 = arith.constant 0 : i32
      %dma_start3A_548 = tpu.memref_slice %arg4[%add3A_411, %dma_start3A_538, %add3A, %dma_start3A_546, %dma_start3A_547] : memref<50x8x32x8x128xf32, #tpu.memory_space<hbm>> -> memref<1x1x1x8x128xf32, #tpu.memory_space<hbm>>
      %dma_start3A_549 = tpu.memref_squeeze %dma_start3A_548 : memref<1x1x1x8x128xf32, #tpu.memory_space<hbm>> -> memref<8x128xf32, #tpu.memory_space<hbm>>
      %dma_start3A_550 = arith.constant 56 : i32
      %dma_start3A_551 = arith.constant 0 : i32
      %dma_start3A_552 = tpu.memref_slice %arg9[%dma_start3A_550, %dma_start3A_551] : memref<64x128xf32, #tpu.memory_space<vmem>> -> memref<8x128xf32, #tpu.memory_space<vmem>>
      tpu.enqueue_dma source(%dma_start3A_552 : memref<8x128xf32, #tpu.memory_space<vmem>>) target(%dma_start3A_549 : memref<8x128xf32, #tpu.memory_space<hbm>>) target_semaphore(%arg13 : memref<!tpu.dma_semaphore, #tpu.memory_space<semaphore_mem>>)
    }
    %scan3A_11 = arith.constant 25 : i32
    %dma_wait3A = arith.constant 48 : i32
    %dma_wait3A_12 = arith.constant 0 : i32
    %dma_wait3A_13 = arith.constant 0 : i32
    %dma_wait3A_14 = arith.constant 0 : i32
    %dma_wait3A_15 = tpu.memref_slice %arg8[%dma_wait3A_13, %dma_wait3A_14] : memref<64x128xf32, #tpu.memory_space<vmem>> -> memref<8x128xf32, #tpu.memory_space<vmem>>
    %dma_wait3A_16 = arith.constant 0 : i32
    %dma_wait3A_17 = arith.constant 0 : i32
    %dma_wait3A_18 = tpu.memref_slice %arg4[%dma_wait3A, %dma_wait3A_12, %add3A, %dma_wait3A_16, %dma_wait3A_17] : memref<50x8x32x8x128xf32, #tpu.memory_space<hbm>> -> memref<1x1x1x8x128xf32, #tpu.memory_space<hbm>>
    %dma_wait3A_19 = tpu.memref_squeeze %dma_wait3A_18 : memref<1x1x1x8x128xf32, #tpu.memory_space<hbm>> -> memref<8x128xf32, #tpu.memory_space<hbm>>
    %dma_wait3A_20 = arith.constant 0 : i32
    %dma_wait3A_21 = arith.constant 0 : i32
    %dma_wait3A_22 = tpu.memref_slice %arg4[%dma_wait3A, %dma_wait3A_12, %add3A, %dma_wait3A_20, %dma_wait3A_21] : memref<50x8x32x8x128xf32, #tpu.memory_space<hbm>> -> memref<1x1x1x8x128xf32, #tpu.memory_space<hbm>>
    %dma_wait3A_23 = tpu.memref_squeeze %dma_wait3A_22 : memref<1x1x1x8x128xf32, #tpu.memory_space<hbm>> -> memref<8x128xf32, #tpu.memory_space<hbm>>
    %dma_wait3A_24 = arith.constant 0 : i32
    %dma_wait3A_25 = arith.constant 0 : i32
    %dma_wait3A_26 = tpu.memref_slice %arg8[%dma_wait3A_24, %dma_wait3A_25] : memref<64x128xf32, #tpu.memory_space<vmem>> -> memref<8x128xf32, #tpu.memory_space<vmem>>
    tpu.wait_dma2 semaphore(%arg12 : memref<!tpu.dma_semaphore, #tpu.memory_space<semaphore_mem>>) src(%dma_wait3A_26 : memref<8x128xf32, #tpu.memory_space<vmem>>) dst(%dma_wait3A_23 : memref<8x128xf32, #tpu.memory_space<hbm>>)
    %dma_wait3A_27 = arith.constant 48 : i32
    %dma_wait3A_28 = arith.constant 1 : i32
    %dma_wait3A_29 = arith.constant 8 : i32
    %dma_wait3A_30 = arith.constant 0 : i32
    %dma_wait3A_31 = tpu.memref_slice %arg8[%dma_wait3A_29, %dma_wait3A_30] : memref<64x128xf32, #tpu.memory_space<vmem>> -> memref<8x128xf32, #tpu.memory_space<vmem>>
    %dma_wait3A_32 = arith.constant 0 : i32
    %dma_wait3A_33 = arith.constant 0 : i32
    %dma_wait3A_34 = tpu.memref_slice %arg4[%dma_wait3A_27, %dma_wait3A_28, %add3A, %dma_wait3A_32, %dma_wait3A_33] : memref<50x8x32x8x128xf32, #tpu.memory_space<hbm>> -> memref<1x1x1x8x128xf32, #tpu.memory_space<hbm>>
    %dma_wait3A_35 = tpu.memref_squeeze %dma_wait3A_34 : memref<1x1x1x8x128xf32, #tpu.memory_space<hbm>> -> memref<8x128xf32, #tpu.memory_space<hbm>>
    %dma_wait3A_36 = arith.constant 0 : i32
    %dma_wait3A_37 = arith.constant 0 : i32
    %dma_wait3A_38 = tpu.memref_slice %arg4[%dma_wait3A_27, %dma_wait3A_28, %add3A, %dma_wait3A_36, %dma_wait3A_37] : memref<50x8x32x8x128xf32, #tpu.memory_space<hbm>> -> memref<1x1x1x8x128xf32, #tpu.memory_space<hbm>>
    %dma_wait3A_39 = tpu.memref_squeeze %dma_wait3A_38 : memref<1x1x1x8x128xf32, #tpu.memory_space<hbm>> -> memref<8x128xf32, #tpu.memory_space<hbm>>
    %dma_wait3A_40 = arith.constant 8 : i32
    %dma_wait3A_41 = arith.constant 0 : i32
    %dma_wait3A_42 = tpu.memref_slice %arg8[%dma_wait3A_40, %dma_wait3A_41] : memref<64x128xf32, #tpu.memory_space<vmem>> -> memref<8x128xf32, #tpu.memory_space<vmem>>
    tpu.wait_dma2 semaphore(%arg12 : memref<!tpu.dma_semaphore, #tpu.memory_space<semaphore_mem>>) src(%dma_wait3A_42 : memref<8x128xf32, #tpu.memory_space<vmem>>) dst(%dma_wait3A_39 : memref<8x128xf32, #tpu.memory_space<hbm>>)
    %dma_wait3A_43 = arith.constant 48 : i32
    %dma_wait3A_44 = arith.constant 2 : i32
    %dma_wait3A_45 = arith.constant 16 : i32
    %dma_wait3A_46 = arith.constant 0 : i32
    %dma_wait3A_47 = tpu.memref_slice %arg8[%dma_wait3A_45, %dma_wait3A_46] : memref<64x128xf32, #tpu.memory_space<vmem>> -> memref<8x128xf32, #tpu.memory_space<vmem>>
    %dma_wait3A_48 = arith.constant 0 : i32
    %dma_wait3A_49 = arith.constant 0 : i32
    %dma_wait3A_50 = tpu.memref_slice %arg4[%dma_wait3A_43, %dma_wait3A_44, %add3A, %dma_wait3A_48, %dma_wait3A_49] : memref<50x8x32x8x128xf32, #tpu.memory_space<hbm>> -> memref<1x1x1x8x128xf32, #tpu.memory_space<hbm>>
    %dma_wait3A_51 = tpu.memref_squeeze %dma_wait3A_50 : memref<1x1x1x8x128xf32, #tpu.memory_space<hbm>> -> memref<8x128xf32, #tpu.memory_space<hbm>>
    %dma_wait3A_52 = arith.constant 0 : i32
    %dma_wait3A_53 = arith.constant 0 : i32
    %dma_wait3A_54 = tpu.memref_slice %arg4[%dma_wait3A_43, %dma_wait3A_44, %add3A, %dma_wait3A_52, %dma_wait3A_53] : memref<50x8x32x8x128xf32, #tpu.memory_space<hbm>> -> memref<1x1x1x8x128xf32, #tpu.memory_space<hbm>>
    %dma_wait3A_55 = tpu.memref_squeeze %dma_wait3A_54 : memref<1x1x1x8x128xf32, #tpu.memory_space<hbm>> -> memref<8x128xf32, #tpu.memory_space<hbm>>
    %dma_wait3A_56 = arith.constant 16 : i32
    %dma_wait3A_57 = arith.constant 0 : i32
    %dma_wait3A_58 = tpu.memref_slice %arg8[%dma_wait3A_56, %dma_wait3A_57] : memref<64x128xf32, #tpu.memory_space<vmem>> -> memref<8x128xf32, #tpu.memory_space<vmem>>
    tpu.wait_dma2 semaphore(%arg12 : memref<!tpu.dma_semaphore, #tpu.memory_space<semaphore_mem>>) src(%dma_wait3A_58 : memref<8x128xf32, #tpu.memory_space<vmem>>) dst(%dma_wait3A_55 : memref<8x128xf32, #tpu.memory_space<hbm>>)
    %dma_wait3A_59 = arith.constant 48 : i32
    %dma_wait3A_60 = arith.constant 3 : i32
    %dma_wait3A_61 = arith.constant 24 : i32
    %dma_wait3A_62 = arith.constant 0 : i32
    %dma_wait3A_63 = tpu.memref_slice %arg8[%dma_wait3A_61, %dma_wait3A_62] : memref<64x128xf32, #tpu.memory_space<vmem>> -> memref<8x128xf32, #tpu.memory_space<vmem>>
    %dma_wait3A_64 = arith.constant 0 : i32
    %dma_wait3A_65 = arith.constant 0 : i32
    %dma_wait3A_66 = tpu.memref_slice %arg4[%dma_wait3A_59, %dma_wait3A_60, %add3A, %dma_wait3A_64, %dma_wait3A_65] : memref<50x8x32x8x128xf32, #tpu.memory_space<hbm>> -> memref<1x1x1x8x128xf32, #tpu.memory_space<hbm>>
    %dma_wait3A_67 = tpu.memref_squeeze %dma_wait3A_66 : memref<1x1x1x8x128xf32, #tpu.memory_space<hbm>> -> memref<8x128xf32, #tpu.memory_space<hbm>>
    %dma_wait3A_68 = arith.constant 0 : i32
    %dma_wait3A_69 = arith.constant 0 : i32
    %dma_wait3A_70 = tpu.memref_slice %arg4[%dma_wait3A_59, %dma_wait3A_60, %add3A, %dma_wait3A_68, %dma_wait3A_69] : memref<50x8x32x8x128xf32, #tpu.memory_space<hbm>> -> memref<1x1x1x8x128xf32, #tpu.memory_space<hbm>>
    %dma_wait3A_71 = tpu.memref_squeeze %dma_wait3A_70 : memref<1x1x1x8x128xf32, #tpu.memory_space<hbm>> -> memref<8x128xf32, #tpu.memory_space<hbm>>
    %dma_wait3A_72 = arith.constant 24 : i32
    %dma_wait3A_73 = arith.constant 0 : i32
    %dma_wait3A_74 = tpu.memref_slice %arg8[%dma_wait3A_72, %dma_wait3A_73] : memref<64x128xf32, #tpu.memory_space<vmem>> -> memref<8x128xf32, #tpu.memory_space<vmem>>
    tpu.wait_dma2 semaphore(%arg12 : memref<!tpu.dma_semaphore, #tpu.memory_space<semaphore_mem>>) src(%dma_wait3A_74 : memref<8x128xf32, #tpu.memory_space<vmem>>) dst(%dma_wait3A_71 : memref<8x128xf32, #tpu.memory_space<hbm>>)
    %dma_wait3A_75 = arith.constant 48 : i32
    %dma_wait3A_76 = arith.constant 4 : i32
    %dma_wait3A_77 = arith.constant 32 : i32
    %dma_wait3A_78 = arith.constant 0 : i32
    %dma_wait3A_79 = tpu.memref_slice %arg8[%dma_wait3A_77, %dma_wait3A_78] : memref<64x128xf32, #tpu.memory_space<vmem>> -> memref<8x128xf32, #tpu.memory_space<vmem>>
    %dma_wait3A_80 = arith.constant 0 : i32
    %dma_wait3A_81 = arith.constant 0 : i32
    %dma_wait3A_82 = tpu.memref_slice %arg4[%dma_wait3A_75, %dma_wait3A_76, %add3A, %dma_wait3A_80, %dma_wait3A_81] : memref<50x8x32x8x128xf32, #tpu.memory_space<hbm>> -> memref<1x1x1x8x128xf32, #tpu.memory_space<hbm>>
    %dma_wait3A_83 = tpu.memref_squeeze %dma_wait3A_82 : memref<1x1x1x8x128xf32, #tpu.memory_space<hbm>> -> memref<8x128xf32, #tpu.memory_space<hbm>>
    %dma_wait3A_84 = arith.constant 0 : i32
    %dma_wait3A_85 = arith.constant 0 : i32
    %dma_wait3A_86 = tpu.memref_slice %arg4[%dma_wait3A_75, %dma_wait3A_76, %add3A, %dma_wait3A_84, %dma_wait3A_85] : memref<50x8x32x8x128xf32, #tpu.memory_space<hbm>> -> memref<1x1x1x8x128xf32, #tpu.memory_space<hbm>>
    %dma_wait3A_87 = tpu.memref_squeeze %dma_wait3A_86 : memref<1x1x1x8x128xf32, #tpu.memory_space<hbm>> -> memref<8x128xf32, #tpu.memory_space<hbm>>
    %dma_wait3A_88 = arith.constant 32 : i32
    %dma_wait3A_89 = arith.constant 0 : i32
    %dma_wait3A_90 = tpu.memref_slice %arg8[%dma_wait3A_88, %dma_wait3A_89] : memref<64x128xf32, #tpu.memory_space<vmem>> -> memref<8x128xf32, #tpu.memory_space<vmem>>
    tpu.wait_dma2 semaphore(%arg12 : memref<!tpu.dma_semaphore, #tpu.memory_space<semaphore_mem>>) src(%dma_wait3A_90 : memref<8x128xf32, #tpu.memory_space<vmem>>) dst(%dma_wait3A_87 : memref<8x128xf32, #tpu.memory_space<hbm>>)
    %dma_wait3A_91 = arith.constant 48 : i32
    %dma_wait3A_92 = arith.constant 5 : i32
    %dma_wait3A_93 = arith.constant 40 : i32
    %dma_wait3A_94 = arith.constant 0 : i32
    %dma_wait3A_95 = tpu.memref_slice %arg8[%dma_wait3A_93, %dma_wait3A_94] : memref<64x128xf32, #tpu.memory_space<vmem>> -> memref<8x128xf32, #tpu.memory_space<vmem>>
    %dma_wait3A_96 = arith.constant 0 : i32
    %dma_wait3A_97 = arith.constant 0 : i32
    %dma_wait3A_98 = tpu.memref_slice %arg4[%dma_wait3A_91, %dma_wait3A_92, %add3A, %dma_wait3A_96, %dma_wait3A_97] : memref<50x8x32x8x128xf32, #tpu.memory_space<hbm>> -> memref<1x1x1x8x128xf32, #tpu.memory_space<hbm>>
    %dma_wait3A_99 = tpu.memref_squeeze %dma_wait3A_98 : memref<1x1x1x8x128xf32, #tpu.memory_space<hbm>> -> memref<8x128xf32, #tpu.memory_space<hbm>>
    %dma_wait3A_100 = arith.constant 0 : i32
    %dma_wait3A_101 = arith.constant 0 : i32
    %dma_wait3A_102 = tpu.memref_slice %arg4[%dma_wait3A_91, %dma_wait3A_92, %add3A, %dma_wait3A_100, %dma_wait3A_101] : memref<50x8x32x8x128xf32, #tpu.memory_space<hbm>> -> memref<1x1x1x8x128xf32, #tpu.memory_space<hbm>>
    %dma_wait3A_103 = tpu.memref_squeeze %dma_wait3A_102 : memref<1x1x1x8x128xf32, #tpu.memory_space<hbm>> -> memref<8x128xf32, #tpu.memory_space<hbm>>
    %dma_wait3A_104 = arith.constant 40 : i32
    %dma_wait3A_105 = arith.constant 0 : i32
    %dma_wait3A_106 = tpu.memref_slice %arg8[%dma_wait3A_104, %dma_wait3A_105] : memref<64x128xf32, #tpu.memory_space<vmem>> -> memref<8x128xf32, #tpu.memory_space<vmem>>
    tpu.wait_dma2 semaphore(%arg12 : memref<!tpu.dma_semaphore, #tpu.memory_space<semaphore_mem>>) src(%dma_wait3A_106 : memref<8x128xf32, #tpu.memory_space<vmem>>) dst(%dma_wait3A_103 : memref<8x128xf32, #tpu.memory_space<hbm>>)
    %dma_wait3A_107 = arith.constant 48 : i32
    %dma_wait3A_108 = arith.constant 6 : i32
    %dma_wait3A_109 = arith.constant 48 : i32
    %dma_wait3A_110 = arith.constant 0 : i32
    %dma_wait3A_111 = tpu.memref_slice %arg8[%dma_wait3A_109, %dma_wait3A_110] : memref<64x128xf32, #tpu.memory_space<vmem>> -> memref<8x128xf32, #tpu.memory_space<vmem>>
    %dma_wait3A_112 = arith.constant 0 : i32
    %dma_wait3A_113 = arith.constant 0 : i32
    %dma_wait3A_114 = tpu.memref_slice %arg4[%dma_wait3A_107, %dma_wait3A_108, %add3A, %dma_wait3A_112, %dma_wait3A_113] : memref<50x8x32x8x128xf32, #tpu.memory_space<hbm>> -> memref<1x1x1x8x128xf32, #tpu.memory_space<hbm>>
    %dma_wait3A_115 = tpu.memref_squeeze %dma_wait3A_114 : memref<1x1x1x8x128xf32, #tpu.memory_space<hbm>> -> memref<8x128xf32, #tpu.memory_space<hbm>>
    %dma_wait3A_116 = arith.constant 0 : i32
    %dma_wait3A_117 = arith.constant 0 : i32
    %dma_wait3A_118 = tpu.memref_slice %arg4[%dma_wait3A_107, %dma_wait3A_108, %add3A, %dma_wait3A_116, %dma_wait3A_117] : memref<50x8x32x8x128xf32, #tpu.memory_space<hbm>> -> memref<1x1x1x8x128xf32, #tpu.memory_space<hbm>>
    %dma_wait3A_119 = tpu.memref_squeeze %dma_wait3A_118 : memref<1x1x1x8x128xf32, #tpu.memory_space<hbm>> -> memref<8x128xf32, #tpu.memory_space<hbm>>
    %dma_wait3A_120 = arith.constant 48 : i32
    %dma_wait3A_121 = arith.constant 0 : i32
    %dma_wait3A_122 = tpu.memref_slice %arg8[%dma_wait3A_120, %dma_wait3A_121] : memref<64x128xf32, #tpu.memory_space<vmem>> -> memref<8x128xf32, #tpu.memory_space<vmem>>
    tpu.wait_dma2 semaphore(%arg12 : memref<!tpu.dma_semaphore, #tpu.memory_space<semaphore_mem>>) src(%dma_wait3A_122 : memref<8x128xf32, #tpu.memory_space<vmem>>) dst(%dma_wait3A_119 : memref<8x128xf32, #tpu.memory_space<hbm>>)
    %dma_wait3A_123 = arith.constant 48 : i32
    %dma_wait3A_124 = arith.constant 7 : i32
    %dma_wait3A_125 = arith.constant 56 : i32
    %dma_wait3A_126 = arith.constant 0 : i32
    %dma_wait3A_127 = tpu.memref_slice %arg8[%dma_wait3A_125, %dma_wait3A_126] : memref<64x128xf32, #tpu.memory_space<vmem>> -> memref<8x128xf32, #tpu.memory_space<vmem>>
    %dma_wait3A_128 = arith.constant 0 : i32
    %dma_wait3A_129 = arith.constant 0 : i32
    %dma_wait3A_130 = tpu.memref_slice %arg4[%dma_wait3A_123, %dma_wait3A_124, %add3A, %dma_wait3A_128, %dma_wait3A_129] : memref<50x8x32x8x128xf32, #tpu.memory_space<hbm>> -> memref<1x1x1x8x128xf32, #tpu.memory_space<hbm>>
    %dma_wait3A_131 = tpu.memref_squeeze %dma_wait3A_130 : memref<1x1x1x8x128xf32, #tpu.memory_space<hbm>> -> memref<8x128xf32, #tpu.memory_space<hbm>>
    %dma_wait3A_132 = arith.constant 0 : i32
    %dma_wait3A_133 = arith.constant 0 : i32
    %dma_wait3A_134 = tpu.memref_slice %arg4[%dma_wait3A_123, %dma_wait3A_124, %add3A, %dma_wait3A_132, %dma_wait3A_133] : memref<50x8x32x8x128xf32, #tpu.memory_space<hbm>> -> memref<1x1x1x8x128xf32, #tpu.memory_space<hbm>>
    %dma_wait3A_135 = tpu.memref_squeeze %dma_wait3A_134 : memref<1x1x1x8x128xf32, #tpu.memory_space<hbm>> -> memref<8x128xf32, #tpu.memory_space<hbm>>
    %dma_wait3A_136 = arith.constant 56 : i32
    %dma_wait3A_137 = arith.constant 0 : i32
    %dma_wait3A_138 = tpu.memref_slice %arg8[%dma_wait3A_136, %dma_wait3A_137] : memref<64x128xf32, #tpu.memory_space<vmem>> -> memref<8x128xf32, #tpu.memory_space<vmem>>
    tpu.wait_dma2 semaphore(%arg12 : memref<!tpu.dma_semaphore, #tpu.memory_space<semaphore_mem>>) src(%dma_wait3A_138 : memref<8x128xf32, #tpu.memory_space<vmem>>) dst(%dma_wait3A_135 : memref<8x128xf32, #tpu.memory_space<hbm>>)
    %dma_wait3A_139 = arith.constant 49 : i32
    %dma_wait3A_140 = arith.constant 0 : i32
    %dma_wait3A_141 = arith.constant 0 : i32
    %dma_wait3A_142 = arith.constant 0 : i32
    %dma_wait3A_143 = tpu.memref_slice %arg9[%dma_wait3A_141, %dma_wait3A_142] : memref<64x128xf32, #tpu.memory_space<vmem>> -> memref<8x128xf32, #tpu.memory_space<vmem>>
    %dma_wait3A_144 = arith.constant 0 : i32
    %dma_wait3A_145 = arith.constant 0 : i32
    %dma_wait3A_146 = tpu.memref_slice %arg4[%dma_wait3A_139, %dma_wait3A_140, %add3A, %dma_wait3A_144, %dma_wait3A_145] : memref<50x8x32x8x128xf32, #tpu.memory_space<hbm>> -> memref<1x1x1x8x128xf32, #tpu.memory_space<hbm>>
    %dma_wait3A_147 = tpu.memref_squeeze %dma_wait3A_146 : memref<1x1x1x8x128xf32, #tpu.memory_space<hbm>> -> memref<8x128xf32, #tpu.memory_space<hbm>>
    %dma_wait3A_148 = arith.constant 0 : i32
    %dma_wait3A_149 = arith.constant 0 : i32
    %dma_wait3A_150 = tpu.memref_slice %arg4[%dma_wait3A_139, %dma_wait3A_140, %add3A, %dma_wait3A_148, %dma_wait3A_149] : memref<50x8x32x8x128xf32, #tpu.memory_space<hbm>> -> memref<1x1x1x8x128xf32, #tpu.memory_space<hbm>>
    %dma_wait3A_151 = tpu.memref_squeeze %dma_wait3A_150 : memref<1x1x1x8x128xf32, #tpu.memory_space<hbm>> -> memref<8x128xf32, #tpu.memory_space<hbm>>
    %dma_wait3A_152 = arith.constant 0 : i32
    %dma_wait3A_153 = arith.constant 0 : i32
    %dma_wait3A_154 = tpu.memref_slice %arg9[%dma_wait3A_152, %dma_wait3A_153] : memref<64x128xf32, #tpu.memory_space<vmem>> -> memref<8x128xf32, #tpu.memory_space<vmem>>
    tpu.wait_dma2 semaphore(%arg13 : memref<!tpu.dma_semaphore, #tpu.memory_space<semaphore_mem>>) src(%dma_wait3A_154 : memref<8x128xf32, #tpu.memory_space<vmem>>) dst(%dma_wait3A_151 : memref<8x128xf32, #tpu.memory_space<hbm>>)
    %dma_wait3A_155 = arith.constant 49 : i32
    %dma_wait3A_156 = arith.constant 1 : i32
    %dma_wait3A_157 = arith.constant 8 : i32
    %dma_wait3A_158 = arith.constant 0 : i32
    %dma_wait3A_159 = tpu.memref_slice %arg9[%dma_wait3A_157, %dma_wait3A_158] : memref<64x128xf32, #tpu.memory_space<vmem>> -> memref<8x128xf32, #tpu.memory_space<vmem>>
    %dma_wait3A_160 = arith.constant 0 : i32
    %dma_wait3A_161 = arith.constant 0 : i32
    %dma_wait3A_162 = tpu.memref_slice %arg4[%dma_wait3A_155, %dma_wait3A_156, %add3A, %dma_wait3A_160, %dma_wait3A_161] : memref<50x8x32x8x128xf32, #tpu.memory_space<hbm>> -> memref<1x1x1x8x128xf32, #tpu.memory_space<hbm>>
    %dma_wait3A_163 = tpu.memref_squeeze %dma_wait3A_162 : memref<1x1x1x8x128xf32, #tpu.memory_space<hbm>> -> memref<8x128xf32, #tpu.memory_space<hbm>>
    %dma_wait3A_164 = arith.constant 0 : i32
    %dma_wait3A_165 = arith.constant 0 : i32
    %dma_wait3A_166 = tpu.memref_slice %arg4[%dma_wait3A_155, %dma_wait3A_156, %add3A, %dma_wait3A_164, %dma_wait3A_165] : memref<50x8x32x8x128xf32, #tpu.memory_space<hbm>> -> memref<1x1x1x8x128xf32, #tpu.memory_space<hbm>>
    %dma_wait3A_167 = tpu.memref_squeeze %dma_wait3A_166 : memref<1x1x1x8x128xf32, #tpu.memory_space<hbm>> -> memref<8x128xf32, #tpu.memory_space<hbm>>
    %dma_wait3A_168 = arith.constant 8 : i32
    %dma_wait3A_169 = arith.constant 0 : i32
    %dma_wait3A_170 = tpu.memref_slice %arg9[%dma_wait3A_168, %dma_wait3A_169] : memref<64x128xf32, #tpu.memory_space<vmem>> -> memref<8x128xf32, #tpu.memory_space<vmem>>
    tpu.wait_dma2 semaphore(%arg13 : memref<!tpu.dma_semaphore, #tpu.memory_space<semaphore_mem>>) src(%dma_wait3A_170 : memref<8x128xf32, #tpu.memory_space<vmem>>) dst(%dma_wait3A_167 : memref<8x128xf32, #tpu.memory_space<hbm>>)
    %dma_wait3A_171 = arith.constant 49 : i32
    %dma_wait3A_172 = arith.constant 2 : i32
    %dma_wait3A_173 = arith.constant 16 : i32
    %dma_wait3A_174 = arith.constant 0 : i32
    %dma_wait3A_175 = tpu.memref_slice %arg9[%dma_wait3A_173, %dma_wait3A_174] : memref<64x128xf32, #tpu.memory_space<vmem>> -> memref<8x128xf32, #tpu.memory_space<vmem>>
    %dma_wait3A_176 = arith.constant 0 : i32
    %dma_wait3A_177 = arith.constant 0 : i32
    %dma_wait3A_178 = tpu.memref_slice %arg4[%dma_wait3A_171, %dma_wait3A_172, %add3A, %dma_wait3A_176, %dma_wait3A_177] : memref<50x8x32x8x128xf32, #tpu.memory_space<hbm>> -> memref<1x1x1x8x128xf32, #tpu.memory_space<hbm>>
    %dma_wait3A_179 = tpu.memref_squeeze %dma_wait3A_178 : memref<1x1x1x8x128xf32, #tpu.memory_space<hbm>> -> memref<8x128xf32, #tpu.memory_space<hbm>>
    %dma_wait3A_180 = arith.constant 0 : i32
    %dma_wait3A_181 = arith.constant 0 : i32
    %dma_wait3A_182 = tpu.memref_slice %arg4[%dma_wait3A_171, %dma_wait3A_172, %add3A, %dma_wait3A_180, %dma_wait3A_181] : memref<50x8x32x8x128xf32, #tpu.memory_space<hbm>> -> memref<1x1x1x8x128xf32, #tpu.memory_space<hbm>>
    %dma_wait3A_183 = tpu.memref_squeeze %dma_wait3A_182 : memref<1x1x1x8x128xf32, #tpu.memory_space<hbm>> -> memref<8x128xf32, #tpu.memory_space<hbm>>
    %dma_wait3A_184 = arith.constant 16 : i32
    %dma_wait3A_185 = arith.constant 0 : i32
    %dma_wait3A_186 = tpu.memref_slice %arg9[%dma_wait3A_184, %dma_wait3A_185] : memref<64x128xf32, #tpu.memory_space<vmem>> -> memref<8x128xf32, #tpu.memory_space<vmem>>
    tpu.wait_dma2 semaphore(%arg13 : memref<!tpu.dma_semaphore, #tpu.memory_space<semaphore_mem>>) src(%dma_wait3A_186 : memref<8x128xf32, #tpu.memory_space<vmem>>) dst(%dma_wait3A_183 : memref<8x128xf32, #tpu.memory_space<hbm>>)
    %dma_wait3A_187 = arith.constant 49 : i32
    %dma_wait3A_188 = arith.constant 3 : i32
    %dma_wait3A_189 = arith.constant 24 : i32
    %dma_wait3A_190 = arith.constant 0 : i32
    %dma_wait3A_191 = tpu.memref_slice %arg9[%dma_wait3A_189, %dma_wait3A_190] : memref<64x128xf32, #tpu.memory_space<vmem>> -> memref<8x128xf32, #tpu.memory_space<vmem>>
    %dma_wait3A_192 = arith.constant 0 : i32
    %dma_wait3A_193 = arith.constant 0 : i32
    %dma_wait3A_194 = tpu.memref_slice %arg4[%dma_wait3A_187, %dma_wait3A_188, %add3A, %dma_wait3A_192, %dma_wait3A_193] : memref<50x8x32x8x128xf32, #tpu.memory_space<hbm>> -> memref<1x1x1x8x128xf32, #tpu.memory_space<hbm>>
    %dma_wait3A_195 = tpu.memref_squeeze %dma_wait3A_194 : memref<1x1x1x8x128xf32, #tpu.memory_space<hbm>> -> memref<8x128xf32, #tpu.memory_space<hbm>>
    %dma_wait3A_196 = arith.constant 0 : i32
    %dma_wait3A_197 = arith.constant 0 : i32
    %dma_wait3A_198 = tpu.memref_slice %arg4[%dma_wait3A_187, %dma_wait3A_188, %add3A, %dma_wait3A_196, %dma_wait3A_197] : memref<50x8x32x8x128xf32, #tpu.memory_space<hbm>> -> memref<1x1x1x8x128xf32, #tpu.memory_space<hbm>>
    %dma_wait3A_199 = tpu.memref_squeeze %dma_wait3A_198 : memref<1x1x1x8x128xf32, #tpu.memory_space<hbm>> -> memref<8x128xf32, #tpu.memory_space<hbm>>
    %dma_wait3A_200 = arith.constant 24 : i32
    %dma_wait3A_201 = arith.constant 0 : i32
    %dma_wait3A_202 = tpu.memref_slice %arg9[%dma_wait3A_200, %dma_wait3A_201] : memref<64x128xf32, #tpu.memory_space<vmem>> -> memref<8x128xf32, #tpu.memory_space<vmem>>
    tpu.wait_dma2 semaphore(%arg13 : memref<!tpu.dma_semaphore, #tpu.memory_space<semaphore_mem>>) src(%dma_wait3A_202 : memref<8x128xf32, #tpu.memory_space<vmem>>) dst(%dma_wait3A_199 : memref<8x128xf32, #tpu.memory_space<hbm>>)
    %dma_wait3A_203 = arith.constant 49 : i32
    %dma_wait3A_204 = arith.constant 4 : i32
    %dma_wait3A_205 = arith.constant 32 : i32
    %dma_wait3A_206 = arith.constant 0 : i32
    %dma_wait3A_207 = tpu.memref_slice %arg9[%dma_wait3A_205, %dma_wait3A_206] : memref<64x128xf32, #tpu.memory_space<vmem>> -> memref<8x128xf32, #tpu.memory_space<vmem>>
    %dma_wait3A_208 = arith.constant 0 : i32
    %dma_wait3A_209 = arith.constant 0 : i32
    %dma_wait3A_210 = tpu.memref_slice %arg4[%dma_wait3A_203, %dma_wait3A_204, %add3A, %dma_wait3A_208, %dma_wait3A_209] : memref<50x8x32x8x128xf32, #tpu.memory_space<hbm>> -> memref<1x1x1x8x128xf32, #tpu.memory_space<hbm>>
    %dma_wait3A_211 = tpu.memref_squeeze %dma_wait3A_210 : memref<1x1x1x8x128xf32, #tpu.memory_space<hbm>> -> memref<8x128xf32, #tpu.memory_space<hbm>>
    %dma_wait3A_212 = arith.constant 0 : i32
    %dma_wait3A_213 = arith.constant 0 : i32
    %dma_wait3A_214 = tpu.memref_slice %arg4[%dma_wait3A_203, %dma_wait3A_204, %add3A, %dma_wait3A_212, %dma_wait3A_213] : memref<50x8x32x8x128xf32, #tpu.memory_space<hbm>> -> memref<1x1x1x8x128xf32, #tpu.memory_space<hbm>>
    %dma_wait3A_215 = tpu.memref_squeeze %dma_wait3A_214 : memref<1x1x1x8x128xf32, #tpu.memory_space<hbm>> -> memref<8x128xf32, #tpu.memory_space<hbm>>
    %dma_wait3A_216 = arith.constant 32 : i32
    %dma_wait3A_217 = arith.constant 0 : i32
    %dma_wait3A_218 = tpu.memref_slice %arg9[%dma_wait3A_216, %dma_wait3A_217] : memref<64x128xf32, #tpu.memory_space<vmem>> -> memref<8x128xf32, #tpu.memory_space<vmem>>
    tpu.wait_dma2 semaphore(%arg13 : memref<!tpu.dma_semaphore, #tpu.memory_space<semaphore_mem>>) src(%dma_wait3A_218 : memref<8x128xf32, #tpu.memory_space<vmem>>) dst(%dma_wait3A_215 : memref<8x128xf32, #tpu.memory_space<hbm>>)
    %dma_wait3A_219 = arith.constant 49 : i32
    %dma_wait3A_220 = arith.constant 5 : i32
    %dma_wait3A_221 = arith.constant 40 : i32
    %dma_wait3A_222 = arith.constant 0 : i32
    %dma_wait3A_223 = tpu.memref_slice %arg9[%dma_wait3A_221, %dma_wait3A_222] : memref<64x128xf32, #tpu.memory_space<vmem>> -> memref<8x128xf32, #tpu.memory_space<vmem>>
    %dma_wait3A_224 = arith.constant 0 : i32
    %dma_wait3A_225 = arith.constant 0 : i32
    %dma_wait3A_226 = tpu.memref_slice %arg4[%dma_wait3A_219, %dma_wait3A_220, %add3A, %dma_wait3A_224, %dma_wait3A_225] : memref<50x8x32x8x128xf32, #tpu.memory_space<hbm>> -> memref<1x1x1x8x128xf32, #tpu.memory_space<hbm>>
    %dma_wait3A_227 = tpu.memref_squeeze %dma_wait3A_226 : memref<1x1x1x8x128xf32, #tpu.memory_space<hbm>> -> memref<8x128xf32, #tpu.memory_space<hbm>>
    %dma_wait3A_228 = arith.constant 0 : i32
    %dma_wait3A_229 = arith.constant 0 : i32
    %dma_wait3A_230 = tpu.memref_slice %arg4[%dma_wait3A_219, %dma_wait3A_220, %add3A, %dma_wait3A_228, %dma_wait3A_229] : memref<50x8x32x8x128xf32, #tpu.memory_space<hbm>> -> memref<1x1x1x8x128xf32, #tpu.memory_space<hbm>>
    %dma_wait3A_231 = tpu.memref_squeeze %dma_wait3A_230 : memref<1x1x1x8x128xf32, #tpu.memory_space<hbm>> -> memref<8x128xf32, #tpu.memory_space<hbm>>
    %dma_wait3A_232 = arith.constant 40 : i32
    %dma_wait3A_233 = arith.constant 0 : i32
    %dma_wait3A_234 = tpu.memref_slice %arg9[%dma_wait3A_232, %dma_wait3A_233] : memref<64x128xf32, #tpu.memory_space<vmem>> -> memref<8x128xf32, #tpu.memory_space<vmem>>
    tpu.wait_dma2 semaphore(%arg13 : memref<!tpu.dma_semaphore, #tpu.memory_space<semaphore_mem>>) src(%dma_wait3A_234 : memref<8x128xf32, #tpu.memory_space<vmem>>) dst(%dma_wait3A_231 : memref<8x128xf32, #tpu.memory_space<hbm>>)
    %dma_wait3A_235 = arith.constant 49 : i32
    %dma_wait3A_236 = arith.constant 6 : i32
    %dma_wait3A_237 = arith.constant 48 : i32
    %dma_wait3A_238 = arith.constant 0 : i32
    %dma_wait3A_239 = tpu.memref_slice %arg9[%dma_wait3A_237, %dma_wait3A_238] : memref<64x128xf32, #tpu.memory_space<vmem>> -> memref<8x128xf32, #tpu.memory_space<vmem>>
    %dma_wait3A_240 = arith.constant 0 : i32
    %dma_wait3A_241 = arith.constant 0 : i32
    %dma_wait3A_242 = tpu.memref_slice %arg4[%dma_wait3A_235, %dma_wait3A_236, %add3A, %dma_wait3A_240, %dma_wait3A_241] : memref<50x8x32x8x128xf32, #tpu.memory_space<hbm>> -> memref<1x1x1x8x128xf32, #tpu.memory_space<hbm>>
    %dma_wait3A_243 = tpu.memref_squeeze %dma_wait3A_242 : memref<1x1x1x8x128xf32, #tpu.memory_space<hbm>> -> memref<8x128xf32, #tpu.memory_space<hbm>>
    %dma_wait3A_244 = arith.constant 0 : i32
    %dma_wait3A_245 = arith.constant 0 : i32
    %dma_wait3A_246 = tpu.memref_slice %arg4[%dma_wait3A_235, %dma_wait3A_236, %add3A, %dma_wait3A_244, %dma_wait3A_245] : memref<50x8x32x8x128xf32, #tpu.memory_space<hbm>> -> memref<1x1x1x8x128xf32, #tpu.memory_space<hbm>>
    %dma_wait3A_247 = tpu.memref_squeeze %dma_wait3A_246 : memref<1x1x1x8x128xf32, #tpu.memory_space<hbm>> -> memref<8x128xf32, #tpu.memory_space<hbm>>
    %dma_wait3A_248 = arith.constant 48 : i32
    %dma_wait3A_249 = arith.constant 0 : i32
    %dma_wait3A_250 = tpu.memref_slice %arg9[%dma_wait3A_248, %dma_wait3A_249] : memref<64x128xf32, #tpu.memory_space<vmem>> -> memref<8x128xf32, #tpu.memory_space<vmem>>
    tpu.wait_dma2 semaphore(%arg13 : memref<!tpu.dma_semaphore, #tpu.memory_space<semaphore_mem>>) src(%dma_wait3A_250 : memref<8x128xf32, #tpu.memory_space<vmem>>) dst(%dma_wait3A_247 : memref<8x128xf32, #tpu.memory_space<hbm>>)
    %dma_wait3A_251 = arith.constant 49 : i32
    %dma_wait3A_252 = arith.constant 7 : i32
    %dma_wait3A_253 = arith.constant 56 : i32
    %dma_wait3A_254 = arith.constant 0 : i32
    %dma_wait3A_255 = tpu.memref_slice %arg9[%dma_wait3A_253, %dma_wait3A_254] : memref<64x128xf32, #tpu.memory_space<vmem>> -> memref<8x128xf32, #tpu.memory_space<vmem>>
    %dma_wait3A_256 = arith.constant 0 : i32
    %dma_wait3A_257 = arith.constant 0 : i32
    %dma_wait3A_258 = tpu.memref_slice %arg4[%dma_wait3A_251, %dma_wait3A_252, %add3A, %dma_wait3A_256, %dma_wait3A_257] : memref<50x8x32x8x128xf32, #tpu.memory_space<hbm>> -> memref<1x1x1x8x128xf32, #tpu.memory_space<hbm>>
    %dma_wait3A_259 = tpu.memref_squeeze %dma_wait3A_258 : memref<1x1x1x8x128xf32, #tpu.memory_space<hbm>> -> memref<8x128xf32, #tpu.memory_space<hbm>>
    %dma_wait3A_260 = arith.constant 0 : i32
    %dma_wait3A_261 = arith.constant 0 : i32
    %dma_wait3A_262 = tpu.memref_slice %arg4[%dma_wait3A_251, %dma_wait3A_252, %add3A, %dma_wait3A_260, %dma_wait3A_261] : memref<50x8x32x8x128xf32, #tpu.memory_space<hbm>> -> memref<1x1x1x8x128xf32, #tpu.memory_space<hbm>>
    %dma_wait3A_263 = tpu.memref_squeeze %dma_wait3A_262 : memref<1x1x1x8x128xf32, #tpu.memory_space<hbm>> -> memref<8x128xf32, #tpu.memory_space<hbm>>
    %dma_wait3A_264 = arith.constant 56 : i32
    %dma_wait3A_265 = arith.constant 0 : i32
    %dma_wait3A_266 = tpu.memref_slice %arg9[%dma_wait3A_264, %dma_wait3A_265] : memref<64x128xf32, #tpu.memory_space<vmem>> -> memref<8x128xf32, #tpu.memory_space<vmem>>
    tpu.wait_dma2 semaphore(%arg13 : memref<!tpu.dma_semaphore, #tpu.memory_space<semaphore_mem>>) src(%dma_wait3A_266 : memref<8x128xf32, #tpu.memory_space<vmem>>) dst(%dma_wait3A_263 : memref<8x128xf32, #tpu.memory_space<hbm>>)
    return
  }
}

</mosaic_0001>

<sc_bundles>
// kernel: _gather.3.cloned.1.call-start
scs
__scs_entry_jumppad:
0x0: {  	(pc) =	sbr.rel $0x88, $3  }
0x1: {  	(tag) =	ssettag $0x0;
	lr =	simm.s32 $0x1  }
0x2: {  	[smem:$0x3F9F] =	sst lr;
	_ =	strace $0xD0000000  }
0x3: {  	_ = 	snop  }
0x4: {  	_ = 	snop  }
0x5: {  	_ = 	snop  }
0x6: {  	_ = 	snop  }
0x7: {  	_ = 	snop  }
__scs_overlays_trampoline_lowered:
0x8: {  	[smem:$0x3FAE] =	sst s0  }
0x9: {  	[smem:$0x3FAF] =	sst s1  }
0xa: {  	[smem:$0x3FB0] =	sst s2  }
0xb: {  	[smem:$0x3FB1] =	sst s3  }
0xc: {  	[smem:$0x3FB2] =	sst s4  }
0xd: {  	[smem:$0x3FB3] =	sst s5  }
0xe: {  	[smem:$0x3FB4] =	sst s6  }
0xf: {  	[smem:$0x3FB5] =	sst s7  }
0x10: {  	[smem:$0x3FB6] =	sst s8  }
0x11: {  	[smem:$0x3FB7] =	sst s9;
	s0 =	simm.s32 @!p0 $0x0  }
0x12: {  	s1 =	sld [smem:$0x3F9D];
	s0 =	simm.s32 @p0 $0x1  }
0x13: {  	[smem:$0x3FB8] =	sst s0;
	s0 =	simm.s32 @!p1 $0x0  }
0x14: {  	s2 =	sld [smem:$0x3F9C];
	s0 =	simm.s32 @p1 $0x1  }
0x15: {  	[smem:$0x3FB9] =	sst s0;
	s0 =	simm.s32 @!p2 $0x0  }
0x16: {  	s3 =	sld [smem:$0x3FDB];
	s0 =	simm.s32 @p2 $0x1  }
0x17: {  	s4 =	simm.s32 $0x1BF5;
	[smem:$0x3FBB] =	sst s0  }
0x18: {  	s0 =	sld [smem:$0x3F9E];
	_ =	swait.ge [sflag:s4], $0x0  }
0x19: {  	s7 =	sld [smem:$0x3F9F]  }
0x1a: {  	s8 =	sadd.s32 $0xFFFFE003, lr  }
0x1b: {  	s9 =	sadd.s32 $0xFFFFFEF7, lr;
	s5 =	simm.s32 $0xFFFFFFFF;
	p2 =	slt.u32 s8, $0xFFFFF086  }
0x1c: {  	p1 =	slt.u32 s9, $0xF7A;
	s5 =	simm.s32 @!p2 $0x0  }
0x1d: {  	s5 =	simm.s32 @p1 $0x1;
	p0 =	seq.s32 s7, s2  }
0x1e: {  	s7 =	smul.u32 @!p0 $0xF7A, s2;
	p2 =	seq.s32 @!p0 s5, $0x0  }
0x1f: {  	s9 =	smul.u32 $0xF7A, s1;
	s8 =	simm.s32 @!p0 $0x1BF5;
	p2 =	por !p2, p0  }
0x20: {  	[sflag:s8] =	ssyncset.s32 @!p0 $0xFFFFF086;
	s6 =	sadd.s32 @!p0 s3, s7;
	s7 =	simm.s32 @!p0 $0x108  }
0x21: {  	s3 =	sadd.s32 s3, s9;
	s6 =	sadd.s32 @!p0 $0x88, s6;
	s7 =	simm.s32 @p2 $0x1082  }
0x22: {  	[simem:s7], [sflag:s8] =	dma.local @!p0 [hbm:s6], $0xF7A  }
0x23: {  	s9 =	sor.u32 $0xD0000000, s2;
	s6 =	simm.s32 $0x108;
	_ =	swait.ge @!p0 [sflag:s8], $0x0  }
0x24: {  	s3 =	sadd.s32 $0x88, s3;
	s6 =	simm.s32 @!p1 $0x1082;
	[sflag:s4] =	ssyncset.s32 $0xFFFFF086  }
0x25: {  	[simem:s6], [sflag:s4] =	dma.local [hbm:s3], $0xF7A  }
0x26: {  	[smem:$0x3F9F] =	sst s1;
	(tag) =	ssettag s2;
	_ =	strace s9  }
0x27: {  	s1 =	sld [smem:$0x3FAF]  }
0x28: {  	s2 =	sld [smem:$0x3FB0]  }
0x29: {  	s4 =	sld [smem:$0x3FB2]  }
0x2a: {  	p0 =	seq.s32 s5, $0x0;
	s5 =	sld [smem:$0x3FB3]  }
0x2b: {  	s6 =	sld [smem:$0x3FB4]  }
0x2c: {  	s7 =	sld [smem:$0x3FB5]  }
0x2d: {  	s3 =	simm.s32 $0x108;
	s8 =	sld [smem:$0x3FB6]  }
0x2e: {  	s3 =	simm.s32 @!p0 $0x1082;
	s9 =	sld [smem:$0x3FB7]  }
0x2f: {  	lr =	sadd.s32 s0, s3;
	s0 =	sld [smem:$0x3FAE]  }
0x30: {  	s3 =	sld [smem:$0x3FB1]  }
0x31: {  	[smem:$0x3FBA] =	sst s10  }
0x32: {  	s10 =	sld [smem:$0x3FB8];
	_ =	sdelay $0x3  }
0x33: {  	p0 =	seq.s32 s10, $0x1;
	s10 =	sld [smem:$0x3FBA];
	_ =	sdelay $0x3  }
0x34: {  	[smem:$0x3FBA] =	sst s10  }
0x35: {  	s10 =	sld [smem:$0x3FB9];
	_ =	sdelay $0x3  }
0x36: {  	p1 =	seq.s32 s10, $0x1;
	s10 =	sld [smem:$0x3FBA];
	_ =	sdelay $0x3  }
0x37: {  	[smem:$0x3FBA] =	sst s10  }
0x38: {  	s10 =	sld [smem:$0x3FBB]  }
0x39: {  	_ = 	snop;
	(pc) =	sbr.ind lr, $3  }
0x3a: {  	_ = 	snop  }
0x3b: {  	_ = 	snop  }
0x3c: {  	p2 =	seq.s32 s10, $0x1;
	s10 =	sld [smem:$0x3FBA]  }
0x3d: {  	_ =	shalt  }
0x3e: {  	_ =	shalt  }
0x3f: {  	_ =	shalt  }
0x40: {  	_ =	shalt  }
0x41: {  	_ =	shalt  }
0x42: {  	_ =	shalt  }
0x43: {  	_ =	shalt  }
0x44: {  	_ =	shalt  }
0x45: {  	_ =	shalt  }
0x46: {  	_ =	shalt  }
0x47: {  	_ =	shalt  }
0x48: {  	_ =	shalt  }
0x49: {  	_ =	shalt  }
0x4a: {  	_ =	shalt  }
0x4b: {  	_ =	shalt  }
0x4c: {  	_ =	shalt  }
0x4d: {  	_ =	shalt  }
0x4e: {  	_ =	shalt  }
0x4f: {  	_ =	shalt  }
0x50: {  	_ =	shalt  }
0x51: {  	_ =	shalt  }
0x52: {  	_ =	shalt  }
0x53: {  	_ =	shalt  }
0x54: {  	_ =	shalt  }
0x55: {  	_ =	shalt  }
0x56: {  	_ =	shalt  }
0x57: {  	_ =	shalt  }
0x58: {  	_ =	shalt  }
0x59: {  	_ =	shalt  }
0x5a: {  	_ =	shalt  }
0x5b: {  	_ =	shalt  }
0x5c: {  	_ =	shalt  }
0x5d: {  	_ =	shalt  }
0x5e: {  	_ =	shalt  }
0x5f: {  	_ =	shalt  }
0x60: {  	_ =	shalt  }
0x61: {  	_ =	shalt  }
0x62: {  	_ =	shalt  }
0x63: {  	_ =	shalt  }
0x64: {  	_ =	shalt  }
0x65: {  	_ =	shalt  }
0x66: {  	_ =	shalt  }
0x67: {  	_ =	shalt  }
0x68: {  	_ =	shalt  }
0x69: {  	_ =	shalt  }
0x6a: {  	_ =	shalt  }
0x6b: {  	_ =	shalt  }
0x6c: {  	_ =	shalt  }
0x6d: {  	_ =	shalt  }
0x6e: {  	_ =	shalt  }
0x6f: {  	_ =	shalt  }
0x70: {  	_ =	shalt  }
0x71: {  	_ =	shalt  }
0x72: {  	_ =	shalt  }
0x73: {  	_ =	shalt  }
0x74: {  	_ =	shalt  }
0x75: {  	_ =	shalt  }
0x76: {  	_ =	shalt  }
0x77: {  	_ =	shalt  }
0x78: {  	_ =	shalt  }
0x79: {  	_ =	shalt  }
0x7a: {  	_ =	shalt  }
0x7b: {  	_ =	shalt  }
0x7c: {  	_ =	shalt  }
0x7d: {  	_ =	shalt  }
0x7e: {  	_ =	shalt  }
0x7f: {  	_ =	shalt  }
0x80: {  	_ =	shalt  }
0x81: {  	_ =	shalt  }
0x82: {  	_ =	shalt  }
0x83: {  	_ =	shalt  }
0x84: {  	_ =	shalt  }
0x85: {  	_ =	shalt  }
0x86: {  	_ =	shalt  }
0x87: {  	_ =	shalt  }
.Lfunc_end0:
.L_simem_size_0:
called_computation_lowered:
.L_overlay_start_0:
0x88: {  	s2 =	sld [smem:$0x3FD9]  }
0x89: {  	s3 =	sld [smem:$0x3FFE];
	_ =	sdelay $0x1  }
0x8a: {  	s1 =	srdreg.scid  }
0x8b: {  	s0 =	sand.u32 $0x1, s1  }
0x8c: {  	s17 =	sshll.u32 s0, $0xA;
	s2 =	sadd.s32 s3, s2  }
0x8d: {  	s2 =	sadd.s32 s2, s17  }
0x8e: {  	[smem:$0x3FC6] =	sst s2  }
0x8f: {  	_ = 	snop  }
0x90: {  	s2 =	sld [smem:$0x3FD0];
	(tm) =	ssettm $0x1  }
0x91: {  	s18 =	sld [smem:$0x3FFB];
	_ =	sdelay $0x3  }
0x92: {  	_ =	strace s18  }
0x93: {  	s3 =	sld [smem:$0x3FFC];
	_ =	sdelay $0x3  }
0x94: {  	_ =	strace s3  }
0x95: {  	s3 =	sld [smem:$0x3FFD];
	_ =	sdelay $0x3  }
0x96: {  	_ =	strace s3  }
0x97: {  	_ =	strace $0x8FFFFFFF  }
0x98: {  	s19 =	sld [smem:$0x3FDB];
	_ =	sdelay $0x1  }
0x99: {  	s4 =	simm.s32 $_scs_section_size  }
0x9a: {  	s5 =	simm.s32 $_size__tile_overlayer_lowered;
	s6 =	simm.s32 $_tile_overlayer_lowered  }
0x9b: {  	s22 =	simm.s32 $0x1BFF;
	s21 =	sshll.u32 s6, $0x1;
	s3 =	sadd.s32 s4, s19  }
0x9c: {  	s7 =	simm.s32 $0x0;
	s20 =	sshll.u32 s5, $0x1;
	s5 =	sadd.s32 s21, s3  }
0x9d: {  	[timem:s7], [sflag:s22] =	dma.local [hbm:s5], s20  }
0x9e: {  	_ =	swait.ge [sflag:s22], s20  }
0x9f: {  	s4 =	ssub.s32 $0x0, s20;
	[sflag:s22] =	ssyncset.done $0x0  }
0xa0: {  	[sflag:s22] =	ssyncadd.s32 s4;
	_ =	sdelay $0x1  }
0xa1: {  	s23 =	simm.s32 $0x1B8B  }
0xa2: {  	_ =	swait.ge [sflag:s23], $0x1  }
0xa3: {  	[sflag:s23] =	ssyncset.done $0x0  }
0xa4: {  	s25 =	simm.s32 $0x1B8E;
	s24 =	sld [smem:$0x3FFE];
	[sflag:s23] =	ssyncadd.s32 $0xFFFFFFFF  }
0xa5: {  	s26 =	simm.s32 $execute0_lowered;
	[smem:$0x3FD2] =	sst s25  }
0xa6: {  	s5 =	sshll.u32 s26, $0x1;
	_ =	strace $0x80000046;
	[dreg:$0x1] =	wrdreg $0xFFFFFFFF  }
0xa7: {  	s28 =	simm.s32 $_size_execute0_lowered;
	s3 =	sadd.s32 s3, s5;
	[dreg:$0x0] =	wrdreg $0x0  }
0xa8: {  	s5 =	sshll.u32 s28, $0x1;
	[dreg:$0x2] =	wrdreg s3  }
0xa9: {  	[dreg:$0x3] =	wrdreg s5  }
0xaa: {  	[dreg:$0x4] =	wrdreg $0xC0  }
0xab: {  	_ =	task [dreg:s7], $0x5FFFF  }
0xac: {  	[dreg:$0x1] =	wrdreg $0xFFFFFFFF  }
0xad: {  	[dreg:$0x0] =	wrdreg $0x60  }
0xae: {  	[dreg:$0x2] =	wrdreg s24  }
0xaf: {  	[dreg:$0x3] =	wrdreg s2  }
0xb0: {  	[dreg:$0x4] =	wrdreg $0x9  }
0xb1: {  	_ =	task.clear_ibuf [dreg:s7], $0x5FFFF;
	_ =	strace $0x90000046  }
0xb2: {  	s29 =	simm.s32 $0x9;
	_ =	strace $0x80000048  }
0xb3: {  	_ =	swait.ge [sflag:s29], $0x1  }
0xb4: {  	[sflag:s29] =	ssyncadd.s32 $0xFFFFFFFF  }
0xb5: {  	_ =	strace $0x90000048  }
0xb6: {  	_ =	sfence  }
0xb7: {  	s30 =	sld [smem:$0x0];
	_ =	sdelay $0x2  }
0xb8: {  	s31 =	sshll.u32 s1, $0xD;
	s1 =	sshrl.u32 s1, $0x2  }
0xb9: {  	s3 =	sand.u32 $0x4000, s31;
	s1 =	sadd.s32 s1, s30  }
0xba: {  	s0 =	sor.u32 s3, s0;
	s1 =	sshll.u32 s1, $0x11  }
0xbb: {  	s0 =	sor.u32 s1, s0  }
0xbc: {  	s0 =	sadd.s32 $0x8F2B, s0  }
0xbd: {  	[sflag:s0] =	ssyncadd.remote.s32 $0x1  }
0xbe: {  	_ =	sfence.sel $0xFFFF  }
0xbf: {  	[dreg:$0x0] =	wrdreg $0xFFFFFFFF;
	(pc) =	sbr.abs _section_cstart, $3  }
0xc0: {  	[dreg:$0x1] =	wrdreg $0xFFFFFFFF  }
0xc1: {  	_ =	task.clear_ibuf [dreg:s7], $0x2FFFF;
	_ =	strace $0x9FFFFFFF  }
0xc2: {  	(tm) =	ssettm $0x7FFFFFFF  }
0xc3: {  	_ =	shalt  }
tec
execute0_lowered:
.L_overlay_start_1:
0x0: {  	(tag) =	ssettag $0x1  }
0x1: {  	v0 =	vimm.s32 $0xFEDCBA9;
	v1 =	vimm.s32 $0x87654321  }
0x2: {  	v3 =	vimm.s32 $0x98765432;
	v4 =	vimm.s32 $0x210FEDCB;
	v5 =	vimm.s32 $0xA9876543  }
0x3: {  	v6 =	vimm.s32 $0x7654321;
	v7 =	vimm.s32 $0x3210FEDC;
	v8 =	vimm.s32 $0xBA987654  }
0x4: {  	v9 =	vimm.s32 $0x43210FED;
	v10 =	vimm.s32 $0xCBA98765;
	v11 =	vimm.s32 $0x21076543  }
0x5: {  	v12 =	vimm.s32 $0x543210FE;
	v14 =	vimm.s32 $0xDCBA9876;
	v27 =	vimm.s32 $0xFEDCBA98  }
0x6: {  	v28 =	vimm.s32 $0x76543210;
	v62 =	vimm.s32 $0x65432107;
	v0 =	vunpack.c.l.s4.s8 v0  }
0x7: {  	v1 =	vunpack.c.l.s4.s8 v1;
	v3 =	vunpack.c.l.s4.s8 v3;
	v4 =	vunpack.c.l.s4.s8 v4  }
0x8: {  	v5 =	vunpack.c.l.s4.s8 v5;
	v6 =	vunpack.c.l.s4.s8 v6;
	v7 =	vunpack.c.l.s4.s8 v7  }
0x9: {  	v8 =	vunpack.c.l.s4.s8 v8;
	v9 =	vunpack.c.l.s4.s8 v9;
	v10 =	vunpack.c.l.s4.s8 v10  }
0xa: {  	v11 =	vunpack.c.l.s4.s8 v11;
	v12 =	vunpack.c.l.s4.s8 v12;
	v14 =	vunpack.c.l.s4.s8 v14  }
0xb: {  	v27 =	vunpack.c.l.s4.s8 v27;
	v28 =	vunpack.c.l.s4.s8 v28;
	v15 =	vunpack.c.0.s8.s32 v0  }
0xc: {  	v16 =	vunpack.c.0.s8.s32 v1;
	v0 =	vlaneseq.u32;
	v1 =	vimm.s32 $0x10FEDCBA  }
0xd: {  	v18 =	vunpack.c.0.s8.s32 v3;
	v3 =	vimm.s32 $0x10765432;
	v19 =	vunpack.c.0.s8.s32 v4  }
0xe: {  	v20 =	vunpack.c.0.s8.s32 v5;
	v21 =	vunpack.c.0.s8.s32 v7;
	v22 =	vunpack.c.0.s8.s32 v8  }
0xf: {  	v8 =	vimm.s32 $0x32107654;
	v23 =	vunpack.c.0.s8.s32 v9;
	v24 =	vunpack.c.0.s8.s32 v10  }
0x10: {  	v7 =	vunpack.c.0.s8.s32 v11;
	v25 =	vunpack.c.0.s8.s32 v12;
	v26 =	vunpack.c.0.s8.s32 v14  }
0x11: {  	v12 =	vimm.s32 $0x54321076;
	v14 =	vimm.s32 $0xEDCBA987;
	v60 =	vunpack.c.0.s8.s32 v28  }
0x12: {  	v1 =	vunpack.c.l.s4.s8 v1;
	v5 =	vunpack.c.l.s4.s8 v3;
	v3 =	vunpack.c.0.s8.s32 v6  }
0x13: {  	v10 =	vunpack.c.l.s4.s8 v8;
	v2 =	vcombine.low v16, v15;
	v6 =	vcombine.low v20, v19  }
0x14: {  	v8 =	vimm.s32 $0x43210765;
	v9 =	vcombine.low v22, v21;
	v11 =	vcombine.low v24, v23  }
0x15: {  	s0 =	rddreg [dreg:$0x0];
	s1 =	srdreg.scid;
	v14 =	vunpack.c.l.s4.s8 v14;
	v29 =	vcombine.low v26, v25;
	v63 =	vcombine.low v15, v16  }
0x16: {  	s3 =	stileid.u32;
	s2 =	rddreg [dreg:$0x1];
	s16 =	simm.s32 $0x80;
	v30 =	vunpack.c.l.s4.s8 v12;
	v19 =	vcombine.low v19, v20;
	v20 =	vcombine.low v21, v22  }
0x17: {  	s17 =	simm.s32 $0x1900;
	s18 =	simm.s32 $0x3900;
	s19 =	simm.s32 $0x1;
	v13 =	vunpack.c.l.s4.s8 v8;
	v21 =	vcombine.low v23, v24;
	v22 =	vcombine.low v25, v26  }
0x18: {  	s20 =	simm.s32 $0x5900;
	s29 =	simm.s32 $0x2;
	s30 =	simm.s32 $0x4;
	v17 =	vunpack.c.0.s8.s32 v1;
	v1 =	vand.u32 $0x7, v0;
	v5 =	vunpack.c.0.s8.s32 v5  }
0x19: {  	s31 =	simm.s32 $0x7900;
	s14 =	simm.s32 $0x8900;
	s15 =	simm.s32 $0x8D00;
	v32 =	vunpack.c.0.s8.s32 v14;
	v14 =	vunpack.c.0.s8.s32 v27;
	v2 =	vand.u32 $0xF, v2  }
0x1a: {  	s21 =	simm.s32 $0x9100;
	s22 =	simm.s32 $0x9500;
	s1 =	sand.u32 $0x1, s1;
	v6 =	vand.u32 $0xF, v6;
	v8 =	vand.u32 $0xF, v9;
	v9 =	vunpack.c.0.s8.s32 v10  }
0x1b: {  	s4 =	sshll.u32 s3, $0x1;
	s3 =	simm.s32 $0x0;
	s7 =	sadd.s32 $0x1000, s2;
	v10 =	vand.u32 $0xF, v11;
	v11 =	vunpack.c.0.s8.s32 v13;
	v13 =	vimm.s32 $0x6543210F  }
0x1c: {  	s8 =	sadd.s32 $0x2000, s2;
	s9 =	sadd.s32 $0x3000, s2;
	s10 =	sadd.s32 $0x4000, s2;
	v12 =	vand.u32 $0xF, v29;
	v29 =	vunpack.c.l.s4.s8 v62;
	v13 =	vunpack.c.l.s4.s8 v13  }
0x1d: {  	s11 =	sadd.s32 $0x5000, s2;
	s5 =	sor.u32 s1, s4;
	s1 =	ssub.s32 $0x2, s1;
	v19 =	vand.u32 $0xF, v19;
	v20 =	vand.u32 $0xF, v20;
	v21 =	vand.u32 $0xF, v21  }
0x1e: {  	s12 =	sadd.s32 $0x6000, s2;
	s6 =	smul.u32 $0x320, s5;
	s26 =	sshrl.u32 s1, $0x1;
	v4 =	vcombine.low v18, v17;
	v14 =	vand.u32 $0xF, v14;
	v31 =	vunpack.c.0.s8.s32 v13  }
0x1f: {  	s13 =	sadd.s32 $0x7000, s2;
	[smem:$0x7FF] =	sst s3;
	s1 =	ssub.s32 s1, s26;
	v22 =	vand.u32 $0xF, v22;
	v18 =	vcombine.low v17, v18;
	v14 =	vcombine.low v14, v60  }
0x20: {  	s4 =	sadd.s32 $0x30DA00, s0;
	s0 =	sadd.s32 s6, s0;
	s28 =	smax.u32 s1, $0x1;
	v17 =	vand.u32 $0xF, v63;
	v61 =	vcombine.low v32, v31;
	v23 =	vcombine.low v31, v32  }
0x21: {  	_ =	strace $0x80000047;
	s0 =	sadd.s32 $0x600, s0;
	[dreg:$0x4] =	wrdreg s28;
	v16 =	vunpack.c.0.s8.s32 v29;
	v4 =	vand.u32 $0xF, v4;
	v13 =	vunpack.c.0.s8.s32 v30  }
0x22: {  	s6 =	sshll.u32 s5, $0xA;
	s1 =	simm.s32 $0x0;
	[dreg:$0x3] =	wrdreg s0;
	v18 =	vand.u32 $0xF, v18;
	v15 =	vand.u32 $0xF, v61;
	v23 =	vand.u32 $0xF, v23  }
.LBB2_1:
0x23: {  	[dreg:$0x5] =	wrdreg s1  }
0x24: {  	s0 =	rddreg [dreg:$0x3];
	s28 =	simm.s32 $0x5  }
0x25: {  	[tilespmem:s3], [sflag:$0x5] =	stream.linear.gather [hbm4b:s0+s3], $0x1900, $0x38;
	[tilespmem:$0x9900] =	vst v63  }
0x26: {  	_ =	swait.ge [sflag:s28], $0x1900  }
0x27: {  	[sflag:s28] =	ssyncset.done $0x0  }
0x28: {  	s23 =	simm.s32 $0x0;
	[sflag:s28] =	ssyncadd.s32 $0xFFFFE700  }
0x29: {  	[tilespmem:s17], [sflag:$0x1] =	stream.indirect.gather [hbm4b:s4+s16], $0x40, s3, s16, $0xb8;
	[tilespmem:$0x9900] =	vst v63  }
.LBB2_2:
0x2a: {  	s24 =	sshllo.u32 s23, $0x1  }
0x2b: {  	s0 =	sshll.u32 s24, $0x7  }
0x2c: {  	s0 =	sand.u32 $0x3FFFFF80, s0  }
0x2d: {  	[tilespmem:s18], [sflag:$0x2] =	stream.indirect.gather [hbm4b:s4+s16], $0x40, s0, s16, $0xb8;
	[tilespmem:$0x9900] =	vst v63  }
0x2e: {  	_ =	swait.ge [sflag:s19], $0x2000  }
0x2f: {  	p0 =	seq.s32 s23, $0x0;
	[sflag:s19] =	ssyncset.done $0x0  }
0x30: {  	s1 =	simm.s32 @!p0 $0x3;
	[sflag:s19] =	ssyncadd.s32 $0xFFFFE000  }
0x31: {  	_ =	swait.ge @!p0 [sflag:s1], $0x400  }
0x32: {  	[sflag:s1] =	ssyncset.done @!p0 $0x0  }
0x33: {  	[sflag:s1] =	ssyncadd.s32 @!p0 $0xFFFFFC00  }
0x34: {  	_ =	swait.ge @!p0 [sflag:s1], $0x400  }
0x35: {  	[sflag:s1] =	ssyncset.done @!p0 $0x0  }
0x36: {  	[sflag:s1] =	ssyncadd.s32 @!p0 $0xFFFFFC00  }
0x37: {  	_ =	swait.ge @!p0 [sflag:s1], $0x400  }
0x38: {  	[sflag:s1] =	ssyncset.done @!p0 $0x0  }
0x39: {  	[sflag:s1] =	ssyncadd.s32 @!p0 $0xFFFFFC00  }
0x3a: {  	_ =	swait.ge @!p0 [sflag:s1], $0x400  }
0x3b: {  	[sflag:s1] =	ssyncset.done @!p0 $0x0  }
0x3c: {  	s26 =	simm.s32 $0x0;
	[sflag:s1] =	ssyncadd.s32 @!p0 $0xFFFFFC00  }
0x3d: {  	s5 =	sand.u32 $0x70, s26;
	_ =	swait.ge @!p0 [sflag:s1], $0x400  }
0x3e: {  	v24 =	vor.u32 s5, v0;
	s0 =	sand.u32 $0x20, s26;
	[sflag:s1] =	ssyncset.done @!p0 $0x0  }
0x3f: {  	v30 =	vshll.u32 v24, $0x6;
	v31 =	vand.u32 $0x78, v24;
	v25 =	vor.u32 s0, v0;
	[sflag:s1] =	ssyncadd.s32 @!p0 $0xFFFFFC00  }
0x40: {  	v32 =	vor.u32 v1, v30;
	v29 =	vor.u32 s0, v2;
	v34 =	vor.u32 s0, v4;
	_ =	swait.ge @!p0 [sflag:s1], $0x400  }
0x41: {  	s26 =	sor.u32 $0x10, s0;
	v35 =	vor.u32 s0, v6;
	v55 =	vor.u32 v5, v30;
	v61 =	vor.u32 s0, v8;
	[sflag:s1] =	ssyncset.done @!p0 $0x0  }
0x42: {  	v44 =	vor.u32 s0, v10;
	v59 =	vor.u32 v7, v30;
	v26 =	vor.u32 s26, v0;
	[sflag:s1] =	ssyncadd.s32 @!p0 $0xFFFFFC00  }
0x43: {  	v47 =	vor.u32 s0, v12;
	v57 =	vor.u32 s0, v15;
	v28 =	vand.u32 $0x38, v26;
	_ =	swait.ge @!p0 [sflag:s1], $0x400  }
0x44: {  	v49 =	vor.u32 s0, v14;
	v27 =	vand.u32 $0x28, v25;
	v28 =	vor.u32 v28, v32;
	[sflag:s1] =	ssyncset.done @!p0 $0x0  }
0x45: {  	v25 =	vshll.u32 v25, $0x7;
	v33 =	vand.u32 $0x28, v29;
	v29 =	vshll.u32 v29, $0x7;
	[sflag:s1] =	ssyncadd.s32 @!p0 $0xFFFFFC00  }
0x46: {  	v36 =	vand.u32 $0x28, v34;
	v60 =	vand.u32 $0x28, v35;
	v35 =	vshll.u32 v35, $0x7;
	_ =	swait.ge @!p0 [sflag:s1], $0x400  }
0x47: {  	v46 =	vand.u32 $0x28, v44;
	v44 =	vshll.u32 v44, $0x7;
	v24 =	vshll.u32 v26, $0x7;
	[sflag:s1] =	ssyncset.done @!p0 $0x0  }
0x48: {  	v48 =	vand.u32 $0x28, v47;
	v26 =	vor.u32 s26, v2;
	v37 =	vor.u32 v31, v24;
	[sflag:s1] =	ssyncadd.s32 @!p0 $0xFFFFFC00  }
0x49: {  	v24 =	vor.u32 v3, v30;
	v38 =	vand.u32 $0x38, v26;
	v37 =	vor.u32 v1, v37;
	v28 =	vld.idx.msk [tilespmem:v28+s17+$0x0], $0xffff  }
0x4a: {  	v27 =	vor.u32 v27, v32;
	v25 =	vor.u32 v31, v25;
	v38 =	vor.u32 v38, v24  }
0x4b: {  	v36 =	vor.u32 v36, v55;
	v44 =	vor.u32 v31, v44;
	v39 =	vor.u32 v1, v25  }
0x4c: {  	v25 =	vor.u32 v31, v29;
	v29 =	vshll.u32 v34, $0x7;
	v34 =	vor.u32 v60, v59  }
0x4d: {  	v60 =	vshll.u32 v57, $0x7;
	v40 =	vor.u32 v1, v25;
	v25 =	vshll.u32 v26, $0x7  }
0x4e: {  	v33 =	vor.u32 v33, v24;
	v26 =	vor.u32 s26, v4;
	v41 =	vor.u32 v31, v25;
	[tilespmem:v37+s20+$0x0] =	vst.idx.msk $0xffff, v28  }
0x4f: {  	v29 =	vor.u32 v31, v29;
	v42 =	vand.u32 $0x38, v26;
	v41 =	vor.u32 v1, v41;
	v37 =	vld.idx.msk [tilespmem:v38+s17+$0x0], $0xffff  }
0x50: {  	v43 =	vor.u32 v1, v29;
	v29 =	vor.u32 v31, v35;
	v42 =	vor.u32 v42, v55  }
0x51: {  	v26 =	vshll.u32 v26, $0x7;
	v35 =	vshll.u32 v61, $0x7;
	v25 =	vor.u32 v1, v44  }
0x52: {  	v44 =	vor.u32 v11, v30;
	v51 =	vor.u32 v1, v29;
	v29 =	vor.u32 s26, v6  }
0x53: {  	v62 =	vor.u32 v31, v26;
	v35 =	vor.u32 v31, v35;
	v26 =	vor.u32 v9, v30;
	v63 =	vld.idx.msk [tilespmem:v27+s17+$0x0], $0xffff  }
0x54: {  	v45 =	vand.u32 $0x38, v29;
	v52 =	vor.u32 v1, v35;
	v35 =	vand.u32 $0x28, v57;
	[tilespmem:v41+s20+$0x0] =	vst.idx.msk $0xffff, v37  }
0x55: {  	v45 =	vor.u32 v45, v59;
	v27 =	vshll.u32 v29, $0x7;
	v38 =	vor.u32 v1, v62;
	v42 =	vld.idx.msk [tilespmem:v42+s17+$0x0], $0xffff  }
0x56: {  	v29 =	vor.u32 s26, v8;
	v54 =	vor.u32 v31, v27;
	v28 =	vand.u32 $0x28, v61  }
0x57: {  	v56 =	vand.u32 $0x38, v29;
	v53 =	vor.u32 v28, v26;
	v28 =	vshll.u32 v47, $0x7  }
0x58: {  	[tilespmem:v39+s20+$0x0] =	vst.idx.msk $0xffff, v63;
	v61 =	vand.u32 $0x28, v49;
	v62 =	vshll.u32 v49, $0x7;
	v50 =	vor.u32 v31, v28  }
0x59: {  	v33 =	vld.idx.msk [tilespmem:v33+s17+$0x0], $0xffff;
	v28 =	vshll.u32 v29, $0x7;
	v29 =	vor.u32 s26, v10;
	v47 =	vor.u32 v31, v62  }
0x5a: {  	v62 =	vor.u32 s0, v18;
	v58 =	vor.u32 v31, v28;
	v28 =	vor.u32 v61, v32;
	[tilespmem:v38+s20+$0x0] =	vst.idx.msk $0xffff, v42  }
0x5b: {  	v39 =	vor.u32 v1, v58;
	v37 =	vor.u32 v1, v54;
	v41 =	vor.u32 v56, v26;
	v45 =	vld.idx.msk [tilespmem:v45+s17+$0x0], $0xffff  }
0x5c: {  	v54 =	vand.u32 $0x38, v29;
	v29 =	vshll.u32 v29, $0x7;
	v56 =	vor.u32 s26, v12  }
0x5d: {  	v42 =	vor.u32 v54, v44;
	v54 =	vor.u32 v46, v44;
	v46 =	vor.u32 v13, v30  }
0x5e: {  	[tilespmem:v40+s20+$0x0] =	vst.idx.msk $0xffff, v33;
	v63 =	vor.u32 v31, v29;
	v58 =	vor.u32 v48, v46;
	v48 =	vor.u32 s0, v17  }
0x5f: {  	v36 =	vld.idx.msk [tilespmem:v36+s17+$0x0], $0xffff;
	v57 =	vor.u32 v1, v63;
	v38 =	vor.u32 v31, v60;
	v61 =	vshll.u32 v48, $0x7  }
0x60: {  	v40 =	vand.u32 $0x38, v56;
	v49 =	vor.u32 v1, v38;
	v63 =	vor.u32 v31, v61;
	[tilespmem:v37+s20+$0x0] =	vst.idx.msk $0xffff, v45  }
0x61: {  	v33 =	vor.u32 v40, v46;
	v27 =	vor.u32 v1, v63;
	v45 =	vand.u32 $0x28, v62;
	v41 =	vld.idx.msk [tilespmem:v41+s17+$0x0], $0xffff  }
0x62: {  	v38 =	vor.u32 v16, v30;
	v60 =	vand.u32 $0x28, v48;
	[tilespmem:$0x1FF80] =	vst v27;
	v27 =	vor.u32 v45, v55  }
0x63: {  	v48 =	vor.u32 v60, v24;
	v60 =	vshll.u32 v56, $0x7;
	v56 =	vor.u32 s26, v15;
	[tilespmem:$0x1FF90] =	vst v27  }
0x64: {  	v61 =	vshll.u32 v62, $0x7;
	v30 =	vand.u32 $0x38, v56;
	v37 =	vor.u32 v31, v60;
	[tilespmem:v43+s20+$0x0] =	vst.idx.msk $0xffff, v36  }
0x65: {  	v40 =	vor.u32 v30, v38;
	v30 =	vor.u32 s0, v19;
	v43 =	vor.u32 v1, v37;
	v34 =	vld.idx.msk [tilespmem:v34+s17+$0x0], $0xffff  }
0x66: {  	v36 =	vor.u32 s0, v20;
	v37 =	vshll.u32 v30, $0x7;
	v30 =	vand.u32 $0x28, v30;
	[tilespmem:v39+s20+$0x0] =	vst.idx.msk $0xffff, v41  }
0x67: {  	v63 =	vshll.u32 v56, $0x7;
	v41 =	vor.u32 v30, v59;
	v30 =	vand.u32 $0x28, v36;
	v60 =	vld.idx.msk [tilespmem:v42+s17+$0x0], $0xffff  }
0x68: {  	v56 =	vor.u32 v31, v63;
	v63 =	vor.u32 s0, v21;
	v27 =	vor.u32 v30, v26  }
0x69: {  	v45 =	vor.u32 v35, v38;
	v35 =	vor.u32 v31, v61;
	v36 =	vshll.u32 v36, $0x7;
	[tilespmem:$0x1FFA0] =	vst v27  }
0x6a: {  	v62 =	vor.u32 v31, v37;
	v61 =	vor.u32 v31, v36;
	[tilespmem:v51+s20+$0x0] =	vst.idx.msk $0xffff, v34;
	v51 =	vor.u32 s26, v14  }
0x6b: {  	v39 =	vor.u32 v1, v62;
	v37 =	vmovc v26;
	v26 =	vor.u32 v1, v61;
	v62 =	vand.u32 $0x38, v51  }
0x6c: {  	v53 =	vld.idx.msk [tilespmem:v53+s17+$0x0], $0xffff;
	[tilespmem:v57+s20+$0x0] =	vst.idx.msk $0xffff, v60;
	v57 =	vor.u32 v62, v32;
	v62 =	vshll.u32 v63, $0x7  }
0x6d: {  	v61 =	vand.u32 $0x28, v63;
	v63 =	vor.u32 s0, v22;
	v32 =	vor.u32 v31, v62  }
0x6e: {  	[tilespmem:$0x1FFB0] =	vst v26;
	v34 =	vand.u32 $0x28, v63;
	v26 =	vor.u32 v1, v32  }
0x6f: {  	v42 =	vor.u32 v1, v35;
	v35 =	vshll.u32 v63, $0x7;
	v33 =	vld.idx.msk [tilespmem:v33+s17+$0x0], $0xffff;
	[tilespmem:$0x1FFC0] =	vst v26;
	v26 =	vor.u32 v34, v46  }
0x70: {  	v63 =	vor.u32 v31, v35;
	[tilespmem:$0x1FFD0] =	vst v26  }
0x71: {  	v26 =	vor.u32 v1, v63;
	[tilespmem:v52+s20+$0x0] =	vst.idx.msk $0xffff, v53  }
0x72: {  	[tilespmem:$0x1FFE0] =	vst v26  }
0x73: {  	v35 =	vor.u32 s0, v23;
	v53 =	vld.idx.msk [tilespmem:v54+s17+$0x0], $0xffff  }
0x74: {  	v32 =	vand.u32 $0x28, v35  }
0x75: {  	v26 =	vor.u32 v32, v38;
	[tilespmem:v43+s20+$0x0] =	vst.idx.msk $0xffff, v33  }
0x76: {  	s25 =	simm.s32 $0x20;
	[tilespmem:$0x1FFF0] =	vst v26  }
0x77: {  	s1 =	sand.u32 $0x20, s25;
	v56 =	vor.u32 v1, v56;
	v43 =	vld.idx.msk [tilespmem:v40+s17+$0x0], $0xffff  }
0x78: {  	s25 =	sor.u32 $0x10, s1;
	v50 =	vor.u32 v1, v50;
	v47 =	vor.u32 v1, v47;
	v51 =	vshll.u32 v51, $0x7;
	[tilespmem:v25+s20+$0x0] =	vst.idx.msk $0xffff, v53  }
0x79: {  	v29 =	vor.u32 s1, v6;
	v27 =	vor.u32 s25, v0;
	v51 =	vor.u32 v31, v51;
	v58 =	vld.idx.msk [tilespmem:v58+s17+$0x0], $0xffff  }
0x7a: {  	v36 =	vor.u32 v61, v44;
	v61 =	vor.u32 s1, v0;
	v51 =	vor.u32 v1, v51  }
0x7b: {  	s5 =	simm.s32 $0x8;
	v62 =	vor.u32 s1, v2;
	v34 =	vand.u32 $0x38, v27;
	v54 =	vor.u32 s26, v17  }
0x7c: {  	s0 =	sand.u32 $0x70, s5;
	v27 =	vshll.u32 v27, $0x7;
	v52 =	vshll.u32 v35, $0x7;
	v33 =	vand.u32 $0x38, v54;
	[tilespmem:v56+s20+$0x0] =	vst.idx.msk $0xffff, v43  }
0x7d: {  	v60 =	vor.u32 v33, v24;
	v24 =	vor.u32 v31, v52;
	v52 =	vor.u32 s0, v0;
	v57 =	vld.idx.msk [tilespmem:v57+s17+$0x0], $0xffff  }
0x7e: {  	v63 =	vand.u32 $0x28, v61;
	v54 =	vshll.u32 v54, $0x7;
	v40 =	vshll.u32 v52, $0x6;
	[tilespmem:v50+s20+$0x0] =	vst.idx.msk $0xffff, v58  }
0x7f: {  	v26 =	vor.u32 s26, v18;
	v54 =	vor.u32 v31, v54;
	v35 =	vor.u32 v1, v40;
	v45 =	vld.idx.msk [tilespmem:v45+s17+$0x0], $0xffff  }
0x80: {  	v54 =	vor.u32 v1, v54;
	v53 =	vor.u32 v34, v35;
	v25 =	vand.u32 $0x38, v26  }
0x81: {  	v63 =	vor.u32 v63, v35;
	v26 =	vshll.u32 v26, $0x7;
	v55 =	vor.u32 v25, v55  }
0x82: {  	v25 =	vand.u32 $0x78, v52;
	v26 =	vor.u32 v31, v26;
	v56 =	vshll.u32 v61, $0x7;
	[tilespmem:v51+s20+$0x0] =	vst.idx.msk $0xffff, v57  }
0x83: {  	v61 =	vand.u32 $0x28, v62;
	v62 =	vshll.u32 v62, $0x7;
	v27 =	vor.u32 v25, v27;
	v57 =	vld.idx.msk [tilespmem:v60+s17+$0x0], $0xffff  }
0x84: {  	v30 =	vor.u32 v1, v27;
	v27 =	vor.u32 s26, v19;
	v32 =	vor.u32 v25, v56;
	[tilespmem:v49+s20+$0x0] =	vst.idx.msk $0xffff, v45  }
0x85: {  	v56 =	vor.u32 v1, v26;
	v26 =	vand.u32 $0x38, v27;
	v50 =	vor.u32 s25, v2;
	v49 =	vld.idx.msk [tilespmem:v28+s17+$0x0], $0xffff  }
0x86: {  	v59 =	vor.u32 v26, v59;
	v58 =	vor.u32 v3, v40;
	v33 =	vand.u32 $0x38, v50  }
0x87: {  	v26 =	vor.u32 v25, v62;
	v62 =	vor.u32 s25, v4;
	v53 =	vld.idx.msk [tilespmem:v53+s17+$0x0], $0xffff;
	v33 =	vor.u32 v33, v58  }
0x88: {  	v51 =	vor.u32 v1, v32;
	v45 =	vor.u32 v1, v26;
	v26 =	vshll.u32 v50, $0x7;
	[tilespmem:v54+s20+$0x0] =	vst.idx.msk $0xffff, v57  }
0x89: {  	v60 =	vor.u32 v61, v58;
	v61 =	vand.u32 $0x28, v29;
	v50 =	vor.u32 v25, v26;
	v55 =	vld.idx.msk [tilespmem:v55+s17+$0x0], $0xffff  }
0x8a: {  	v28 =	vshll.u32 v27, $0x7;
	v26 =	vor.u32 v5, v40;
	v27 =	vand.u32 $0x38, v62;
	[tilespmem:v47+s20+$0x0] =	vst.idx.msk $0xffff, v49;
	v47 =	vld.idx.msk [tilespmem:v63+s17+$0x0], $0xffff  }
0x8b: {  	v54 =	vor.u32 v27, v26;
	v27 =	vor.u32 v31, v28;
	v28 =	vor.u32 s26, v20  }
0x8c: {  	v29 =	vshll.u32 v29, $0x7;
	v57 =	vor.u32 v1, v27;
	v27 =	vand.u32 $0x38, v28  }
0x8d: {  	[tilespmem:v30+s20+$0x0] =	vst.idx.msk $0xffff, v53;
	v32 =	vor.u32 v27, v37;
	v27 =	vor.u32 v25, v29  }
0x8e: {  	v30 =	vor.u32 v1, v27;
	v27 =	vshll.u32 v62, $0x7;
	[tilespmem:v56+s20+$0x0] =	vst.idx.msk $0xffff, v55  }
0x8f: {  	v62 =	vor.u32 v25, v27;
	v27 =	vor.u32 v7, v40;
	[tilespmem:v51+s20+$0x0] =	vst.idx.msk $0xffff, v47  }
0x90: {  	v47 =	vor.u32 v61, v27;
	v61 =	vld [tilespmem:$0x1FF80];
	_ =	sdelay $0x1  }
0x91: {  	v33 =	vld.idx.msk [tilespmem:v33+s17+$0x0], $0xffff;
	v50 =	vor.u32 v1, v50  }
0x92: {  	v48 =	vld.idx.msk [tilespmem:v48+s17+$0x0], $0xffff;
	_ =	sdelay $0x3  }
0x93: {  	v63 =	vor.u32 s25, v6;
	[tilespmem:v50+s20+$0x0] =	vst.idx.msk $0xffff, v33  }
0x94: {  	v34 =	vand.u32 $0x38, v63;
	[tilespmem:v61+s20+$0x0] =	vst.idx.msk $0xffff, v48  }
0x95: {  	v43 =	vor.u32 s1, v4;
	v56 =	vor.u32 v34, v27;
	v34 =	vld [tilespmem:$0x1FF90]  }
0x96: {  	v52 =	vand.u32 $0x28, v43;
	v48 =	vld.idx.msk [tilespmem:v60+s17+$0x0], $0xffff  }
0x97: {  	v43 =	vshll.u32 v43, $0x7;
	v52 =	vor.u32 v52, v26  }
0x98: {  	v43 =	vor.u32 v25, v43  }
0x99: {  	v43 =	vor.u32 v1, v43;
	v28 =	vshll.u32 v28, $0x7;
	v29 =	vor.u32 s1, v8  }
0x9a: {  	v28 =	vor.u32 v31, v28;
	v37 =	vor.u32 s26, v21;
	v55 =	vor.u32 v1, v62;
	v59 =	vld.idx.msk [tilespmem:v59+s17+$0x0], $0xffff  }
0x9b: {  	v53 =	vand.u32 $0x28, v29;
	v51 =	vor.u32 v1, v28;
	v28 =	vand.u32 $0x38, v37;
	v50 =	vld.idx.msk [tilespmem:v54+s17+$0x0], $0xffff;
	[tilespmem:v45+s20+$0x0] =	vst.idx.msk $0xffff, v48  }
0x9c: {  	v29 =	vshll.u32 v29, $0x7;
	v49 =	vor.u32 s1, v10;
	v44 =	vor.u32 v28, v44;
	v52 =	vld.idx.msk [tilespmem:v52+s17+$0x0], $0xffff  }
0x9d: {  	v28 =	vor.u32 v25, v29;
	v29 =	vshll.u32 v49, $0x7;
	v60 =	vand.u32 $0x28, v49;
	v49 =	vld.idx.msk [tilespmem:v34+s17+$0x0], $0xffff;
	_ =	sdelay $0x1  }
0x9e: {  	[tilespmem:v57+s20+$0x0] =	vst.idx.msk $0xffff, v59  }
0x9f: {  	v61 =	vor.u32 v1, v28;
	v28 =	vshll.u32 v63, $0x7;
	[tilespmem:v55+s20+$0x0] =	vst.idx.msk $0xffff, v50  }
0xa0: {  	v29 =	vor.u32 v25, v29;
	v63 =	vor.u32 v25, v28;
	v32 =	vld.idx.msk [tilespmem:v32+s17+$0x0], $0xffff;
	[tilespmem:v43+s20+$0x0] =	vst.idx.msk $0xffff, v52  }
0xa1: {  	v33 =	vor.u32 s1, v12;
	v57 =	vor.u32 s25, v8;
	v54 =	vor.u32 v1, v63;
	[tilespmem:v42+s20+$0x0] =	vst.idx.msk $0xffff, v49;
	v49 =	vld.idx.msk [tilespmem:v56+s17+$0x0], $0xffff  }
0xa2: {  	v59 =	vshll.u32 v37, $0x7;
	v28 =	vor.u32 v9, v40;
	v50 =	vor.u32 s25, v10;
	v56 =	vld.idx.msk [tilespmem:v47+s17+$0x0], $0xffff  }
0xa3: {  	v37 =	vand.u32 $0x38, v57;
	v63 =	vor.u32 v1, v29;
	v29 =	vshll.u32 v33, $0x7;
	v41 =	vld.idx.msk [tilespmem:v41+s17+$0x0], $0xffff  }
0xa4: {  	v53 =	vor.u32 v53, v28;
	v48 =	vor.u32 v25, v29;
	v29 =	vshll.u32 v57, $0x7  }
0xa5: {  	v45 =	vor.u32 v37, v28;
	v37 =	vor.u32 s26, v22;
	[tilespmem:v51+s20+$0x0] =	vst.idx.msk $0xffff, v32;
	v32 =	vor.u32 v25, v29  }
0xa6: {  	v51 =	vor.u32 s26, v23;
	v29 =	vor.u32 v11, v40;
	v34 =	vor.u32 v31, v59;
	[tilespmem:v54+s20+$0x0] =	vst.idx.msk $0xffff, v49  }
0xa7: {  	v32 =	vor.u32 v1, v32;
	v62 =	vor.u32 v1, v34;
	v34 =	vand.u32 $0x38, v37;
	[tilespmem:v30+s20+$0x0] =	vst.idx.msk $0xffff, v56  }
0xa8: {  	v57 =	vor.u32 v60, v29;
	v59 =	vand.u32 $0x38, v50;
	v46 =	vor.u32 v34, v46;
	[tilespmem:v39+s20+$0x0] =	vst.idx.msk $0xffff, v41  }
0xa9: {  	v34 =	vand.u32 $0x28, v33;
	v33 =	vor.u32 s1, v15;
	v43 =	vshll.u32 v37, $0x7;
	v30 =	vld [tilespmem:$0x1FFA0]  }
0xaa: {  	v37 =	vand.u32 $0x38, v51;
	v52 =	vor.u32 v59, v29;
	v59 =	vshll.u32 v51, $0x7;
	v45 =	vld.idx.msk [tilespmem:v45+s17+$0x0], $0xffff  }
0xab: {  	v55 =	vand.u32 $0x28, v33;
	v38 =	vor.u32 v37, v38;
	v42 =	vor.u32 s1, v14;
	v41 =	vld.idx.msk [tilespmem:v44+s17+$0x0], $0xffff  }
0xac: {  	v43 =	vor.u32 v31, v43;
	v33 =	vshll.u32 v33, $0x7;
	v37 =	vand.u32 $0x28, v42  }
0xad: {  	v31 =	vor.u32 v31, v59;
	v33 =	vor.u32 v25, v33;
	v47 =	vor.u32 v37, v35  }
0xae: {  	v54 =	vshll.u32 v50, $0x7;
	v39 =	vor.u32 v1, v43;
	v43 =	vor.u32 v1, v48;
	v51 =	vld.idx.msk [tilespmem:v53+s17+$0x0], $0xffff  }
0xaf: {  	v48 =	vor.u32 v1, v33;
	v33 =	vor.u32 v25, v54;
	[tilespmem:v32+s20+$0x0] =	vst.idx.msk $0xffff, v45  }
0xb0: {  	v59 =	vor.u32 s1, v17;
	v44 =	vor.u32 s25, v12;
	v54 =	vor.u32 v1, v31;
	[tilespmem:v62+s20+$0x0] =	vst.idx.msk $0xffff, v41;
	v62 =	vld.idx.msk [tilespmem:v52+s17+$0x0], $0xffff  }
0xb1: {  	v31 =	vand.u32 $0x28, v59;
	v60 =	vand.u32 $0x38, v44;
	v37 =	vld.idx.msk [tilespmem:v30+s17+$0x0], $0xffff;
	v30 =	vor.u32 v13, v40  }
0xb2: {  	v33 =	vor.u32 v1, v33;
	v53 =	vor.u32 v60, v30;
	v60 =	vshll.u32 v59, $0x7;
	v59 =	vld [tilespmem:$0x1FFB0]  }
0xb3: {  	v46 =	vld.idx.msk [tilespmem:v46+s17+$0x0], $0xffff;
	[tilespmem:v61+s20+$0x0] =	vst.idx.msk $0xffff, v51  }
0xb4: {  	v51 =	vld.idx.msk [tilespmem:v57+s17+$0x0], $0xffff;
	_ =	sdelay $0x2  }
0xb5: {  	[tilespmem:v33+s20+$0x0] =	vst.idx.msk $0xffff, v62  }
0xb6: {  	[tilespmem:v39+s20+$0x0] =	vst.idx.msk $0xffff, v46  }
0xb7: {  	[tilespmem:v63+s20+$0x0] =	vst.idx.msk $0xffff, v51  }
0xb8: {  	[tilespmem:v59+s20+$0x0] =	vst.idx.msk $0xffff, v37  }
0xb9: {  	v42 =	vshll.u32 v42, $0x7;
	v51 =	vld [tilespmem:$0x1FFC0]  }
0xba: {  	v50 =	vor.u32 v25, v42;
	v56 =	vor.u32 s1, v18  }
0xbb: {  	v49 =	vor.u32 v1, v50;
	v50 =	vor.u32 v31, v58;
	v34 =	vor.u32 v34, v30  }
0xbc: {  	v31 =	vor.u32 v25, v60;
	v60 =	vshll.u32 v44, $0x7;
	v44 =	vor.u32 s25, v15;
	v36 =	vld.idx.msk [tilespmem:v36+s17+$0x0], $0xffff  }
0xbd: {  	v62 =	vor.u32 s1, v19;
	v45 =	vor.u32 v1, v31;
	v31 =	vand.u32 $0x28, v56  }
0xbe: {  	v61 =	vand.u32 $0x38, v44;
	v33 =	vshll.u32 v62, $0x7;
	v37 =	vor.u32 v25, v60  }
0xbf: {  	v41 =	vor.u32 v31, v26;
	v31 =	vor.u32 v16, v40;
	v46 =	vld.idx.msk [tilespmem:v53+s17+$0x0], $0xffff;
	v37 =	vor.u32 v1, v37  }
0xc0: {  	v52 =	vor.u32 v55, v31;
	v55 =	vor.u32 v61, v31;
	v61 =	vor.u32 v25, v33;
	v33 =	vld.idx.msk [tilespmem:v34+s17+$0x0], $0xffff  }
0xc1: {  	v32 =	vshll.u32 v56, $0x7;
	v53 =	vld.idx.msk [tilespmem:v38+s17+$0x0], $0xffff;
	[tilespmem:v51+s20+$0x0] =	vst.idx.msk $0xffff, v36  }
0xc2: {  	v32 =	vor.u32 v25, v32;
	v36 =	vld [tilespmem:$0x1FFD0]  }
0xc3: {  	v56 =	vor.u32 s1, v20;
	v39 =	vor.u32 v1, v61;
	v61 =	vor.u32 s1, v22  }
0xc4: {  	v44 =	vshll.u32 v44, $0x7;
	v63 =	vand.u32 $0x28, v61;
	v60 =	vand.u32 $0x28, v62;
	[tilespmem:v37+s20+$0x0] =	vst.idx.msk $0xffff, v46  }
0xc5: {  	v62 =	vand.u32 $0x28, v56;
	v56 =	vshll.u32 v56, $0x7;
	v59 =	vor.u32 s1, v21;
	[tilespmem:v43+s20+$0x0] =	vst.idx.msk $0xffff, v33  }
0xc6: {  	v42 =	vor.u32 v60, v27;
	v34 =	vor.u32 v25, v56;
	v60 =	vand.u32 $0x28, v59;
	[tilespmem:v54+s20+$0x0] =	vst.idx.msk $0xffff, v53  }
0xc7: {  	v37 =	vor.u32 v1, v34;
	v34 =	vshll.u32 v59, $0x7;
	v59 =	vshll.u32 v61, $0x7;
	v61 =	vld [tilespmem:$0x1FFE0]  }
0xc8: {  	v40 =	vor.u32 v1, v32;
	v32 =	vor.u32 v25, v44  }
0xc9: {  	v56 =	vor.u32 v1, v32;
	v55 =	vld.idx.msk [tilespmem:v55+s17+$0x0], $0xffff  }
0xca: {  	v51 =	vld.idx.msk [tilespmem:v36+s17+$0x0], $0xffff;
	_ =	sdelay $0x3  }
0xcb: {  	[tilespmem:v56+s20+$0x0] =	vst.idx.msk $0xffff, v55  }
0xcc: {  	v44 =	vor.u32 s25, v14;
	[tilespmem:v61+s20+$0x0] =	vst.idx.msk $0xffff, v51  }
0xcd: {  	v57 =	vand.u32 $0x38, v44;
	v36 =	vor.u32 v60, v29;
	v60 =	vshll.u32 v44, $0x7;
	v44 =	vld [tilespmem:$0x1FFF0];
	_ =	sdelay $0x1  }
0xce: {  	v46 =	vor.u32 v57, v35;
	_ =	sdelay $0x1  }
0xcf: {  	v38 =	vor.u32 v62, v28;
	v43 =	vor.u32 s1, v23;
	v53 =	vor.u32 s25, v17;
	v52 =	vld.idx.msk [tilespmem:v52+s17+$0x0], $0xffff  }
0xd0: {  	v62 =	vor.u32 v25, v34;
	v34 =	vor.u32 v63, v30;
	v32 =	vor.u32 v25, v59  }
0xd1: {  	v63 =	vand.u32 $0x38, v53;
	v35 =	vor.u32 v1, v62;
	v33 =	vor.u32 v25, v60  }
0xd2: {  	v32 =	vor.u32 v1, v32;
	v62 =	vand.u32 $0x28, v43;
	v54 =	vld.idx.msk [tilespmem:v46+s17+$0x0], $0xffff;
	v55 =	vor.u32 v1, v33  }
0xd3: {  	s28 =	simm.s32 $0x10;
	s26 =	simm.s32 $0x2;
	s1 =	simm.s32 $0x40;
	v46 =	vshll.u32 v43, $0x7;
	v33 =	vor.u32 v62, v31;
	v51 =	vld.idx.msk [tilespmem:v44+s17+$0x0], $0xffff;
	v44 =	vor.u32 v63, v58  }
.LBB2_3:
0xd4: {  	s5 =	sand.u32 $0x70, s28;
	s0 =	sand.u32 $0x20, s1;
	s26 =	sadd.s32 $0x2, s26;
	[tilespmem:v48+s20+$0x0] =	vst.idx.msk $0xffff, v52;
	v48 =	vor.u32 v1, v24;
	v24 =	vor.u32 v25, v46  }
0xd5: {  	v52 =	vor.u32 s5, v0;
	v56 =	vor.u32 s0, v0;
	v57 =	vor.u32 s0, v2;
	s5 =	sor.u32 $0x10, s0;
	p1 =	slt.u32 s26, $0x1E;
	v47 =	vld.idx.msk [tilespmem:v47+s17+$0x0], $0xffff  }
0xd6: {  	v58 =	vand.u32 $0x28, v56;
	v46 =	vshll.u32 v52, $0x6;
	v59 =	vor.u32 s5, v0  }
0xd7: {  	v53 =	vshll.u32 v53, $0x7;
	v43 =	vor.u32 v1, v46;
	v60 =	vand.u32 $0x38, v59;
	[tilespmem:v55+s20+$0x0] =	vst.idx.msk $0xffff, v54  }
0xd8: {  	v54 =	vor.u32 v60, v43;
	v55 =	vld.idx.msk [tilespmem:v44+s17+$0x0], $0xffff;
	v44 =	vor.u32 v25, v53;
	v53 =	vor.u32 s25, v18  }
0xd9: {  	v58 =	vor.u32 v58, v43;
	v60 =	vor.u32 v1, v44;
	v44 =	vand.u32 $0x38, v53;
	[tilespmem:v48+s20+$0x0] =	vst.idx.msk $0xffff, v51  }
0xda: {  	v48 =	vshll.u32 v56, $0x7;
	v56 =	vand.u32 $0x28, v57;
	v26 =	vor.u32 v44, v26  }
0xdb: {  	v61 =	vor.u32 s0, v4;
	v62 =	vor.u32 s0, v6;
	v57 =	vshll.u32 v57, $0x7;
	[tilespmem:v49+s20+$0x0] =	vst.idx.msk $0xffff, v47  }
0xdc: {  	v51 =	vand.u32 $0x78, v52;
	v44 =	vshll.u32 v59, $0x7;
	v47 =	vand.u32 $0x28, v61;
	v49 =	vld.idx.msk [tilespmem:v50+s17+$0x0], $0xffff  }
0xdd: {  	v53 =	vshll.u32 v53, $0x7;
	v52 =	vor.u32 v51, v44;
	v50 =	vld.idx.msk [tilespmem:v54+s17+$0x0], $0xffff;
	v54 =	vor.u32 s5, v2  }
0xde: {  	v44 =	vor.u32 v3, v46;
	v52 =	vor.u32 v1, v52;
	v59 =	vand.u32 $0x38, v54;
	[tilespmem:v60+s20+$0x0] =	vst.idx.msk $0xffff, v55  }
0xdf: {  	v55 =	vor.u32 v59, v44;
	v59 =	vld.idx.msk [tilespmem:v26+s17+$0x0], $0xffff;
	v26 =	vor.u32 v25, v53;
	v53 =	vor.u32 s25, v19  }
0xe0: {  	v48 =	vor.u32 v51, v48;
	v58 =	vld.idx.msk [tilespmem:v58+s17+$0x0], $0xffff;
	v60 =	vor.u32 v1, v26;
	v26 =	vand.u32 $0x38, v53  }
0xe1: {  	v48 =	vor.u32 v1, v48;
	v56 =	vor.u32 v56, v44;
	v27 =	vor.u32 v26, v27  }
0xe2: {  	v26 =	vor.u32 v51, v57;
	v57 =	vshll.u32 v61, $0x7;
	v61 =	vand.u32 $0x28, v62;
	[tilespmem:v45+s20+$0x0] =	vst.idx.msk $0xffff, v49  }
0xe3: {  	v45 =	vor.u32 v1, v26;
	v49 =	vor.u32 v51, v57;
	v26 =	vshll.u32 v54, $0x7;
	[tilespmem:v52+s20+$0x0] =	vst.idx.msk $0xffff, v50  }
0xe4: {  	v53 =	vshll.u32 v53, $0x7;
	v54 =	vor.u32 s5, v4;
	v52 =	vor.u32 v51, v26;
	v50 =	vld.idx.msk [tilespmem:v55+s17+$0x0], $0xffff  }
0xe5: {  	v26 =	vor.u32 v5, v46;
	v52 =	vor.u32 v1, v52;
	v55 =	vand.u32 $0x38, v54;
	[tilespmem:v60+s20+$0x0] =	vst.idx.msk $0xffff, v59  }
0xe6: {  	v55 =	vor.u32 v55, v26;
	v57 =	vld.idx.msk [tilespmem:v27+s17+$0x0], $0xffff;
	v27 =	vor.u32 v25, v53;
	v53 =	vor.u32 s25, v20  }
0xe7: {  	v47 =	vor.u32 v47, v26;
	[tilespmem:v48+s20+$0x0] =	vst.idx.msk $0xffff, v58;
	v48 =	vor.u32 v1, v27;
	v27 =	vand.u32 $0x38, v53  }
0xe8: {  	v49 =	vor.u32 v1, v49;
	v58 =	vshll.u32 v62, $0x7;
	v56 =	vld.idx.msk [tilespmem:v56+s17+$0x0], $0xffff;
	v28 =	vor.u32 v27, v28  }
0xe9: {  	v59 =	vor.u32 s0, v10;
	v27 =	vor.u32 v51, v58;
	v58 =	vor.u32 s0, v8;
	v41 =	vld.idx.msk [tilespmem:v41+s17+$0x0], $0xffff  }
0xea: {  	v60 =	vor.u32 v1, v27;
	v62 =	vand.u32 $0x28, v58;
	v27 =	vshll.u32 v54, $0x7;
	[tilespmem:v52+s20+$0x0] =	vst.idx.msk $0xffff, v50  }
0xeb: {  	v53 =	vshll.u32 v53, $0x7;
	v54 =	vor.u32 s5, v6;
	v52 =	vor.u32 v51, v27;
	v50 =	vld.idx.msk [tilespmem:v55+s17+$0x0], $0xffff  }
0xec: {  	v27 =	vor.u32 v7, v46;
	v52 =	vor.u32 v1, v52;
	v55 =	vand.u32 $0x38, v54;
	[tilespmem:v48+s20+$0x0] =	vst.idx.msk $0xffff, v57  }
0xed: {  	v48 =	vor.u32 v55, v27;
	v55 =	vld.idx.msk [tilespmem:v28+s17+$0x0], $0xffff;
	v28 =	vor.u32 v25, v53;
	v53 =	vor.u32 s25, v21  }
0xee: {  	[tilespmem:v45+s20+$0x0] =	vst.idx.msk $0xffff, v56;
	v45 =	vor.u32 v61, v27;
	v56 =	vor.u32 v1, v28;
	v28 =	vand.u32 $0x38, v53  }
0xef: {  	v57 =	vshll.u32 v58, $0x7;
	v58 =	vand.u32 $0x28, v59;
	v47 =	vld.idx.msk [tilespmem:v47+s17+$0x0], $0xffff;
	[tilespmem:v40+s20+$0x0] =	vst.idx.msk $0xffff, v41;
	v29 =	vor.u32 v28, v29  }
0xf0: {  	v28 =	vor.u32 v51, v57;
	v40 =	vshll.u32 v59, $0x7;
	v41 =	vor.u32 s0, v12;
	v42 =	vld.idx.msk [tilespmem:v42+s17+$0x0], $0xffff  }
0xf1: {  	v57 =	vor.u32 v1, v28;
	v40 =	vor.u32 v51, v40;
	v28 =	vshll.u32 v54, $0x7;
	[tilespmem:v52+s20+$0x0] =	vst.idx.msk $0xffff, v50  }
0xf2: {  	v53 =	vshll.u32 v53, $0x7;
	v50 =	vor.u32 v51, v28;
	v52 =	vor.u32 s5, v8;
	v48 =	vld.idx.msk [tilespmem:v48+s17+$0x0], $0xffff  }
0xf3: {  	v28 =	vor.u32 v9, v46;
	v50 =	vor.u32 v1, v50;
	v54 =	vand.u32 $0x38, v52;
	[tilespmem:v56+s20+$0x0] =	vst.idx.msk $0xffff, v55  }
0xf4: {  	v54 =	vor.u32 v54, v28;
	v55 =	vld.idx.msk [tilespmem:v29+s17+$0x0], $0xffff;
	v29 =	vor.u32 v25, v53;
	v53 =	vor.u32 s25, v22  }
0xf5: {  	[tilespmem:v49+s20+$0x0] =	vst.idx.msk $0xffff, v47;
	v47 =	vor.u32 v62, v28;
	v49 =	vor.u32 v1, v29;
	v29 =	vand.u32 $0x38, v53  }
0xf6: {  	v40 =	vor.u32 v1, v40;
	v56 =	vand.u32 $0x28, v41;
	v45 =	vld.idx.msk [tilespmem:v45+s17+$0x0], $0xffff;
	v30 =	vor.u32 v29, v30  }
0xf7: {  	v59 =	vor.u32 s0, v14;
	v29 =	vshll.u32 v41, $0x7;
	v41 =	vor.u32 s0, v15;
	[tilespmem:v39+s20+$0x0] =	vst.idx.msk $0xffff, v42  }
0xf8: {  	v39 =	vor.u32 v51, v29;
	v42 =	vand.u32 $0x28, v41;
	v29 =	vshll.u32 v52, $0x7;
	[tilespmem:v50+s20+$0x0] =	vst.idx.msk $0xffff, v48;
	v38 =	vld.idx.msk [tilespmem:v38+s17+$0x0], $0xffff  }
0xf9: {  	v53 =	vshll.u32 v53, $0x7;
	v52 =	vor.u32 s5, v10;
	v48 =	vor.u32 v51, v29;
	v50 =	vld.idx.msk [tilespmem:v54+s17+$0x0], $0xffff  }
0xfa: {  	v29 =	vor.u32 v11, v46;
	v54 =	vor.u32 v1, v48;
	v48 =	vand.u32 $0x38, v52;
	[tilespmem:v49+s20+$0x0] =	vst.idx.msk $0xffff, v55  }
0xfb: {  	v49 =	vor.u32 v48, v29;
	v55 =	vld.idx.msk [tilespmem:v30+s17+$0x0], $0xffff;
	v30 =	vor.u32 v25, v53;
	v53 =	vor.u32 s25, v23;
	s25 =	smov.u32 s5  }
0xfc: {  	[tilespmem:v60+s20+$0x0] =	vst.idx.msk $0xffff, v45;
	v45 =	vor.u32 v58, v29;
	v58 =	vor.u32 v1, v30;
	v30 =	vand.u32 $0x38, v53  }
0xfd: {  	v61 =	vor.u32 v1, v39;
	v39 =	vshll.u32 v41, $0x7;
	v60 =	vld.idx.msk [tilespmem:v47+s17+$0x0], $0xffff;
	v31 =	vor.u32 v30, v31  }
0xfe: {  	v41 =	vshll.u32 v59, $0x7;
	v30 =	vor.u32 v51, v39;
	v39 =	vand.u32 $0x28, v59;
	[tilespmem:v37+s20+$0x0] =	vst.idx.msk $0xffff, v38  }
0xff: {  	v48 =	vor.u32 v1, v30;
	v47 =	vor.u32 v39, v43;
	v30 =	vshll.u32 v52, $0x7;
	[tilespmem:v54+s20+$0x0] =	vst.idx.msk $0xffff, v50  }
0x100: {  	v39 =	vor.u32 s25, v12;
	v38 =	vor.u32 v51, v30;
	v37 =	vld.idx.msk [tilespmem:v49+s17+$0x0], $0xffff;
	v49 =	vshll.u32 v53, $0x7  }
0x101: {  	v30 =	vor.u32 v13, v46;
	v50 =	vand.u32 $0x38, v39;
	v38 =	vor.u32 v1, v38;
	[tilespmem:v58+s20+$0x0] =	vst.idx.msk $0xffff, v55  }
0x102: {  	v52 =	vor.u32 v56, v30;
	v53 =	vor.u32 v50, v30;
	v50 =	vor.u32 v25, v49;
	v54 =	vld.idx.msk [tilespmem:v31+s17+$0x0], $0xffff  }
0x103: {  	v31 =	vor.u32 v51, v41;
	v41 =	vor.u32 s0, v17;
	v55 =	vor.u32 v1, v50;
	[tilespmem:v57+s20+$0x0] =	vst.idx.msk $0xffff, v60  }
0x104: {  	v25 =	vmovc v51;
	v49 =	vor.u32 v1, v31;
	v31 =	vand.u32 $0x28, v41;
	v41 =	vshll.u32 v41, $0x7;
	v56 =	vld.idx.msk [tilespmem:v45+s17+$0x0], $0xffff  }
0x105: {  	v51 =	vor.u32 s0, v18;
	v50 =	vor.u32 v31, v44;
	v31 =	vor.u32 v25, v41;
	v36 =	vld.idx.msk [tilespmem:v36+s17+$0x0], $0xffff  }
0x106: {  	v45 =	vor.u32 v1, v31;
	v31 =	vand.u32 $0x28, v51;
	[tilespmem:v38+s20+$0x0] =	vst.idx.msk $0xffff, v37;
	v37 =	vshll.u32 v39, $0x7  }
0x107: {  	v57 =	vor.u32 s25, v15;
	v41 =	vor.u32 v31, v26;
	v53 =	vld.idx.msk [tilespmem:v53+s17+$0x0], $0xffff;
	v37 =	vor.u32 v25, v37  }
0x108: {  	v31 =	vor.u32 v16, v46;
	v38 =	vand.u32 $0x38, v57;
	v37 =	vor.u32 v1, v37;
	[tilespmem:v55+s20+$0x0] =	vst.idx.msk $0xffff, v54  }
0x109: {  	v39 =	vshll.u32 v51, $0x7;
	v46 =	vor.u32 v42, v31;
	v51 =	vor.u32 v38, v31  }
0x10a: {  	v38 =	vor.u32 v25, v39;
	v39 =	vor.u32 s0, v19;
	v54 =	vor.u32 s0, v20;
	[tilespmem:v40+s20+$0x0] =	vst.idx.msk $0xffff, v56  }
0x10b: {  	v40 =	vor.u32 v1, v38;
	v38 =	vand.u32 $0x28, v39;
	v39 =	vshll.u32 v39, $0x7;
	v52 =	vld.idx.msk [tilespmem:v52+s17+$0x0], $0xffff;
	[tilespmem:v35+s20+$0x0] =	vst.idx.msk $0xffff, v36  }
0x10c: {  	v42 =	vor.u32 v38, v27;
	v35 =	vor.u32 v25, v39;
	v36 =	vand.u32 $0x28, v54;
	v55 =	vld.idx.msk [tilespmem:v34+s17+$0x0], $0xffff  }
0x10d: {  	v39 =	vor.u32 v1, v35;
	v38 =	vor.u32 v36, v28;
	v34 =	vshll.u32 v57, $0x7;
	[tilespmem:v37+s20+$0x0] =	vst.idx.msk $0xffff, v53  }
0x10e: {  	v35 =	vshll.u32 v54, $0x7;
	v34 =	vor.u32 v25, v34;
	v53 =	vor.u32 s25, v14;
	v51 =	vld.idx.msk [tilespmem:v51+s17+$0x0], $0xffff  }
0x10f: {  	v35 =	vor.u32 v25, v35;
	v54 =	vor.u32 v1, v34;
	v34 =	vand.u32 $0x38, v53  }
0x110: {  	v37 =	vor.u32 v1, v35;
	v35 =	vor.u32 s0, v21;
	v43 =	vor.u32 v34, v43  }
0x111: {  	v56 =	vor.u32 s0, v22;
	v34 =	vand.u32 $0x28, v35;
	v35 =	vshll.u32 v35, $0x7;
	[tilespmem:v61+s20+$0x0] =	vst.idx.msk $0xffff, v52  }
0x112: {  	v36 =	vor.u32 v34, v29;
	v34 =	vor.u32 v25, v35;
	v52 =	vld.idx.msk [tilespmem:v46+s17+$0x0], $0xffff;
	v46 =	vand.u32 $0x28, v56  }
.Ltmp0:
0x113: {  	v35 =	vor.u32 v1, v34;
	v34 =	vor.u32 v46, v30;
	v46 =	vshll.u32 v56, $0x7;
	[tilespmem:v32+s20+$0x0] =	vst.idx.msk $0xffff, v55;
	(pc) =	sbr.rel @p1 .LBB2_3-.Ltmp0, $4  }
0x114: {  	v53 =	vshll.u32 v53, $0x7;
	v32 =	vor.u32 v25, v46;
	v46 =	vor.u32 s0, v23;
	[tilespmem:v54+s20+$0x0] =	vst.idx.msk $0xffff, v51;
	v51 =	vld.idx.msk [tilespmem:v33+s17+$0x0], $0xffff  }
0x115: {  	v33 =	vor.u32 v25, v53;
	v53 =	vor.u32 s25, v17;
	v32 =	vor.u32 v1, v32;
	v54 =	vld.idx.msk [tilespmem:v43+s17+$0x0], $0xffff  }
0x116: {  	v43 =	vand.u32 $0x28, v46;
	v55 =	vor.u32 v1, v33;
	v56 =	vand.u32 $0x38, v53  }
0x117: {  	s28 =	sadd.s32 $0x8, s28;
	s1 =	sadd.s32 $0x20, s1;
	v46 =	vshll.u32 v46, $0x7;
	v33 =	vor.u32 v43, v31;
	v44 =	vor.u32 v56, v44  }
0x118: {  	_ =	sdelay $0x3  }
0x119: {  	[tilespmem:v48+s20+$0x0] =	vst.idx.msk $0xffff, v52  }
0x11a: {  	v43 =	vld.idx.msk [tilespmem:v47+s17+$0x0], $0xffff;
	_ =	sdelay $0x2  }
0x11b: {  	v62 =	vshll.u32 v53, $0x7  }
0x11c: {  	v63 =	vor.u32 s25, v18;
	v47 =	vor.u32 v25, v62;
	[tilespmem:v55+s20+$0x0] =	vst.idx.msk $0xffff, v54  }
0x11d: {  	v56 =	vand.u32 $0x38, v63;
	v47 =	vor.u32 v1, v47;
	v44 =	vld.idx.msk [tilespmem:v44+s17+$0x0], $0xffff;
	[tilespmem:v49+s20+$0x0] =	vst.idx.msk $0xffff, v43  }
0x11e: {  	v26 =	vor.u32 v56, v26;
	v43 =	vld.idx.msk [tilespmem:v50+s17+$0x0], $0xffff;
	_ =	sdelay $0x2  }
0x11f: {  	v48 =	vshll.u32 v63, $0x7  }
0x120: {  	v58 =	vor.u32 s25, v19;
	v57 =	vor.u32 v25, v48;
	[tilespmem:v47+s20+$0x0] =	vst.idx.msk $0xffff, v44  }
0x121: {  	v59 =	vand.u32 $0x38, v58;
	v44 =	vor.u32 v1, v57;
	v26 =	vld.idx.msk [tilespmem:v26+s17+$0x0], $0xffff;
	[tilespmem:v45+s20+$0x0] =	vst.idx.msk $0xffff, v43  }
0x122: {  	v27 =	vor.u32 v59, v27;
	v41 =	vld.idx.msk [tilespmem:v41+s17+$0x0], $0xffff;
	_ =	sdelay $0x2  }
0x123: {  	v60 =	vshll.u32 v58, $0x7  }
0x124: {  	v62 =	vor.u32 s25, v20;
	v61 =	vor.u32 v25, v60;
	[tilespmem:v44+s20+$0x0] =	vst.idx.msk $0xffff, v26  }
0x125: {  	v63 =	vand.u32 $0x38, v62;
	v26 =	vor.u32 v1, v61;
	v27 =	vld.idx.msk [tilespmem:v27+s17+$0x0], $0xffff;
	[tilespmem:v40+s20+$0x0] =	vst.idx.msk $0xffff, v41  }
0x126: {  	v28 =	vor.u32 v63, v28;
	v40 =	vld.idx.msk [tilespmem:v42+s17+$0x0], $0xffff;
	_ =	sdelay $0x2  }
0x127: {  	v48 =	vshll.u32 v62, $0x7  }
0x128: {  	v49 =	vor.u32 v25, v48;
	v50 =	vor.u32 s25, v21;
	[tilespmem:v26+s20+$0x0] =	vst.idx.msk $0xffff, v27  }
0x129: {  	v52 =	vand.u32 $0x38, v50;
	v26 =	vor.u32 v1, v49;
	v28 =	vld.idx.msk [tilespmem:v28+s17+$0x0], $0xffff;
	[tilespmem:v39+s20+$0x0] =	vst.idx.msk $0xffff, v40  }
0x12a: {  	v29 =	vor.u32 v52, v29;
	v38 =	vld.idx.msk [tilespmem:v38+s17+$0x0], $0xffff;
	_ =	sdelay $0x2  }
0x12b: {  	v27 =	vshll.u32 v50, $0x7  }
0x12c: {  	v54 =	vor.u32 s25, v22;
	v53 =	vor.u32 v25, v27;
	[tilespmem:v26+s20+$0x0] =	vst.idx.msk $0xffff, v28  }
0x12d: {  	v55 =	vand.u32 $0x38, v54;
	v26 =	vor.u32 v1, v53;
	v28 =	vld.idx.msk [tilespmem:v29+s17+$0x0], $0xffff;
	[tilespmem:v37+s20+$0x0] =	vst.idx.msk $0xffff, v38  }
0x12e: {  	v29 =	vor.u32 v55, v30;
	v56 =	vld.idx.msk [tilespmem:v36+s17+$0x0], $0xffff;
	_ =	sdelay $0x2  }
0x12f: {  	v27 =	vshll.u32 v54, $0x7  }
0x130: {  	v58 =	vor.u32 s25, v23;
	v57 =	vor.u32 v25, v27;
	[tilespmem:v26+s20+$0x0] =	vst.idx.msk $0xffff, v28  }
0x131: {  	v59 =	vand.u32 $0x38, v58;
	v26 =	vor.u32 v1, v57;
	v28 =	vld.idx.msk [tilespmem:v29+s17+$0x0], $0xffff;
	[tilespmem:v35+s20+$0x0] =	vst.idx.msk $0xffff, v56  }
0x132: {  	v29 =	vor.u32 v59, v31;
	v30 =	vld.idx.msk [tilespmem:v34+s17+$0x0], $0xffff;
	_ =	sdelay $0x2  }
0x133: {  	v27 =	vshll.u32 v58, $0x7  }
0x134: {  	v24 =	vor.u32 v1, v24;
	v60 =	vor.u32 v25, v27;
	[tilespmem:v26+s20+$0x0] =	vst.idx.msk $0xffff, v28  }
0x135: {  	v61 =	vor.u32 v25, v46;
	v26 =	vor.u32 v1, v60;
	v62 =	vld.idx.msk [tilespmem:v29+s17+$0x0], $0xffff;
	[tilespmem:v32+s20+$0x0] =	vst.idx.msk $0xffff, v30  }
0x136: {  	v25 =	vor.u32 v1, v61;
	v63 =	vld.idx.msk [tilespmem:v33+s17+$0x0], $0xffff;
	_ =	sdelay $0x1  }
0x137: {  	s0 =	sshll.u32 s23, $0x13  }
0x138: {  	s0 =	sor.u32 s6, s0;
	[tilespmem:v24+s20+$0x0] =	vst.idx.msk $0xffff, v51  }
0x139: {  	s0 =	sshrl.u32 s0, $0x3;
	[tilespmem:v26+s20+$0x0] =	vst.idx.msk $0xffff, v62  }
0x13a: {  	s1 =	sadd.s32 s2, s0;
	[tilespmem:v25+s20+$0x0] =	vst.idx.msk $0xffff, v63  }
0x13b: {  	[hbm4b:s1+s3] =	stream.linear.scatter [tilespmem:s20], [sflag:$0x3], $0x400, $0x38;
	[tilespmem:$0x9900] =	vst v63  }
0x13c: {  	s5 =	simm.s32 $0x5D00;
	s28 =	sadd.s32 s0, s7  }
0x13d: {  	[hbm4b:s28+s3] =	stream.linear.scatter [tilespmem:s5], [sflag:$0x3], $0x400, $0x38;
	[tilespmem:$0x9900] =	vst v63  }
0x13e: {  	s25 =	simm.s32 $0x6100;
	s5 =	sadd.s32 s0, s8  }
0x13f: {  	[hbm4b:s5+s3] =	stream.linear.scatter [tilespmem:s25], [sflag:$0x3], $0x400, $0x38;
	[tilespmem:$0x9900] =	vst v63  }
0x140: {  	s26 =	sadd.s32 s0, s9;
	s28 =	simm.s32 $0x6500  }
0x141: {  	[hbm4b:s26+s3] =	stream.linear.scatter [tilespmem:s28], [sflag:$0x3], $0x400, $0x38;
	[tilespmem:$0x9900] =	vst v63  }
0x142: {  	s5 =	sadd.s32 s0, s10;
	s25 =	simm.s32 $0x6900  }
0x143: {  	[hbm4b:s5+s3] =	stream.linear.scatter [tilespmem:s25], [sflag:$0x3], $0x400, $0x38;
	[tilespmem:$0x9900] =	vst v63  }
0x144: {  	p1 =	sne.s32 s23, $0x18;
	s26 =	sadd.s32 s0, s11;
	s28 =	simm.s32 $0x6D00  }
0x145: {  	[hbm4b:s26+s3] =	stream.linear.scatter [tilespmem:s28], [sflag:$0x3], $0x400, $0x38;
	[tilespmem:$0x9900] =	vst v63  }
.Ltmp1:
0x146: {  	_ = 	snop;
	(pc) =	sbr.rel @p1 .LBB2_6-.Ltmp1, $4  }
0x147: {  	s25 =	sadd.s32 s0, s12;
	s26 =	simm.s32 $0x7100  }
0x148: {  	[hbm4b:s25+s3] =	stream.linear.scatter [tilespmem:s26], [sflag:$0x3], $0x400, $0x38;
	[tilespmem:$0x9900] =	vst v63  }
0x149: {  	s0 =	sadd.s32 s0, s13;
	s28 =	simm.s32 $0x7500  }
0x14a: {  	[hbm4b:s0+s3] =	stream.linear.scatter [tilespmem:s28], [sflag:$0x3], $0x400, $0x38;
	[tilespmem:$0x9900] =	vst v63  }
.Ltmp2:
0x14b: {  	(pc) =	sbr.rel .LBB2_7-.Ltmp2, $4  }
0x14c: {  	_ = 	snop  }
0x14d: {  	_ =	swait.ge [sflag:s29], $0x2000  }
0x14e: {  	[sflag:s29] =	ssyncset.done $0x0  }
0x14f: {  	[sflag:s29] =	ssyncadd.s32 $0xFFFFE000  }
.LBB2_6:
0x150: {  	s0 =	sshll.u32 s23, $0x8  }
0x151: {  	s0 =	sand.u32 $0x3FFFFF00, s0  }
.Ltmp3:
0x152: {  	s0 =	sadd.s32 $0x100, s0;
	(pc) =	sbr.rel @p0 .LBB2_8-.Ltmp3, $4  }
0x153: {  	[tilespmem:s17], [sflag:$0x1] =	stream.indirect.gather [hbm4b:s4+s16], $0x40, s0, s16, $0xb8;
	[tilespmem:$0x9900] =	vst v63  }
0x154: {  	_ =	swait.ge [sflag:s29], $0x2000  }
0x155: {  	[sflag:s29] =	ssyncset.done $0x0  }
0x156: {  	[sflag:s29] =	ssyncadd.s32 $0xFFFFE000  }
.LBB2_7:
0x157: {  	_ =	swait.ge [sflag:s30], $0x400  }
0x158: {  	[sflag:s30] =	ssyncset.done $0x0  }
0x159: {  	[sflag:s30] =	ssyncadd.s32 $0xFFFFFC00  }
0x15a: {  	_ =	swait.ge [sflag:s30], $0x400  }
0x15b: {  	[sflag:s30] =	ssyncset.done $0x0  }
0x15c: {  	[sflag:s30] =	ssyncadd.s32 $0xFFFFFC00  }
0x15d: {  	_ =	swait.ge [sflag:s30], $0x400  }
0x15e: {  	[sflag:s30] =	ssyncset.done $0x0  }
0x15f: {  	[sflag:s30] =	ssyncadd.s32 $0xFFFFFC00  }
0x160: {  	_ =	swait.ge [sflag:s30], $0x400  }
0x161: {  	[sflag:s30] =	ssyncset.done $0x0  }
0x162: {  	[sflag:s30] =	ssyncadd.s32 $0xFFFFFC00  }
0x163: {  	_ =	swait.ge [sflag:s30], $0x400  }
0x164: {  	[sflag:s30] =	ssyncset.done $0x0  }
0x165: {  	[sflag:s30] =	ssyncadd.s32 $0xFFFFFC00  }
0x166: {  	_ =	swait.ge [sflag:s30], $0x400  }
0x167: {  	[sflag:s30] =	ssyncset.done $0x0  }
0x168: {  	[sflag:s30] =	ssyncadd.s32 $0xFFFFFC00  }
0x169: {  	_ =	swait.ge [sflag:s30], $0x400  }
0x16a: {  	[sflag:s30] =	ssyncset.done $0x0  }
0x16b: {  	[sflag:s30] =	ssyncadd.s32 $0xFFFFFC00  }
0x16c: {  	_ =	swait.ge [sflag:s30], $0x400  }
0x16d: {  	[sflag:s30] =	ssyncset.done $0x0  }
0x16e: {  	[sflag:s30] =	ssyncadd.s32 $0xFFFFFC00  }
.LBB2_8:
0x16f: {  	s0 =	simm.s32 $0x0  }
0x170: {  	s1 =	sand.u32 $0x70, s0  }
0x171: {  	s0 =	sand.u32 $0x20, s0;
	v24 =	vor.u32 s1, v0  }
0x172: {  	v25 =	vor.u32 s0, v0;
	v29 =	vor.u32 s0, v2;
	v34 =	vor.u32 s0, v4  }
0x173: {  	v35 =	vor.u32 s0, v6;
	v61 =	vor.u32 s0, v8;
	v44 =	vor.u32 s0, v10  }
0x174: {  	s1 =	sor.u32 $0x10, s0;
	v47 =	vor.u32 s0, v12;
	v57 =	vor.u32 s0, v15;
	v49 =	vor.u32 s0, v14  }
0x175: {  	v30 =	vshll.u32 v24, $0x6;
	v26 =	vor.u32 s1, v0;
	v27 =	vand.u32 $0x28, v25  }
0x176: {  	v25 =	vshll.u32 v25, $0x7;
	v32 =	vor.u32 v1, v30;
	v28 =	vand.u32 $0x38, v26  }
0x177: {  	v33 =	vand.u32 $0x28, v29;
	v29 =	vshll.u32 v29, $0x7;
	v28 =	vor.u32 v28, v32  }
0x178: {  	v31 =	vand.u32 $0x78, v24;
	v36 =	vand.u32 $0x28, v34;
	v60 =	vand.u32 $0x28, v35  }
0x179: {  	v35 =	vshll.u32 v35, $0x7;
	v46 =	vand.u32 $0x28, v44;
	v44 =	vshll.u32 v44, $0x7  }
0x17a: {  	v48 =	vand.u32 $0x28, v47;
	v24 =	vshll.u32 v26, $0x7;
	v26 =	vor.u32 s1, v2  }
0x17b: {  	v25 =	vor.u32 v31, v25;
	v55 =	vor.u32 v5, v30;
	v37 =	vor.u32 v31, v24  }
0x17c: {  	v24 =	vor.u32 v3, v30;
	v38 =	vand.u32 $0x38, v26;
	v37 =	vor.u32 v1, v37;
	v28 =	vld.idx.msk [tilespmem:v28+s18+$0x0], $0xffff  }
0x17d: {  	v59 =	vor.u32 v7, v30;
	v44 =	vor.u32 v31, v44;
	v38 =	vor.u32 v38, v24  }
0x17e: {  	v27 =	vor.u32 v27, v32;
	v39 =	vor.u32 v1, v25;
	v25 =	vor.u32 v31, v29  }
0x17f: {  	v29 =	vshll.u32 v34, $0x7;
	v36 =	vor.u32 v36, v55;
	v34 =	vor.u32 v60, v59  }
0x180: {  	v60 =	vshll.u32 v57, $0x7;
	v40 =	vor.u32 v1, v25;
	v25 =	vshll.u32 v26, $0x7  }
0x181: {  	v33 =	vor.u32 v33, v24;
	v26 =	vor.u32 s1, v4;
	v41 =	vor.u32 v31, v25;
	[tilespmem:v37+s31+$0x0] =	vst.idx.msk $0xffff, v28  }
0x182: {  	v29 =	vor.u32 v31, v29;
	v42 =	vand.u32 $0x38, v26;
	v41 =	vor.u32 v1, v41;
	v37 =	vld.idx.msk [tilespmem:v38+s18+$0x0], $0xffff  }
0x183: {  	v43 =	vor.u32 v1, v29;
	v29 =	vor.u32 v31, v35;
	v42 =	vor.u32 v42, v55  }
0x184: {  	v26 =	vshll.u32 v26, $0x7;
	v35 =	vshll.u32 v61, $0x7;
	v25 =	vor.u32 v1, v44  }
0x185: {  	v44 =	vor.u32 v11, v30;
	v51 =	vor.u32 v1, v29;
	v29 =	vor.u32 s1, v6  }
0x186: {  	v62 =	vor.u32 v31, v26;
	v35 =	vor.u32 v31, v35;
	v26 =	vor.u32 v9, v30;
	v63 =	vld.idx.msk [tilespmem:v27+s18+$0x0], $0xffff  }
0x187: {  	v45 =	vand.u32 $0x38, v29;
	v52 =	vor.u32 v1, v35;
	v35 =	vand.u32 $0x28, v57;
	[tilespmem:v41+s31+$0x0] =	vst.idx.msk $0xffff, v37  }
0x188: {  	v45 =	vor.u32 v45, v59;
	v27 =	vshll.u32 v29, $0x7;
	v38 =	vor.u32 v1, v62;
	v42 =	vld.idx.msk [tilespmem:v42+s18+$0x0], $0xffff  }
0x189: {  	v29 =	vor.u32 s1, v8;
	v54 =	vor.u32 v31, v27;
	v28 =	vand.u32 $0x28, v61  }
0x18a: {  	v56 =	vand.u32 $0x38, v29;
	v53 =	vor.u32 v28, v26;
	v28 =	vshll.u32 v47, $0x7  }
0x18b: {  	[tilespmem:v39+s31+$0x0] =	vst.idx.msk $0xffff, v63;
	v61 =	vand.u32 $0x28, v49;
	v62 =	vshll.u32 v49, $0x7;
	v50 =	vor.u32 v31, v28  }
0x18c: {  	v33 =	vld.idx.msk [tilespmem:v33+s18+$0x0], $0xffff;
	v28 =	vshll.u32 v29, $0x7;
	v29 =	vor.u32 s1, v10;
	v47 =	vor.u32 v31, v62  }
0x18d: {  	v62 =	vor.u32 s0, v18;
	v58 =	vor.u32 v31, v28;
	v28 =	vor.u32 v61, v32;
	[tilespmem:v38+s31+$0x0] =	vst.idx.msk $0xffff, v42  }
0x18e: {  	v39 =	vor.u32 v1, v58;
	v37 =	vor.u32 v1, v54;
	v41 =	vor.u32 v56, v26;
	v45 =	vld.idx.msk [tilespmem:v45+s18+$0x0], $0xffff  }
0x18f: {  	v54 =	vand.u32 $0x38, v29;
	v29 =	vshll.u32 v29, $0x7;
	v56 =	vor.u32 s1, v12  }
0x190: {  	v42 =	vor.u32 v54, v44;
	v54 =	vor.u32 v46, v44;
	v46 =	vor.u32 v13, v30  }
0x191: {  	[tilespmem:v40+s31+$0x0] =	vst.idx.msk $0xffff, v33;
	v63 =	vor.u32 v31, v29;
	v58 =	vor.u32 v48, v46;
	v48 =	vor.u32 s0, v17  }
0x192: {  	v36 =	vld.idx.msk [tilespmem:v36+s18+$0x0], $0xffff;
	v57 =	vor.u32 v1, v63;
	v38 =	vor.u32 v31, v60;
	v61 =	vshll.u32 v48, $0x7  }
0x193: {  	v40 =	vand.u32 $0x38, v56;
	v49 =	vor.u32 v1, v38;
	v63 =	vor.u32 v31, v61;
	[tilespmem:v37+s31+$0x0] =	vst.idx.msk $0xffff, v45  }
0x194: {  	v33 =	vor.u32 v40, v46;
	v27 =	vor.u32 v1, v63;
	v45 =	vand.u32 $0x28, v62;
	v41 =	vld.idx.msk [tilespmem:v41+s18+$0x0], $0xffff  }
0x195: {  	v38 =	vor.u32 v16, v30;
	v60 =	vand.u32 $0x28, v48;
	[tilespmem:$0x1FF00] =	vst v27;
	v27 =	vor.u32 v45, v55  }
0x196: {  	v48 =	vor.u32 v60, v24;
	v60 =	vshll.u32 v56, $0x7;
	v56 =	vor.u32 s1, v15;
	[tilespmem:$0x1FF10] =	vst v27  }
0x197: {  	v61 =	vshll.u32 v62, $0x7;
	v30 =	vand.u32 $0x38, v56;
	v37 =	vor.u32 v31, v60;
	[tilespmem:v43+s31+$0x0] =	vst.idx.msk $0xffff, v36  }
0x198: {  	v40 =	vor.u32 v30, v38;
	v30 =	vor.u32 s0, v19;
	v43 =	vor.u32 v1, v37;
	v34 =	vld.idx.msk [tilespmem:v34+s18+$0x0], $0xffff  }
0x199: {  	v36 =	vor.u32 s0, v20;
	v37 =	vshll.u32 v30, $0x7;
	v30 =	vand.u32 $0x28, v30;
	[tilespmem:v39+s31+$0x0] =	vst.idx.msk $0xffff, v41  }
0x19a: {  	v63 =	vshll.u32 v56, $0x7;
	v41 =	vor.u32 v30, v59;
	v30 =	vand.u32 $0x28, v36;
	v60 =	vld.idx.msk [tilespmem:v42+s18+$0x0], $0xffff  }
0x19b: {  	v56 =	vor.u32 v31, v63;
	v63 =	vor.u32 s0, v21;
	v27 =	vor.u32 v30, v26  }
0x19c: {  	v45 =	vor.u32 v35, v38;
	v35 =	vor.u32 v31, v61;
	v36 =	vshll.u32 v36, $0x7;
	[tilespmem:$0x1FF20] =	vst v27  }
0x19d: {  	v62 =	vor.u32 v31, v37;
	v61 =	vor.u32 v31, v36;
	[tilespmem:v51+s31+$0x0] =	vst.idx.msk $0xffff, v34;
	v51 =	vor.u32 s1, v14  }
0x19e: {  	v39 =	vor.u32 v1, v62;
	v37 =	vmovc v26;
	v26 =	vor.u32 v1, v61;
	v62 =	vand.u32 $0x38, v51  }
0x19f: {  	v53 =	vld.idx.msk [tilespmem:v53+s18+$0x0], $0xffff;
	[tilespmem:v57+s31+$0x0] =	vst.idx.msk $0xffff, v60;
	v57 =	vor.u32 v62, v32;
	v62 =	vshll.u32 v63, $0x7  }
0x1a0: {  	v61 =	vand.u32 $0x28, v63;
	v63 =	vor.u32 s0, v22;
	v32 =	vor.u32 v31, v62  }
0x1a1: {  	[tilespmem:$0x1FF30] =	vst v26;
	v34 =	vand.u32 $0x28, v63;
	v26 =	vor.u32 v1, v32  }
0x1a2: {  	v42 =	vor.u32 v1, v35;
	v35 =	vshll.u32 v63, $0x7;
	v33 =	vld.idx.msk [tilespmem:v33+s18+$0x0], $0xffff;
	[tilespmem:$0x1FF40] =	vst v26;
	v26 =	vor.u32 v34, v46  }
0x1a3: {  	v63 =	vor.u32 v31, v35;
	[tilespmem:$0x1FF50] =	vst v26  }
0x1a4: {  	v26 =	vor.u32 v1, v63;
	[tilespmem:v52+s31+$0x0] =	vst.idx.msk $0xffff, v53  }
0x1a5: {  	[tilespmem:$0x1FF60] =	vst v26  }
0x1a6: {  	v35 =	vor.u32 s0, v23;
	v53 =	vld.idx.msk [tilespmem:v54+s18+$0x0], $0xffff  }
0x1a7: {  	v32 =	vand.u32 $0x28, v35  }
0x1a8: {  	v26 =	vor.u32 v32, v38;
	[tilespmem:v43+s31+$0x0] =	vst.idx.msk $0xffff, v33  }
0x1a9: {  	[tilespmem:$0x1FF70] =	vst v26  }
0x1aa: {  	s5 =	simm.s32 $0x20;
	v56 =	vor.u32 v1, v56;
	v43 =	vld.idx.msk [tilespmem:v40+s18+$0x0], $0xffff  }
0x1ab: {  	s26 =	sand.u32 $0x20, s5;
	v50 =	vor.u32 v1, v50;
	v47 =	vor.u32 v1, v47;
	v51 =	vshll.u32 v51, $0x7;
	[tilespmem:v25+s31+$0x0] =	vst.idx.msk $0xffff, v53  }
0x1ac: {  	v29 =	vor.u32 s26, v6;
	v36 =	vor.u32 v61, v44;
	v51 =	vor.u32 v31, v51;
	v58 =	vld.idx.msk [tilespmem:v58+s18+$0x0], $0xffff  }
0x1ad: {  	v61 =	vor.u32 s26, v0;
	v51 =	vor.u32 v1, v51;
	v62 =	vor.u32 s26, v2  }
0x1ae: {  	s25 =	simm.s32 $0x8;
	v63 =	vand.u32 $0x28, v61;
	v52 =	vshll.u32 v35, $0x7;
	v54 =	vor.u32 s1, v17  }
0x1af: {  	s25 =	sand.u32 $0x70, s25;
	v33 =	vand.u32 $0x38, v54;
	v54 =	vshll.u32 v54, $0x7;
	v26 =	vor.u32 s1, v18;
	[tilespmem:v56+s31+$0x0] =	vst.idx.msk $0xffff, v43  }
0x1b0: {  	v60 =	vor.u32 v33, v24;
	v24 =	vor.u32 v31, v52;
	v52 =	vor.u32 s25, v0;
	s25 =	sor.u32 $0x10, s26;
	v57 =	vld.idx.msk [tilespmem:v57+s18+$0x0], $0xffff  }
0x1b1: {  	v54 =	vor.u32 v31, v54;
	v40 =	vshll.u32 v52, $0x6;
	v27 =	vor.u32 s25, v0;
	[tilespmem:v50+s31+$0x0] =	vst.idx.msk $0xffff, v58  }
0x1b2: {  	v54 =	vor.u32 v1, v54;
	v35 =	vor.u32 v1, v40;
	v34 =	vand.u32 $0x38, v27;
	v45 =	vld.idx.msk [tilespmem:v45+s18+$0x0], $0xffff  }
0x1b3: {  	v27 =	vshll.u32 v27, $0x7;
	v53 =	vor.u32 v34, v35;
	v25 =	vand.u32 $0x38, v26  }
0x1b4: {  	v63 =	vor.u32 v63, v35;
	v26 =	vshll.u32 v26, $0x7;
	v55 =	vor.u32 v25, v55  }
0x1b5: {  	v25 =	vand.u32 $0x78, v52;
	v26 =	vor.u32 v31, v26;
	v56 =	vshll.u32 v61, $0x7;
	[tilespmem:v51+s31+$0x0] =	vst.idx.msk $0xffff, v57  }
0x1b6: {  	v61 =	vand.u32 $0x28, v62;
	v62 =	vshll.u32 v62, $0x7;
	v27 =	vor.u32 v25, v27;
	v57 =	vld.idx.msk [tilespmem:v60+s18+$0x0], $0xffff  }
0x1b7: {  	v30 =	vor.u32 v1, v27;
	v27 =	vor.u32 s1, v19;
	v32 =	vor.u32 v25, v56;
	[tilespmem:v49+s31+$0x0] =	vst.idx.msk $0xffff, v45  }
0x1b8: {  	v56 =	vor.u32 v1, v26;
	v26 =	vand.u32 $0x38, v27;
	v50 =	vor.u32 s25, v2;
	v49 =	vld.idx.msk [tilespmem:v28+s18+$0x0], $0xffff  }
0x1b9: {  	v59 =	vor.u32 v26, v59;
	v58 =	vor.u32 v3, v40;
	v33 =	vand.u32 $0x38, v50  }
0x1ba: {  	v26 =	vor.u32 v25, v62;
	v62 =	vor.u32 s25, v4;
	v53 =	vld.idx.msk [tilespmem:v53+s18+$0x0], $0xffff;
	v33 =	vor.u32 v33, v58  }
0x1bb: {  	v51 =	vor.u32 v1, v32;
	v45 =	vor.u32 v1, v26;
	v26 =	vshll.u32 v50, $0x7;
	[tilespmem:v54+s31+$0x0] =	vst.idx.msk $0xffff, v57  }
0x1bc: {  	v60 =	vor.u32 v61, v58;
	v61 =	vand.u32 $0x28, v29;
	v50 =	vor.u32 v25, v26;
	v55 =	vld.idx.msk [tilespmem:v55+s18+$0x0], $0xffff  }
0x1bd: {  	v28 =	vshll.u32 v27, $0x7;
	v26 =	vor.u32 v5, v40;
	v27 =	vand.u32 $0x38, v62;
	[tilespmem:v47+s31+$0x0] =	vst.idx.msk $0xffff, v49;
	v47 =	vld.idx.msk [tilespmem:v63+s18+$0x0], $0xffff  }
0x1be: {  	v54 =	vor.u32 v27, v26;
	v27 =	vor.u32 v31, v28;
	v28 =	vor.u32 s1, v20  }
0x1bf: {  	v29 =	vshll.u32 v29, $0x7;
	v57 =	vor.u32 v1, v27;
	v27 =	vand.u32 $0x38, v28  }
0x1c0: {  	[tilespmem:v30+s31+$0x0] =	vst.idx.msk $0xffff, v53;
	v32 =	vor.u32 v27, v37;
	v27 =	vor.u32 v25, v29  }
0x1c1: {  	v30 =	vor.u32 v1, v27;
	v27 =	vshll.u32 v62, $0x7;
	[tilespmem:v56+s31+$0x0] =	vst.idx.msk $0xffff, v55  }
0x1c2: {  	v62 =	vor.u32 v25, v27;
	v27 =	vor.u32 v7, v40;
	[tilespmem:v51+s31+$0x0] =	vst.idx.msk $0xffff, v47  }
0x1c3: {  	v47 =	vor.u32 v61, v27;
	v61 =	vld [tilespmem:$0x1FF00];
	_ =	sdelay $0x1  }
0x1c4: {  	v33 =	vld.idx.msk [tilespmem:v33+s18+$0x0], $0xffff;
	v50 =	vor.u32 v1, v50  }
0x1c5: {  	v48 =	vld.idx.msk [tilespmem:v48+s18+$0x0], $0xffff;
	_ =	sdelay $0x3  }
0x1c6: {  	v63 =	vor.u32 s25, v6;
	[tilespmem:v50+s31+$0x0] =	vst.idx.msk $0xffff, v33  }
0x1c7: {  	v34 =	vand.u32 $0x38, v63;
	[tilespmem:v61+s31+$0x0] =	vst.idx.msk $0xffff, v48  }
0x1c8: {  	v43 =	vor.u32 s26, v4;
	v56 =	vor.u32 v34, v27;
	v34 =	vld [tilespmem:$0x1FF10]  }
0x1c9: {  	v52 =	vand.u32 $0x28, v43;
	v48 =	vld.idx.msk [tilespmem:v60+s18+$0x0], $0xffff  }
0x1ca: {  	v43 =	vshll.u32 v43, $0x7;
	v52 =	vor.u32 v52, v26  }
0x1cb: {  	v43 =	vor.u32 v25, v43  }
0x1cc: {  	v43 =	vor.u32 v1, v43;
	v28 =	vshll.u32 v28, $0x7;
	v29 =	vor.u32 s26, v8  }
0x1cd: {  	v28 =	vor.u32 v31, v28;
	v37 =	vor.u32 s1, v21;
	v55 =	vor.u32 v1, v62;
	v59 =	vld.idx.msk [tilespmem:v59+s18+$0x0], $0xffff  }
0x1ce: {  	v53 =	vand.u32 $0x28, v29;
	v51 =	vor.u32 v1, v28;
	v28 =	vand.u32 $0x38, v37;
	v50 =	vld.idx.msk [tilespmem:v54+s18+$0x0], $0xffff;
	[tilespmem:v45+s31+$0x0] =	vst.idx.msk $0xffff, v48  }
0x1cf: {  	v29 =	vshll.u32 v29, $0x7;
	v49 =	vor.u32 s26, v10;
	v44 =	vor.u32 v28, v44;
	v52 =	vld.idx.msk [tilespmem:v52+s18+$0x0], $0xffff  }
0x1d0: {  	v28 =	vor.u32 v25, v29;
	v29 =	vshll.u32 v49, $0x7;
	v60 =	vand.u32 $0x28, v49;
	v49 =	vld.idx.msk [tilespmem:v34+s18+$0x0], $0xffff;
	_ =	sdelay $0x1  }
0x1d1: {  	[tilespmem:v57+s31+$0x0] =	vst.idx.msk $0xffff, v59  }
0x1d2: {  	v61 =	vor.u32 v1, v28;
	v28 =	vshll.u32 v63, $0x7;
	[tilespmem:v55+s31+$0x0] =	vst.idx.msk $0xffff, v50  }
0x1d3: {  	v29 =	vor.u32 v25, v29;
	v63 =	vor.u32 v25, v28;
	v32 =	vld.idx.msk [tilespmem:v32+s18+$0x0], $0xffff;
	[tilespmem:v43+s31+$0x0] =	vst.idx.msk $0xffff, v52  }
0x1d4: {  	v33 =	vor.u32 s26, v12;
	v57 =	vor.u32 s25, v8;
	v54 =	vor.u32 v1, v63;
	[tilespmem:v42+s31+$0x0] =	vst.idx.msk $0xffff, v49;
	v49 =	vld.idx.msk [tilespmem:v56+s18+$0x0], $0xffff  }
0x1d5: {  	v59 =	vshll.u32 v37, $0x7;
	v28 =	vor.u32 v9, v40;
	v50 =	vor.u32 s25, v10;
	v56 =	vld.idx.msk [tilespmem:v47+s18+$0x0], $0xffff  }
0x1d6: {  	v37 =	vand.u32 $0x38, v57;
	v63 =	vor.u32 v1, v29;
	v29 =	vshll.u32 v33, $0x7;
	v41 =	vld.idx.msk [tilespmem:v41+s18+$0x0], $0xffff  }
0x1d7: {  	v53 =	vor.u32 v53, v28;
	v48 =	vor.u32 v25, v29;
	v29 =	vshll.u32 v57, $0x7  }
0x1d8: {  	v45 =	vor.u32 v37, v28;
	v37 =	vor.u32 s1, v22;
	[tilespmem:v51+s31+$0x0] =	vst.idx.msk $0xffff, v32;
	v32 =	vor.u32 v25, v29  }
0x1d9: {  	v51 =	vor.u32 s1, v23;
	v29 =	vor.u32 v11, v40;
	v34 =	vor.u32 v31, v59;
	[tilespmem:v54+s31+$0x0] =	vst.idx.msk $0xffff, v49  }
0x1da: {  	v32 =	vor.u32 v1, v32;
	v62 =	vor.u32 v1, v34;
	v34 =	vand.u32 $0x38, v37;
	[tilespmem:v30+s31+$0x0] =	vst.idx.msk $0xffff, v56  }
0x1db: {  	v57 =	vor.u32 v60, v29;
	v59 =	vand.u32 $0x38, v50;
	v46 =	vor.u32 v34, v46;
	[tilespmem:v39+s31+$0x0] =	vst.idx.msk $0xffff, v41  }
0x1dc: {  	v34 =	vand.u32 $0x28, v33;
	v33 =	vor.u32 s26, v15;
	v43 =	vshll.u32 v37, $0x7;
	v30 =	vld [tilespmem:$0x1FF20]  }
0x1dd: {  	v37 =	vand.u32 $0x38, v51;
	v52 =	vor.u32 v59, v29;
	v59 =	vshll.u32 v51, $0x7;
	v45 =	vld.idx.msk [tilespmem:v45+s18+$0x0], $0xffff  }
0x1de: {  	v55 =	vand.u32 $0x28, v33;
	v38 =	vor.u32 v37, v38;
	v42 =	vor.u32 s26, v14;
	v41 =	vld.idx.msk [tilespmem:v44+s18+$0x0], $0xffff  }
0x1df: {  	v43 =	vor.u32 v31, v43;
	v33 =	vshll.u32 v33, $0x7;
	v37 =	vand.u32 $0x28, v42  }
0x1e0: {  	v31 =	vor.u32 v31, v59;
	v33 =	vor.u32 v25, v33;
	v47 =	vor.u32 v37, v35  }
0x1e1: {  	v54 =	vshll.u32 v50, $0x7;
	v39 =	vor.u32 v1, v43;
	v43 =	vor.u32 v1, v48;
	v51 =	vld.idx.msk [tilespmem:v53+s18+$0x0], $0xffff  }
0x1e2: {  	v48 =	vor.u32 v1, v33;
	v33 =	vor.u32 v25, v54;
	[tilespmem:v32+s31+$0x0] =	vst.idx.msk $0xffff, v45  }
0x1e3: {  	v59 =	vor.u32 s26, v17;
	v44 =	vor.u32 s25, v12;
	v54 =	vor.u32 v1, v31;
	[tilespmem:v62+s31+$0x0] =	vst.idx.msk $0xffff, v41;
	v62 =	vld.idx.msk [tilespmem:v52+s18+$0x0], $0xffff  }
0x1e4: {  	v31 =	vand.u32 $0x28, v59;
	v60 =	vand.u32 $0x38, v44;
	v37 =	vld.idx.msk [tilespmem:v30+s18+$0x0], $0xffff;
	v30 =	vor.u32 v13, v40  }
0x1e5: {  	v33 =	vor.u32 v1, v33;
	v53 =	vor.u32 v60, v30;
	v60 =	vshll.u32 v59, $0x7;
	v59 =	vld [tilespmem:$0x1FF30]  }
0x1e6: {  	v46 =	vld.idx.msk [tilespmem:v46+s18+$0x0], $0xffff;
	[tilespmem:v61+s31+$0x0] =	vst.idx.msk $0xffff, v51  }
0x1e7: {  	v51 =	vld.idx.msk [tilespmem:v57+s18+$0x0], $0xffff;
	_ =	sdelay $0x2  }
0x1e8: {  	[tilespmem:v33+s31+$0x0] =	vst.idx.msk $0xffff, v62  }
0x1e9: {  	[tilespmem:v39+s31+$0x0] =	vst.idx.msk $0xffff, v46  }
0x1ea: {  	[tilespmem:v63+s31+$0x0] =	vst.idx.msk $0xffff, v51  }
0x1eb: {  	[tilespmem:v59+s31+$0x0] =	vst.idx.msk $0xffff, v37  }
0x1ec: {  	v42 =	vshll.u32 v42, $0x7;
	v51 =	vld [tilespmem:$0x1FF40]  }
0x1ed: {  	v50 =	vor.u32 v25, v42;
	v56 =	vor.u32 s26, v18  }
0x1ee: {  	v49 =	vor.u32 v1, v50;
	v50 =	vor.u32 v31, v58;
	v34 =	vor.u32 v34, v30  }
0x1ef: {  	v31 =	vor.u32 v25, v60;
	v60 =	vshll.u32 v44, $0x7;
	v44 =	vor.u32 s25, v15;
	v36 =	vld.idx.msk [tilespmem:v36+s18+$0x0], $0xffff  }
0x1f0: {  	v62 =	vor.u32 s26, v19;
	v45 =	vor.u32 v1, v31;
	v31 =	vand.u32 $0x28, v56  }
0x1f1: {  	v61 =	vand.u32 $0x38, v44;
	v33 =	vshll.u32 v62, $0x7;
	v37 =	vor.u32 v25, v60  }
0x1f2: {  	v41 =	vor.u32 v31, v26;
	v31 =	vor.u32 v16, v40;
	v46 =	vld.idx.msk [tilespmem:v53+s18+$0x0], $0xffff;
	v37 =	vor.u32 v1, v37  }
0x1f3: {  	v52 =	vor.u32 v55, v31;
	v55 =	vor.u32 v61, v31;
	v61 =	vor.u32 v25, v33;
	v33 =	vld.idx.msk [tilespmem:v34+s18+$0x0], $0xffff  }
0x1f4: {  	v32 =	vshll.u32 v56, $0x7;
	v53 =	vld.idx.msk [tilespmem:v38+s18+$0x0], $0xffff;
	[tilespmem:v51+s31+$0x0] =	vst.idx.msk $0xffff, v36  }
0x1f5: {  	v32 =	vor.u32 v25, v32;
	v36 =	vld [tilespmem:$0x1FF50]  }
0x1f6: {  	v56 =	vor.u32 s26, v20;
	v39 =	vor.u32 v1, v61;
	v61 =	vor.u32 s26, v22  }
0x1f7: {  	v44 =	vshll.u32 v44, $0x7;
	v63 =	vand.u32 $0x28, v61;
	v60 =	vand.u32 $0x28, v62;
	[tilespmem:v37+s31+$0x0] =	vst.idx.msk $0xffff, v46  }
0x1f8: {  	v62 =	vand.u32 $0x28, v56;
	v56 =	vshll.u32 v56, $0x7;
	v59 =	vor.u32 s26, v21;
	[tilespmem:v43+s31+$0x0] =	vst.idx.msk $0xffff, v33  }
0x1f9: {  	v42 =	vor.u32 v60, v27;
	v34 =	vor.u32 v25, v56;
	v60 =	vand.u32 $0x28, v59;
	[tilespmem:v54+s31+$0x0] =	vst.idx.msk $0xffff, v53  }
0x1fa: {  	v37 =	vor.u32 v1, v34;
	v34 =	vshll.u32 v59, $0x7;
	v59 =	vshll.u32 v61, $0x7;
	v61 =	vld [tilespmem:$0x1FF60]  }
0x1fb: {  	v40 =	vor.u32 v1, v32;
	v32 =	vor.u32 v25, v44  }
0x1fc: {  	v56 =	vor.u32 v1, v32;
	v55 =	vld.idx.msk [tilespmem:v55+s18+$0x0], $0xffff  }
0x1fd: {  	v51 =	vld.idx.msk [tilespmem:v36+s18+$0x0], $0xffff;
	_ =	sdelay $0x3  }
0x1fe: {  	[tilespmem:v56+s31+$0x0] =	vst.idx.msk $0xffff, v55  }
0x1ff: {  	v44 =	vor.u32 s25, v14;
	[tilespmem:v61+s31+$0x0] =	vst.idx.msk $0xffff, v51  }
0x200: {  	v57 =	vand.u32 $0x38, v44;
	v36 =	vor.u32 v60, v29;
	v60 =	vshll.u32 v44, $0x7;
	v44 =	vld [tilespmem:$0x1FF70];
	_ =	sdelay $0x1  }
0x201: {  	v46 =	vor.u32 v57, v35;
	_ =	sdelay $0x1  }
0x202: {  	v38 =	vor.u32 v62, v28;
	v43 =	vor.u32 s26, v23;
	v53 =	vor.u32 s25, v17;
	v52 =	vld.idx.msk [tilespmem:v52+s18+$0x0], $0xffff  }
0x203: {  	v62 =	vor.u32 v25, v34;
	v34 =	vor.u32 v63, v30;
	v32 =	vor.u32 v25, v59  }
0x204: {  	v63 =	vand.u32 $0x38, v53;
	v35 =	vor.u32 v1, v62;
	v33 =	vor.u32 v25, v60  }
0x205: {  	v32 =	vor.u32 v1, v32;
	v62 =	vand.u32 $0x28, v43;
	v54 =	vld.idx.msk [tilespmem:v46+s18+$0x0], $0xffff;
	v55 =	vor.u32 v1, v33  }
0x206: {  	s28 =	simm.s32 $0x10;
	s1 =	simm.s32 $0x40;
	s26 =	simm.s32 $0x2;
	v46 =	vshll.u32 v43, $0x7;
	v33 =	vor.u32 v62, v31;
	v51 =	vld.idx.msk [tilespmem:v44+s18+$0x0], $0xffff;
	v44 =	vor.u32 v63, v58  }
.LBB2_9:
0x207: {  	s5 =	sand.u32 $0x70, s28;
	s0 =	sand.u32 $0x20, s1;
	s26 =	sadd.s32 $0x2, s26;
	[tilespmem:v48+s31+$0x0] =	vst.idx.msk $0xffff, v52;
	v48 =	vor.u32 v1, v24;
	v24 =	vor.u32 v25, v46  }
0x208: {  	v52 =	vor.u32 s5, v0;
	v56 =	vor.u32 s0, v0;
	v57 =	vor.u32 s0, v2;
	s5 =	sor.u32 $0x10, s0;
	p0 =	slt.u32 s26, $0x1E;
	v47 =	vld.idx.msk [tilespmem:v47+s18+$0x0], $0xffff  }
0x209: {  	v58 =	vand.u32 $0x28, v56;
	v46 =	vshll.u32 v52, $0x6;
	v59 =	vor.u32 s5, v0  }
0x20a: {  	v53 =	vshll.u32 v53, $0x7;
	v43 =	vor.u32 v1, v46;
	v60 =	vand.u32 $0x38, v59;
	[tilespmem:v55+s31+$0x0] =	vst.idx.msk $0xffff, v54  }
0x20b: {  	v54 =	vor.u32 v60, v43;
	v55 =	vld.idx.msk [tilespmem:v44+s18+$0x0], $0xffff;
	v44 =	vor.u32 v25, v53;
	v53 =	vor.u32 s25, v18  }
0x20c: {  	v58 =	vor.u32 v58, v43;
	v60 =	vor.u32 v1, v44;
	v44 =	vand.u32 $0x38, v53;
	[tilespmem:v48+s31+$0x0] =	vst.idx.msk $0xffff, v51  }
0x20d: {  	v48 =	vshll.u32 v56, $0x7;
	v56 =	vand.u32 $0x28, v57;
	v26 =	vor.u32 v44, v26  }
0x20e: {  	v61 =	vor.u32 s0, v4;
	v62 =	vor.u32 s0, v6;
	v57 =	vshll.u32 v57, $0x7;
	[tilespmem:v49+s31+$0x0] =	vst.idx.msk $0xffff, v47  }
0x20f: {  	v51 =	vand.u32 $0x78, v52;
	v44 =	vshll.u32 v59, $0x7;
	v47 =	vand.u32 $0x28, v61;
	v49 =	vld.idx.msk [tilespmem:v50+s18+$0x0], $0xffff  }
0x210: {  	v53 =	vshll.u32 v53, $0x7;
	v52 =	vor.u32 v51, v44;
	v50 =	vld.idx.msk [tilespmem:v54+s18+$0x0], $0xffff;
	v54 =	vor.u32 s5, v2  }
0x211: {  	v44 =	vor.u32 v3, v46;
	v52 =	vor.u32 v1, v52;
	v59 =	vand.u32 $0x38, v54;
	[tilespmem:v60+s31+$0x0] =	vst.idx.msk $0xffff, v55  }
0x212: {  	v55 =	vor.u32 v59, v44;
	v59 =	vld.idx.msk [tilespmem:v26+s18+$0x0], $0xffff;
	v26 =	vor.u32 v25, v53;
	v53 =	vor.u32 s25, v19  }
0x213: {  	v48 =	vor.u32 v51, v48;
	v58 =	vld.idx.msk [tilespmem:v58+s18+$0x0], $0xffff;
	v60 =	vor.u32 v1, v26;
	v26 =	vand.u32 $0x38, v53  }
0x214: {  	v48 =	vor.u32 v1, v48;
	v56 =	vor.u32 v56, v44;
	v27 =	vor.u32 v26, v27  }
0x215: {  	v26 =	vor.u32 v51, v57;
	v57 =	vshll.u32 v61, $0x7;
	v61 =	vand.u32 $0x28, v62;
	[tilespmem:v45+s31+$0x0] =	vst.idx.msk $0xffff, v49  }
0x216: {  	v45 =	vor.u32 v1, v26;
	v49 =	vor.u32 v51, v57;
	v26 =	vshll.u32 v54, $0x7;
	[tilespmem:v52+s31+$0x0] =	vst.idx.msk $0xffff, v50  }
0x217: {  	v53 =	vshll.u32 v53, $0x7;
	v54 =	vor.u32 s5, v4;
	v52 =	vor.u32 v51, v26;
	v50 =	vld.idx.msk [tilespmem:v55+s18+$0x0], $0xffff  }
0x218: {  	v26 =	vor.u32 v5, v46;
	v52 =	vor.u32 v1, v52;
	v55 =	vand.u32 $0x38, v54;
	[tilespmem:v60+s31+$0x0] =	vst.idx.msk $0xffff, v59  }
0x219: {  	v55 =	vor.u32 v55, v26;
	v57 =	vld.idx.msk [tilespmem:v27+s18+$0x0], $0xffff;
	v27 =	vor.u32 v25, v53;
	v53 =	vor.u32 s25, v20  }
0x21a: {  	v47 =	vor.u32 v47, v26;
	[tilespmem:v48+s31+$0x0] =	vst.idx.msk $0xffff, v58;
	v48 =	vor.u32 v1, v27;
	v27 =	vand.u32 $0x38, v53  }
0x21b: {  	v49 =	vor.u32 v1, v49;
	v58 =	vshll.u32 v62, $0x7;
	v56 =	vld.idx.msk [tilespmem:v56+s18+$0x0], $0xffff;
	v28 =	vor.u32 v27, v28  }
0x21c: {  	v59 =	vor.u32 s0, v10;
	v27 =	vor.u32 v51, v58;
	v58 =	vor.u32 s0, v8;
	v41 =	vld.idx.msk [tilespmem:v41+s18+$0x0], $0xffff  }
0x21d: {  	v60 =	vor.u32 v1, v27;
	v62 =	vand.u32 $0x28, v58;
	v27 =	vshll.u32 v54, $0x7;
	[tilespmem:v52+s31+$0x0] =	vst.idx.msk $0xffff, v50  }
0x21e: {  	v53 =	vshll.u32 v53, $0x7;
	v54 =	vor.u32 s5, v6;
	v52 =	vor.u32 v51, v27;
	v50 =	vld.idx.msk [tilespmem:v55+s18+$0x0], $0xffff  }
0x21f: {  	v27 =	vor.u32 v7, v46;
	v52 =	vor.u32 v1, v52;
	v55 =	vand.u32 $0x38, v54;
	[tilespmem:v48+s31+$0x0] =	vst.idx.msk $0xffff, v57  }
0x220: {  	v48 =	vor.u32 v55, v27;
	v55 =	vld.idx.msk [tilespmem:v28+s18+$0x0], $0xffff;
	v28 =	vor.u32 v25, v53;
	v53 =	vor.u32 s25, v21  }
0x221: {  	[tilespmem:v45+s31+$0x0] =	vst.idx.msk $0xffff, v56;
	v45 =	vor.u32 v61, v27;
	v56 =	vor.u32 v1, v28;
	v28 =	vand.u32 $0x38, v53  }
0x222: {  	v57 =	vshll.u32 v58, $0x7;
	v58 =	vand.u32 $0x28, v59;
	v47 =	vld.idx.msk [tilespmem:v47+s18+$0x0], $0xffff;
	[tilespmem:v40+s31+$0x0] =	vst.idx.msk $0xffff, v41;
	v29 =	vor.u32 v28, v29  }
0x223: {  	v28 =	vor.u32 v51, v57;
	v40 =	vshll.u32 v59, $0x7;
	v41 =	vor.u32 s0, v12;
	v42 =	vld.idx.msk [tilespmem:v42+s18+$0x0], $0xffff  }
0x224: {  	v57 =	vor.u32 v1, v28;
	v40 =	vor.u32 v51, v40;
	v28 =	vshll.u32 v54, $0x7;
	[tilespmem:v52+s31+$0x0] =	vst.idx.msk $0xffff, v50  }
0x225: {  	v53 =	vshll.u32 v53, $0x7;
	v50 =	vor.u32 v51, v28;
	v52 =	vor.u32 s5, v8;
	v48 =	vld.idx.msk [tilespmem:v48+s18+$0x0], $0xffff  }
0x226: {  	v28 =	vor.u32 v9, v46;
	v50 =	vor.u32 v1, v50;
	v54 =	vand.u32 $0x38, v52;
	[tilespmem:v56+s31+$0x0] =	vst.idx.msk $0xffff, v55  }
0x227: {  	v54 =	vor.u32 v54, v28;
	v55 =	vld.idx.msk [tilespmem:v29+s18+$0x0], $0xffff;
	v29 =	vor.u32 v25, v53;
	v53 =	vor.u32 s25, v22  }
0x228: {  	[tilespmem:v49+s31+$0x0] =	vst.idx.msk $0xffff, v47;
	v47 =	vor.u32 v62, v28;
	v49 =	vor.u32 v1, v29;
	v29 =	vand.u32 $0x38, v53  }
0x229: {  	v40 =	vor.u32 v1, v40;
	v56 =	vand.u32 $0x28, v41;
	v45 =	vld.idx.msk [tilespmem:v45+s18+$0x0], $0xffff;
	v30 =	vor.u32 v29, v30  }
0x22a: {  	v59 =	vor.u32 s0, v14;
	v29 =	vshll.u32 v41, $0x7;
	v41 =	vor.u32 s0, v15;
	[tilespmem:v39+s31+$0x0] =	vst.idx.msk $0xffff, v42  }
0x22b: {  	v39 =	vor.u32 v51, v29;
	v42 =	vand.u32 $0x28, v41;
	v29 =	vshll.u32 v52, $0x7;
	[tilespmem:v50+s31+$0x0] =	vst.idx.msk $0xffff, v48;
	v38 =	vld.idx.msk [tilespmem:v38+s18+$0x0], $0xffff  }
0x22c: {  	v53 =	vshll.u32 v53, $0x7;
	v52 =	vor.u32 s5, v10;
	v48 =	vor.u32 v51, v29;
	v50 =	vld.idx.msk [tilespmem:v54+s18+$0x0], $0xffff  }
0x22d: {  	v29 =	vor.u32 v11, v46;
	v54 =	vor.u32 v1, v48;
	v48 =	vand.u32 $0x38, v52;
	[tilespmem:v49+s31+$0x0] =	vst.idx.msk $0xffff, v55  }
0x22e: {  	v49 =	vor.u32 v48, v29;
	v55 =	vld.idx.msk [tilespmem:v30+s18+$0x0], $0xffff;
	v30 =	vor.u32 v25, v53;
	v53 =	vor.u32 s25, v23;
	s25 =	smov.u32 s5  }
0x22f: {  	[tilespmem:v60+s31+$0x0] =	vst.idx.msk $0xffff, v45;
	v45 =	vor.u32 v58, v29;
	v58 =	vor.u32 v1, v30;
	v30 =	vand.u32 $0x38, v53  }
0x230: {  	v61 =	vor.u32 v1, v39;
	v39 =	vshll.u32 v41, $0x7;
	v60 =	vld.idx.msk [tilespmem:v47+s18+$0x0], $0xffff;
	v31 =	vor.u32 v30, v31  }
0x231: {  	v41 =	vshll.u32 v59, $0x7;
	v30 =	vor.u32 v51, v39;
	v39 =	vand.u32 $0x28, v59;
	[tilespmem:v37+s31+$0x0] =	vst.idx.msk $0xffff, v38  }
0x232: {  	v48 =	vor.u32 v1, v30;
	v47 =	vor.u32 v39, v43;
	v30 =	vshll.u32 v52, $0x7;
	[tilespmem:v54+s31+$0x0] =	vst.idx.msk $0xffff, v50  }
0x233: {  	v39 =	vor.u32 s25, v12;
	v38 =	vor.u32 v51, v30;
	v37 =	vld.idx.msk [tilespmem:v49+s18+$0x0], $0xffff;
	v49 =	vshll.u32 v53, $0x7  }
0x234: {  	v30 =	vor.u32 v13, v46;
	v50 =	vand.u32 $0x38, v39;
	v38 =	vor.u32 v1, v38;
	[tilespmem:v58+s31+$0x0] =	vst.idx.msk $0xffff, v55  }
0x235: {  	v52 =	vor.u32 v56, v30;
	v53 =	vor.u32 v50, v30;
	v50 =	vor.u32 v25, v49;
	v54 =	vld.idx.msk [tilespmem:v31+s18+$0x0], $0xffff  }
0x236: {  	v31 =	vor.u32 v51, v41;
	v41 =	vor.u32 s0, v17;
	v55 =	vor.u32 v1, v50;
	[tilespmem:v57+s31+$0x0] =	vst.idx.msk $0xffff, v60  }
0x237: {  	v25 =	vmovc v51;
	v49 =	vor.u32 v1, v31;
	v31 =	vand.u32 $0x28, v41;
	v41 =	vshll.u32 v41, $0x7;
	v56 =	vld.idx.msk [tilespmem:v45+s18+$0x0], $0xffff  }
0x238: {  	v51 =	vor.u32 s0, v18;
	v50 =	vor.u32 v31, v44;
	v31 =	vor.u32 v25, v41;
	v36 =	vld.idx.msk [tilespmem:v36+s18+$0x0], $0xffff  }
0x239: {  	v45 =	vor.u32 v1, v31;
	v31 =	vand.u32 $0x28, v51;
	[tilespmem:v38+s31+$0x0] =	vst.idx.msk $0xffff, v37;
	v37 =	vshll.u32 v39, $0x7  }
0x23a: {  	v57 =	vor.u32 s25, v15;
	v41 =	vor.u32 v31, v26;
	v53 =	vld.idx.msk [tilespmem:v53+s18+$0x0], $0xffff;
	v37 =	vor.u32 v25, v37  }
0x23b: {  	v31 =	vor.u32 v16, v46;
	v38 =	vand.u32 $0x38, v57;
	v37 =	vor.u32 v1, v37;
	[tilespmem:v55+s31+$0x0] =	vst.idx.msk $0xffff, v54  }
0x23c: {  	v39 =	vshll.u32 v51, $0x7;
	v46 =	vor.u32 v42, v31;
	v51 =	vor.u32 v38, v31  }
0x23d: {  	v38 =	vor.u32 v25, v39;
	v39 =	vor.u32 s0, v19;
	v54 =	vor.u32 s0, v20;
	[tilespmem:v40+s31+$0x0] =	vst.idx.msk $0xffff, v56  }
0x23e: {  	v40 =	vor.u32 v1, v38;
	v38 =	vand.u32 $0x28, v39;
	v39 =	vshll.u32 v39, $0x7;
	v52 =	vld.idx.msk [tilespmem:v52+s18+$0x0], $0xffff;
	[tilespmem:v35+s31+$0x0] =	vst.idx.msk $0xffff, v36  }
0x23f: {  	v42 =	vor.u32 v38, v27;
	v35 =	vor.u32 v25, v39;
	v36 =	vand.u32 $0x28, v54;
	v55 =	vld.idx.msk [tilespmem:v34+s18+$0x0], $0xffff  }
0x240: {  	v39 =	vor.u32 v1, v35;
	v38 =	vor.u32 v36, v28;
	v34 =	vshll.u32 v57, $0x7;
	[tilespmem:v37+s31+$0x0] =	vst.idx.msk $0xffff, v53  }
0x241: {  	v35 =	vshll.u32 v54, $0x7;
	v34 =	vor.u32 v25, v34;
	v53 =	vor.u32 s25, v14;
	v51 =	vld.idx.msk [tilespmem:v51+s18+$0x0], $0xffff  }
0x242: {  	v35 =	vor.u32 v25, v35;
	v54 =	vor.u32 v1, v34;
	v34 =	vand.u32 $0x38, v53  }
0x243: {  	v37 =	vor.u32 v1, v35;
	v35 =	vor.u32 s0, v21;
	v43 =	vor.u32 v34, v43  }
0x244: {  	v56 =	vor.u32 s0, v22;
	v34 =	vand.u32 $0x28, v35;
	v35 =	vshll.u32 v35, $0x7;
	[tilespmem:v61+s31+$0x0] =	vst.idx.msk $0xffff, v52  }
0x245: {  	v36 =	vor.u32 v34, v29;
	v34 =	vor.u32 v25, v35;
	v52 =	vld.idx.msk [tilespmem:v46+s18+$0x0], $0xffff;
	v46 =	vand.u32 $0x28, v56  }
.Ltmp4:
0x246: {  	v35 =	vor.u32 v1, v34;
	v34 =	vor.u32 v46, v30;
	v46 =	vshll.u32 v56, $0x7;
	[tilespmem:v32+s31+$0x0] =	vst.idx.msk $0xffff, v55;
	(pc) =	sbr.rel @p0 .LBB2_9-.Ltmp4, $4  }
0x247: {  	v53 =	vshll.u32 v53, $0x7;
	v32 =	vor.u32 v25, v46;
	v46 =	vor.u32 s0, v23;
	[tilespmem:v54+s31+$0x0] =	vst.idx.msk $0xffff, v51;
	v51 =	vld.idx.msk [tilespmem:v33+s18+$0x0], $0xffff  }
0x248: {  	v33 =	vor.u32 v25, v53;
	v53 =	vor.u32 s25, v17;
	v32 =	vor.u32 v1, v32;
	v54 =	vld.idx.msk [tilespmem:v43+s18+$0x0], $0xffff  }
0x249: {  	v43 =	vand.u32 $0x28, v46;
	v55 =	vor.u32 v1, v33;
	v56 =	vand.u32 $0x38, v53  }
0x24a: {  	s28 =	sadd.s32 $0x8, s28;
	s1 =	sadd.s32 $0x20, s1;
	v46 =	vshll.u32 v46, $0x7;
	v33 =	vor.u32 v43, v31;
	v44 =	vor.u32 v56, v44  }
0x24b: {  	_ =	sdelay $0x3  }
0x24c: {  	[tilespmem:v48+s31+$0x0] =	vst.idx.msk $0xffff, v52  }
0x24d: {  	v43 =	vld.idx.msk [tilespmem:v47+s18+$0x0], $0xffff;
	_ =	sdelay $0x2  }
0x24e: {  	v62 =	vshll.u32 v53, $0x7  }
0x24f: {  	v63 =	vor.u32 s25, v18;
	v47 =	vor.u32 v25, v62;
	[tilespmem:v55+s31+$0x0] =	vst.idx.msk $0xffff, v54  }
0x250: {  	v56 =	vand.u32 $0x38, v63;
	v47 =	vor.u32 v1, v47;
	v44 =	vld.idx.msk [tilespmem:v44+s18+$0x0], $0xffff;
	[tilespmem:v49+s31+$0x0] =	vst.idx.msk $0xffff, v43  }
0x251: {  	v26 =	vor.u32 v56, v26;
	v43 =	vld.idx.msk [tilespmem:v50+s18+$0x0], $0xffff;
	_ =	sdelay $0x2  }
0x252: {  	v48 =	vshll.u32 v63, $0x7  }
0x253: {  	v58 =	vor.u32 s25, v19;
	v57 =	vor.u32 v25, v48;
	[tilespmem:v47+s31+$0x0] =	vst.idx.msk $0xffff, v44  }
0x254: {  	v59 =	vand.u32 $0x38, v58;
	v44 =	vor.u32 v1, v57;
	v26 =	vld.idx.msk [tilespmem:v26+s18+$0x0], $0xffff;
	[tilespmem:v45+s31+$0x0] =	vst.idx.msk $0xffff, v43  }
0x255: {  	v27 =	vor.u32 v59, v27;
	v41 =	vld.idx.msk [tilespmem:v41+s18+$0x0], $0xffff;
	_ =	sdelay $0x2  }
0x256: {  	v60 =	vshll.u32 v58, $0x7  }
0x257: {  	v62 =	vor.u32 s25, v20;
	v61 =	vor.u32 v25, v60;
	[tilespmem:v44+s31+$0x0] =	vst.idx.msk $0xffff, v26  }
0x258: {  	v63 =	vand.u32 $0x38, v62;
	v26 =	vor.u32 v1, v61;
	v27 =	vld.idx.msk [tilespmem:v27+s18+$0x0], $0xffff;
	[tilespmem:v40+s31+$0x0] =	vst.idx.msk $0xffff, v41  }
0x259: {  	v28 =	vor.u32 v63, v28;
	v40 =	vld.idx.msk [tilespmem:v42+s18+$0x0], $0xffff;
	_ =	sdelay $0x2  }
0x25a: {  	v48 =	vshll.u32 v62, $0x7  }
0x25b: {  	v49 =	vor.u32 v25, v48;
	v50 =	vor.u32 s25, v21;
	[tilespmem:v26+s31+$0x0] =	vst.idx.msk $0xffff, v27  }
0x25c: {  	v52 =	vand.u32 $0x38, v50;
	v26 =	vor.u32 v1, v49;
	v28 =	vld.idx.msk [tilespmem:v28+s18+$0x0], $0xffff;
	[tilespmem:v39+s31+$0x0] =	vst.idx.msk $0xffff, v40  }
0x25d: {  	v29 =	vor.u32 v52, v29;
	v38 =	vld.idx.msk [tilespmem:v38+s18+$0x0], $0xffff;
	_ =	sdelay $0x2  }
0x25e: {  	v27 =	vshll.u32 v50, $0x7  }
0x25f: {  	v54 =	vor.u32 s25, v22;
	v53 =	vor.u32 v25, v27;
	[tilespmem:v26+s31+$0x0] =	vst.idx.msk $0xffff, v28  }
0x260: {  	v55 =	vand.u32 $0x38, v54;
	v26 =	vor.u32 v1, v53;
	v28 =	vld.idx.msk [tilespmem:v29+s18+$0x0], $0xffff;
	[tilespmem:v37+s31+$0x0] =	vst.idx.msk $0xffff, v38  }
0x261: {  	v29 =	vor.u32 v55, v30;
	v56 =	vld.idx.msk [tilespmem:v36+s18+$0x0], $0xffff;
	_ =	sdelay $0x2  }
0x262: {  	v27 =	vshll.u32 v54, $0x7  }
0x263: {  	v58 =	vor.u32 s25, v23;
	v57 =	vor.u32 v25, v27;
	[tilespmem:v26+s31+$0x0] =	vst.idx.msk $0xffff, v28  }
0x264: {  	v59 =	vand.u32 $0x38, v58;
	v26 =	vor.u32 v1, v57;
	v28 =	vld.idx.msk [tilespmem:v29+s18+$0x0], $0xffff;
	[tilespmem:v35+s31+$0x0] =	vst.idx.msk $0xffff, v56  }
0x265: {  	v29 =	vor.u32 v59, v31;
	v30 =	vld.idx.msk [tilespmem:v34+s18+$0x0], $0xffff;
	_ =	sdelay $0x2  }
0x266: {  	v27 =	vshll.u32 v58, $0x7  }
0x267: {  	v24 =	vor.u32 v1, v24;
	v60 =	vor.u32 v25, v27;
	[tilespmem:v26+s31+$0x0] =	vst.idx.msk $0xffff, v28  }
0x268: {  	v61 =	vor.u32 v25, v46;
	v26 =	vor.u32 v1, v60;
	v62 =	vld.idx.msk [tilespmem:v29+s18+$0x0], $0xffff;
	[tilespmem:v32+s31+$0x0] =	vst.idx.msk $0xffff, v30  }
0x269: {  	v25 =	vor.u32 v1, v61;
	v63 =	vld.idx.msk [tilespmem:v33+s18+$0x0], $0xffff;
	_ =	sdelay $0x1  }
0x26a: {  	s0 =	sshll.u32 s24, $0x12  }
0x26b: {  	s0 =	sor.u32 s6, s0;
	[tilespmem:v24+s31+$0x0] =	vst.idx.msk $0xffff, v51  }
0x26c: {  	s0 =	sshrl.u32 s0, $0x3;
	[tilespmem:v26+s31+$0x0] =	vst.idx.msk $0xffff, v62  }
0x26d: {  	s1 =	sadd.s32 s2, s0;
	[tilespmem:v25+s31+$0x0] =	vst.idx.msk $0xffff, v63  }
0x26e: {  	[hbm4b:s1+s3] =	stream.linear.scatter [tilespmem:s31], [sflag:$0x4], $0x400, $0x38;
	[tilespmem:$0x9900] =	vst v63  }
0x26f: {  	s5 =	simm.s32 $0x7D00;
	s25 =	sadd.s32 s0, s7  }
0x270: {  	[hbm4b:s25+s3] =	stream.linear.scatter [tilespmem:s5], [sflag:$0x4], $0x400, $0x38;
	[tilespmem:$0x9900] =	vst v63  }
0x271: {  	s28 =	simm.s32 $0x8100;
	s26 =	sadd.s32 s0, s8  }
0x272: {  	[hbm4b:s26+s3] =	stream.linear.scatter [tilespmem:s28], [sflag:$0x4], $0x400, $0x38;
	[tilespmem:$0x9900] =	vst v63  }
0x273: {  	s24 =	simm.s32 $0x8500;
	s5 =	sadd.s32 s0, s9  }
0x274: {  	[hbm4b:s5+s3] =	stream.linear.scatter [tilespmem:s24], [sflag:$0x4], $0x400, $0x38;
	[tilespmem:$0x9900] =	vst v63  }
0x275: {  	s23 =	sadd.s32 $0x1, s23;
	s25 =	sadd.s32 s0, s10  }
0x276: {  	[hbm4b:s25+s3] =	stream.linear.scatter [tilespmem:s14], [sflag:$0x4], $0x400, $0x38;
	[tilespmem:$0x9900] =	vst v63  }
0x277: {  	p0 =	sne.s32 s23, $0x19;
	s26 =	sadd.s32 s0, s11  }
0x278: {  	[hbm4b:s26+s3] =	stream.linear.scatter [tilespmem:s15], [sflag:$0x4], $0x400, $0x38;
	[tilespmem:$0x9900] =	vst v63  }
.Ltmp5:
0x279: {  	_ = 	snop;
	(pc) =	sbr.rel @p0 .LBB2_2-.Ltmp5, $4  }
0x27a: {  	s28 =	sadd.s32 s0, s12  }
0x27b: {  	[hbm4b:s28+s3] =	stream.linear.scatter [tilespmem:s21], [sflag:$0x4], $0x400, $0x38;
	[tilespmem:$0x9900] =	vst v63  }
0x27c: {  	s0 =	sadd.s32 s0, s13  }
0x27d: {  	[hbm4b:s0+s3] =	stream.linear.scatter [tilespmem:s22], [sflag:$0x4], $0x400, $0x38;
	[tilespmem:$0x9900] =	vst v63  }
0x27e: {  	s0 =	simm.s32 $0x3  }
0x27f: {  	_ =	swait.ge [sflag:s0], $0x400  }
0x280: {  	[sflag:s0] =	ssyncset.done $0x0  }
0x281: {  	[sflag:s0] =	ssyncadd.s32 $0xFFFFFC00  }
0x282: {  	_ =	swait.ge [sflag:s0], $0x400  }
0x283: {  	[sflag:s0] =	ssyncset.done $0x0  }
0x284: {  	[sflag:s0] =	ssyncadd.s32 $0xFFFFFC00  }
0x285: {  	_ =	swait.ge [sflag:s0], $0x400  }
0x286: {  	[sflag:s0] =	ssyncset.done $0x0  }
0x287: {  	[sflag:s0] =	ssyncadd.s32 $0xFFFFFC00  }
0x288: {  	_ =	swait.ge [sflag:s0], $0x400  }
0x289: {  	[sflag:s0] =	ssyncset.done $0x0  }
0x28a: {  	[sflag:s0] =	ssyncadd.s32 $0xFFFFFC00  }
0x28b: {  	_ =	swait.ge [sflag:s0], $0x400  }
0x28c: {  	[sflag:s0] =	ssyncset.done $0x0  }
0x28d: {  	[sflag:s0] =	ssyncadd.s32 $0xFFFFFC00  }
0x28e: {  	_ =	swait.ge [sflag:s0], $0x400  }
0x28f: {  	[sflag:s0] =	ssyncset.done $0x0  }
0x290: {  	[sflag:s0] =	ssyncadd.s32 $0xFFFFFC00  }
0x291: {  	_ =	swait.ge [sflag:s0], $0x400  }
0x292: {  	[sflag:s0] =	ssyncset.done $0x0  }
0x293: {  	[sflag:s0] =	ssyncadd.s32 $0xFFFFFC00  }
0x294: {  	_ =	swait.ge [sflag:s0], $0x400  }
0x295: {  	[sflag:s0] =	ssyncset.done $0x0  }
0x296: {  	[sflag:s0] =	ssyncadd.s32 $0xFFFFFC00  }
0x297: {  	_ =	swait.ge [sflag:s30], $0x400  }
0x298: {  	[sflag:s30] =	ssyncset.done $0x0  }
0x299: {  	[sflag:s30] =	ssyncadd.s32 $0xFFFFFC00  }
0x29a: {  	_ =	swait.ge [sflag:s30], $0x400  }
0x29b: {  	[sflag:s30] =	ssyncset.done $0x0  }
0x29c: {  	[sflag:s30] =	ssyncadd.s32 $0xFFFFFC00  }
0x29d: {  	_ =	swait.ge [sflag:s30], $0x400  }
0x29e: {  	[sflag:s30] =	ssyncset.done $0x0  }
0x29f: {  	[sflag:s30] =	ssyncadd.s32 $0xFFFFFC00  }
0x2a0: {  	_ =	swait.ge [sflag:s30], $0x400  }
0x2a1: {  	[sflag:s30] =	ssyncset.done $0x0  }
0x2a2: {  	[sflag:s30] =	ssyncadd.s32 $0xFFFFFC00  }
0x2a3: {  	_ =	swait.ge [sflag:s30], $0x400  }
0x2a4: {  	[sflag:s30] =	ssyncset.done $0x0  }
0x2a5: {  	[sflag:s30] =	ssyncadd.s32 $0xFFFFFC00  }
0x2a6: {  	_ =	swait.ge [sflag:s30], $0x400  }
0x2a7: {  	[sflag:s30] =	ssyncset.done $0x0  }
0x2a8: {  	[sflag:s30] =	ssyncadd.s32 $0xFFFFFC00  }
0x2a9: {  	_ =	swait.ge [sflag:s30], $0x400  }
0x2aa: {  	[sflag:s30] =	ssyncset.done $0x0  }
0x2ab: {  	[sflag:s30] =	ssyncadd.s32 $0xFFFFFC00  }
0x2ac: {  	_ =	swait.ge [sflag:s30], $0x400  }
0x2ad: {  	s1 =	rddreg [dreg:$0x5]  }
0x2ae: {  	s28 =	rddreg [dreg:$0x4];
	s1 =	sadd.s32 $0x1, s1  }
0x2af: {  	p0 =	sne.s32 s1, s28  }
.Ltmp6:
0x2b0: {  	_ = 	snop;
	(pc) =	sbr.rel @p0 .LBB2_1-.Ltmp6, $3  }
0x2b1: {  	_ =	sdelay $0x1  }
0x2b2: {  	[sflag:s30] =	ssyncset.done $0x0  }
0x2b3: {  	[sflag:s30] =	ssyncadd.s32 $0xFFFFFC00  }
0x2b4: {  	_ =	sfence.sel $0x180000  }
0x2b5: {  	[bflag:$0x0] =	sbarrier.arrive $0xFFFF  }
0x2b6: {  	_ =	strace $0x90000047  }
0x2b7: {  	s0 =	stileid.u32;
	[bflag:$0x2] =	sbarrier.arrive $0xFFFF  }
0x2b8: {  	p0 =	sne.s32 s0, $0x0;
	s0 =	rddreg [dreg:$0x2]  }
0x2b9: {  	s0 =	sadd.s32 @!p0 $0x100000, s0  }
0x2ba: {  	[sflag:s0] =	ssyncadd.tile.s32 @!p0 $0x1;
	_ =	shalt  }
.Lfunc_end2:
_tile_overlayer_lowered:
.L_overlay_start_2:
0x2bb: {  	(tag) =	ssettag $0x2  }
0x2bc: {  	s0 =	rddreg [dreg:$0x0];
	s2 =	stileid.u32  }
0x2bd: {  	s1 =	rddreg [dreg:$0x1];
	p0 =	sne.s32 s2, $0x0  }
0x2be: {  	s3 =	rddreg [dreg:$0x2];
	[bflag:$0x3] =	sbarrier.arrive $0xFFFF;
	s2 =	simm.s32 @!p0 $0x1C05  }
0x2bf: {  	[timem:s3], [sflag:s2] =	dma.local @!p0 [hbm:s0], s1  }
0x2c0: {  	s0 =	simm.s32 @!p0 $0x5  }
0x2c1: {  	_ =	swait.ge @!p0 [sflag:s0], s1  }
0x2c2: {  	s1 =	ssub.s32 @!p0 $0x0, s1;
	[sflag:s0] =	ssyncset.done @!p0 $0x0  }
0x2c3: {  	[sflag:s0] =	ssyncadd.s32 @!p0 s1  }
0x2c4: {  	[bflag:$0x3] =	sbarrier.arrive $0xFFFF  }
0x2c5: {  	_ =	shalt  }

</sc_bundles>
